<compile_context>
chip_gen: v7x
topology: tpu7x:2x2x1
jax: 0.10.2.dev20260603
libtpu: 0.0.44.dev20260713+nightly
codegen_flags: <defaults>
</compile_context>

<pallas_src>
import functools

import jax
import jax.numpy as jnp
from jax import lax
from jax.experimental import pallas as pl
from jax.experimental.pallas import tpu as pltpu
from jax.experimental.pallas import tpu_sc as plsc

N = 10000
E = 320000
D = 128
N_PAD = 10240
NC = 2
NS = 16
NW = NC * NS
L = 16
GRAPHS = 64

LAN = 128
CHT = 80
EPT = CHT * LAN
EPAD = EPT * NW
HALVES = 2
CH_HALF = CHT // HALVES
ROWS_PER_TILE = N_PAD // NW
ROWS_PER_SUB = N_PAD // NS

_mesh = plsc.VectorSubcoreMesh(core_axis_name="c", subcore_axis_name="s")


@functools.partial(
    pl.kernel,
    out_type=jax.ShapeDtypeStruct((N_PAD, D), jnp.float32),
    mesh=_mesh,
    scratch_types=[
        pltpu.VMEM((5, 64), jnp.int32),
        pltpu.VMEM((5, 64), jnp.int32),
        pltpu.VMEM((5, 64), jnp.int32),
        pltpu.VMEM((64, D), jnp.float32),
        pltpu.VMEM((64, D), jnp.float32),
        pltpu.VMEM((64, D), jnp.float32),
        pltpu.SemaphoreType.DMA,
    ],
)
def _sc_embed(sid2, cid2, pid2, semb, cemb, pemb, x_out,
              si_v, ci_v, pi_v, a_v, b_v, c_v, sem):
    cid = lax.axis_index("c")
    sid = lax.axis_index("s")
    wid = sid * NC + cid
    nb = wid * ROWS_PER_TILE
    pltpu.sync_copy(sid2.at[wid], si_v)
    pltpu.sync_copy(cid2.at[wid], ci_v)
    pltpu.sync_copy(pid2.at[wid], pi_v)

    @pl.loop(0, 5)
    def _chunk(k):
        cp1 = pltpu.async_copy(semb.at[si_v.at[k]], a_v, sem)
        cp2 = pltpu.async_copy(cemb.at[ci_v.at[k]], b_v, sem)
        cp3 = pltpu.async_copy(pemb.at[pi_v.at[k]], c_v, sem)
        cp1.wait()
        cp2.wait()
        cp3.wait()

        @pl.loop(0, 64)
        def _row(r):
            for c8 in range(D // L):
                sl = pl.ds(c8 * L, L)
                a_v[r, sl] = a_v[r, sl] + b_v[r, sl] + c_v[r, sl]

        pltpu.sync_copy(a_v, x_out.at[pl.ds(nb + k * 64, 64)])


def _make_sc_agg(with_cnt):
    outs = [jax.ShapeDtypeStruct((N_PAD, D), jnp.float32),
            jax.ShapeDtypeStruct((N_PAD, D), jnp.float32)]
    scratch = [
        pltpu.VMEM((CH_HALF, LAN), jnp.int32),
        pltpu.VMEM((CH_HALF, LAN), jnp.int32),
        pltpu.VMEM((LAN, D), jnp.float32),
        pltpu.VMEM((LAN, D), jnp.float32),
        pltpu.VMEM_SHARED((N_PAD, D), jnp.float32),
        pltpu.SemaphoreType.DMA,
    ]
    if with_cnt:
        outs.append(jax.ShapeDtypeStruct((NC, N_PAD), jnp.float32))
        scratch += [
            pltpu.VMEM((LAN,), jnp.float32),
            pltpu.VMEM((ROWS_PER_SUB,), jnp.float32),
            pltpu.VMEM_SHARED((N_PAD,), jnp.float32),
        ]

    def body(x_hbm, src3, dst3, *rest):
        if with_cnt:
            (a0_out, a1_out, cnt_out, src_v, dst_v, b0, b1, acc_sh,
             sem, ones_v, zc_v, cnt_sh) = rest
        else:
            (a0_out, a1_out, src_v, dst_v, b0, b1, acc_sh, sem) = rest
        bufs = [b0, b1]
        cid = lax.axis_index("c")
        sid = lax.axis_index("s")
        wid = sid * NC + cid
        zb = sid * ROWS_PER_SUB

        @pl.loop(0, LAN)
        def _z(r):
            for c8 in range(D // L):
                b0[r, pl.ds(c8 * L, L)] = jnp.zeros((L,), jnp.float32)

        for i in range(ROWS_PER_SUB // LAN):
            pltpu.sync_copy(b0, acc_sh.at[pl.ds(zb + i * LAN, LAN)])
        if with_cnt:
            @pl.loop(0, ROWS_PER_SUB // L)
            def _zc(r):
                zc_v[pl.ds(r * L, L)] = jnp.zeros((L,), jnp.float32)

            pltpu.sync_copy(zc_v, cnt_sh.at[pl.ds(zb, ROWS_PER_SUB)])

            @pl.loop(0, LAN // L)
            def _o(r):
                ones_v[pl.ds(r * L, L)] = jnp.ones((L,), jnp.float32)

        plsc.subcore_barrier()

        def fire(g, half):
            pltpu.async_copy(x_hbm.at[src_v.at[g]], bufs[half], sem)

        def drain(half):
            pltpu.make_async_copy(x_hbm.at[src_v.at[0]],
                                  bufs[half], sem).wait()

        def add_group(g, half):
            pltpu.sync_copy(bufs[half], acc_sh.at[dst_v.at[g]], add=True)
            if with_cnt:
                pltpu.sync_copy(ones_v, cnt_sh.at[dst_v.at[g]], add=True)

        for h in range(HALVES):
            pltpu.sync_copy(src3.at[wid, h], src_v)
            pltpu.sync_copy(dst3.at[wid, h], dst_v)
            fire(0, 0)

            @pl.loop(0, CH_HALF, step=2)
            def _grp(g):
                drain(0)
                fire(g + 1, 1)
                add_group(g, 0)
                drain(1)

                @pl.when(g + 2 < CH_HALF)
                def _():
                    fire(g + 2, 0)

                add_group(g + 1, 1)

        plsc.subcore_barrier()

        @pl.when(cid == 0)
        def _():
            pltpu.sync_copy(acc_sh.at[pl.ds(zb, ROWS_PER_SUB)],
                            a0_out.at[pl.ds(zb, ROWS_PER_SUB)])

        @pl.when(cid == 1)
        def _():
            pltpu.sync_copy(acc_sh.at[pl.ds(zb, ROWS_PER_SUB)],
                            a1_out.at[pl.ds(zb, ROWS_PER_SUB)])

        if with_cnt:
            pltpu.sync_copy(cnt_sh.at[pl.ds(zb, ROWS_PER_SUB)],
                            cnt_out.at[cid, pl.ds(zb, ROWS_PER_SUB)])

    return pl.kernel(body, out_type=outs, mesh=_mesh, scratch_types=scratch)


_sc_agg_cnt = _make_sc_agg(True)
_sc_agg = _make_sc_agg(False)

BLK = 512
GRID = N_PAD // BLK


def _tc_sage_body(a0_ref, a1_ref, c0_ref, c1_ref, x_ref, wl_ref,
                  wr_ref, b_ref, o_ref):
    c = jnp.maximum(c0_ref[...] + c1_ref[...], 1.0)
    inv = 1.0 / c
    hh = (jnp.dot((a0_ref[...] + a1_ref[...]) * inv, wl_ref[...],
                  preferred_element_type=jnp.float32)
          + jnp.dot(x_ref[...], wr_ref[...],
                    preferred_element_type=jnp.float32)
          + b_ref[...])
    o_ref[...] = jnp.maximum(hh, 0.0)


def _tc_sage(a0, a1, c0, c1, x, wlT, wrT, b2d):
    return pl.pallas_call(
        _tc_sage_body,
        grid=(GRID,),
        in_specs=[
            pl.BlockSpec((BLK, D), lambda i: (i, 0)),
            pl.BlockSpec((BLK, D), lambda i: (i, 0)),
            pl.BlockSpec((BLK, 1), lambda i: (i, 0)),
            pl.BlockSpec((BLK, 1), lambda i: (i, 0)),
            pl.BlockSpec((BLK, D), lambda i: (i, 0)),
            pl.BlockSpec((D, D), lambda i: (0, 0)),
            pl.BlockSpec((D, D), lambda i: (0, 0)),
            pl.BlockSpec((1, D), lambda i: (0, 0)),
        ],
        out_specs=pl.BlockSpec((BLK, D), lambda i: (i, 0)),
        out_shape=jax.ShapeDtypeStruct((N_PAD, D), jnp.float32),
    )(a0, a1, c0, c1, x, wlT, wrT, b2d)


def _tc_pool_body(h_ref, b_ref, wlin_ref, blin_ref, o_ref, g_ref):
    i = pl.program_id(0)

    @pl.when(i == 0)
    def _():
        g_ref[...] = jnp.zeros_like(g_ref)

    bvals = b_ref[...]
    iot = lax.broadcasted_iota(jnp.int32, (BLK, GRAPHS), 1)
    oh = (iot == bvals).astype(jnp.float32)
    g_ref[...] += lax.dot_general(
        oh, h_ref[...], (((0,), (0,)), ((), ())),
        preferred_element_type=jnp.float32)

    @pl.when(i == GRID - 1)
    def _():
        o_ref[...] = (jnp.dot(g_ref[...], wlin_ref[...],
                              preferred_element_type=jnp.float32)
                      + blin_ref[...])


def _tc_pool(h, bat2, wlinT, blin8):
    return pl.pallas_call(
        _tc_pool_body,
        grid=(GRID,),
        in_specs=[
            pl.BlockSpec((BLK, D), lambda i: (i, 0)),
            pl.BlockSpec((BLK, 1), lambda i: (i, 0)),
            pl.BlockSpec((D, 8), lambda i: (0, 0)),
            pl.BlockSpec((1, 8), lambda i: (0, 0)),
        ],
        out_specs=pl.BlockSpec((GRAPHS, 8), lambda i: (0, 0)),
        out_shape=jax.ShapeDtypeStruct((GRAPHS, 8), jnp.float32),
        scratch_shapes=[pltpu.VMEM((GRAPHS, D), jnp.float32)],
    )(h, bat2, wlinT, blin8)


def kernel(shape_id, colour_id, pos_id, edge_index, batch,
           shape_emb, col_emb, pos_emb,
           Wl1, bl1, Wr1, Wl2, bl2, Wr2, Wlin, blin):
    pad = N_PAD - N
    sid2 = jnp.pad(shape_id.astype(jnp.int32), (0, pad)).reshape(NW, 5, 64)
    cid2 = jnp.pad(colour_id.astype(jnp.int32), (0, pad)).reshape(NW, 5, 64)
    pid2 = jnp.pad(pos_id.astype(jnp.int32), (0, pad)).reshape(NW, 5, 64)
    src3 = jnp.pad(edge_index[0].astype(jnp.int32),
                   (0, EPAD - E)).reshape(NW, HALVES, CH_HALF, LAN)
    pad_dst = N + (jnp.arange(EPAD - E, dtype=jnp.int32) % pad)
    dst3 = jnp.concatenate(
        [edge_index[1].astype(jnp.int32),
         pad_dst]).reshape(NW, HALVES, CH_HALF, LAN)
    bat2 = jnp.pad(batch.astype(jnp.int32), (0, pad),
                   constant_values=GRAPHS).reshape(N_PAD, 1)

    x = _sc_embed(sid2, cid2, pid2, shape_emb, col_emb, pos_emb)
    a0, a1, cntp = _sc_agg_cnt(x, src3, dst3)
    c0 = cntp[0].reshape(N_PAD, 1)
    c1 = cntp[1].reshape(N_PAD, 1)
    h = _tc_sage(a0, a1, c0, c1, x, Wl1.T, Wr1.T, bl1.reshape(1, D))
    a0b, a1b = _sc_agg(h, src3, dst3)
    g = _tc_sage(a0b, a1b, c0, c1, h, Wl2.T, Wr2.T, bl2.reshape(1, D))
    wlinT = jnp.zeros((D, 8), jnp.float32).at[:, :2].set(Wlin.T)
    blin8 = jnp.zeros((1, 8), jnp.float32).at[0, :2].set(blin)
    outp = _tc_pool(g, bat2, wlinT, blin8)
    return outp[:, :2]

# --- scband reference (transcript-rebuilt; emitter-appended) ---
"""Pipeline reference for scband-gnnclassifier-88648124990240 (READ-ONLY COPY).

The authoritative reference and input builder live on the scoring server;
editing this copy changes nothing except your own understanding.
"""

import jax, jax.numpy as jnp
import numpy as np

N_NODES = 10000
N_EDGES = 320000
HID = 128
N_SHAPE = 64
N_COLOUR = 32
POS_MAX = 4096
N_CLASSES = 2
N_GRAPHS = 64


def sage_conv(x, edge_index, Wl, bl, Wr):
    # PyG SAGEConv with aggr='mean', root_weight=True, bias on lin_l
    src = edge_index[0]
    dst = edge_index[1]
    msgs = x[src]
    agg = jax.ops.segment_sum(msgs, dst, num_segments=x.shape[0])
    cnt = jax.ops.segment_sum(jnp.ones((src.shape[0],), x.dtype), dst, num_segments=x.shape[0])
    agg = agg / jnp.clip(cnt, 1.0, None)[:, None]
    return agg @ Wl.T + bl + x @ Wr.T


def setup_inputs(seed: int = 0) -> dict:
    key = jax.random.key(seed)
    ks = jax.random.split(key, 16)
    inp = {}
    inp['shape_id'] = jax.random.randint(ks[0], (N_NODES,), 0, N_SHAPE, dtype=jnp.int64 if jax.config.jax_enable_x64 else jnp.int32)
    inp['colour_id'] = jax.random.randint(ks[1], (N_NODES,), 0, N_COLOUR)
    inp['pos_id'] = jax.random.randint(ks[2], (N_NODES,), 0, POS_MAX)
    inp['edge_index'] = jax.random.randint(ks[3], (2, N_EDGES), 0, N_NODES)
    inp['batch'] = jnp.sort(jax.random.randint(ks[4], (N_NODES,), 0, N_GRAPHS))
    # learned parameters
    inp['shape_emb'] = jax.random.normal(ks[5], (N_SHAPE, HID), dtype=jnp.float32) * 0.05
    inp['col_emb'] = jax.random.normal(ks[6], (N_COLOUR, HID), dtype=jnp.float32) * 0.05
    inp['pos_emb'] = jax.random.normal(ks[7], (POS_MAX, HID), dtype=jnp.float32) * 0.05
    inp['Wl1'] = jax.random.normal(ks[8], (HID, HID), dtype=jnp.float32) * 0.05
    inp['bl1'] = jnp.zeros((HID,), dtype=jnp.float32)
    inp['Wr1'] = jax.random.normal(ks[9], (HID, HID), dtype=jnp.float32) * 0.05
    inp['Wl2'] = jax.random.normal(ks[10], (HID, HID), dtype=jnp.float32) * 0.05
    inp['bl2'] = jnp.zeros((HID,), dtype=jnp.float32)
    inp['Wr2'] = jax.random.normal(ks[11], (HID, HID), dtype=jnp.float32) * 0.05
    inp['Wlin'] = jax.random.normal(ks[12], (N_CLASSES, HID), dtype=jnp.float32) * 0.05
    inp['blin'] = jnp.zeros((N_CLASSES,), dtype=jnp.float32)
    return inp


def reference(shape_id, colour_id, pos_id, edge_index, batch,
              shape_emb, col_emb, pos_emb,
              Wl1, bl1, Wr1, Wl2, bl2, Wr2, Wlin, blin):
    x = shape_emb[shape_id] + col_emb[colour_id] + pos_emb[pos_id]
    x = jax.nn.relu(sage_conv(x, edge_index, Wl1, bl1, Wr1))
    # dropout is identity in eval mode
    x = jax.nn.relu(sage_conv(x, edge_index, Wl2, bl2, Wr2))
    graph_x = jax.ops.segment_sum(x, batch, num_segments=N_GRAPHS)
    return graph_x @ Wlin.T + blin

if __name__ == "__main__":
    import jax
    _d = setup_inputs()
    print(jax.jit(kernel)(*tuple(_d.values())))

</pallas_src>

<mosaic_0001>
#map = affine_map<(d0, d1) -> (0, 0)>
#map1 = affine_map<(d0, d1) -> (0, 0, 0, 0)>
module attributes {stable_mosaic.version = 14 : i64} {
  func.func @body(%arg0: i32, %arg1: i32, %arg2: memref<10240x128xf32, #tpu.memory_space<hbm>>, %arg3: memref<32x2x40x128xi32, #tpu.memory_space<hbm>>, %arg4: memref<32x2x40x128xi32, #tpu.memory_space<hbm>>, %arg5: memref<10240x128xf32, #tpu.memory_space<hbm>>, %arg6: memref<10240x128xf32, #tpu.memory_space<hbm>>, %arg7: memref<40x128xi32, #tpu.memory_space<vmem>>, %arg8: memref<40x128xi32, #tpu.memory_space<vmem>>, %arg9: memref<128x128xf32, #tpu.memory_space<vmem>>, %arg10: memref<128x128xf32, #tpu.memory_space<vmem>>, %arg11: memref<10240x128xf32, #tpu.memory_space<vmem_shared>>, %arg12: memref<!tpu.dma_semaphore, #tpu.memory_space<semaphore_mem>>) attributes {dimension_semantics = [#tpu.dimension_semantics<core_parallel>, #tpu.dimension_semantics<subcore_parallel>], iteration_bounds = array<i64: 2, 16>, scalar_prefetch = 0 : i64, scratch_operands = 6 : i64, tpu.core_type = #tpu.core_type<sc_vector_subcore>, window_params = [{transform_indices = #map}, {transform_indices = #map1}, {transform_indices = #map1}, {transform_indices = #map}, {transform_indices = #map}]} {
    %mul3A = arith.constant 2 : i32
    %mul3A_0 = arith.muli %arg1, %mul3A : i32
    %add3A = arith.addi %mul3A_0, %arg0 : i32
    %mul3A_1 = arith.constant 640 : i32
    %mul3A_2 = arith.muli %arg1, %mul3A_1 : i32
    %scan3A = arith.constant 0 : i32
    %scan3A_3 = arith.constant 128 : i32
    %scan3A_4 = arith.addi %scan3A, %scan3A_3 : i32
    %scan3A_5 = arith.constant 1 : i32
    scf.for %scan3A_51 = %scan3A to %scan3A_4 step %scan3A_5  : i32 {
      %mul3A_52 = arith.constant 1 : i32
      %mul3A_53 = arith.muli %scan3A_51, %mul3A_52 : i32
      %add3A_54 = arith.constant 0 : i32
      %add3A_55 = arith.addi %add3A_54, %mul3A_53 : i32
      %broadcast_in_dim3A = arith.constant 0.000000e+00 : f32
      %broadcast_in_dim3A_56 = vector.broadcast %broadcast_in_dim3A : f32 to vector<16xf32>
      %swap3A = arith.index_cast %add3A_55 : i32 to index
      %swap3A_57 = arith.constant 0 : index
      %swap3A_58 = tpu.vector_load %arg9[%swap3A, %swap3A_57] {strides = array<i32>} : memref<128x128xf32, #tpu.memory_space<vmem>>, vector<1x16xf32>,
      %swap3A_59 = vector.shape_cast %swap3A_58 : vector<1x16xf32> to vector<16xf32>
      %swap3A_60 = vector.shape_cast %broadcast_in_dim3A_56 : vector<16xf32> to vector<1x16xf32>
      tpu.vector_store %arg9[%swap3A, %swap3A_57], %swap3A_60 {strides = array<i32>} : memref<128x128xf32, #tpu.memory_space<vmem>>, vector<1x16xf32>,
      %broadcast_in_dim3A_61 = arith.constant 0.000000e+00 : f32
      %broadcast_in_dim3A_62 = vector.broadcast %broadcast_in_dim3A_61 : f32 to vector<16xf32>
      %swap3A_63 = arith.index_cast %add3A_55 : i32 to index
      %swap3A_64 = arith.constant 16 : index
      %swap3A_65 = tpu.vector_load %arg9[%swap3A_63, %swap3A_64] {strides = array<i32>} : memref<128x128xf32, #tpu.memory_space<vmem>>, vector<1x16xf32>,
      %swap3A_66 = vector.shape_cast %swap3A_65 : vector<1x16xf32> to vector<16xf32>
      %swap3A_67 = vector.shape_cast %broadcast_in_dim3A_62 : vector<16xf32> to vector<1x16xf32>
      tpu.vector_store %arg9[%swap3A_63, %swap3A_64], %swap3A_67 {strides = array<i32>} : memref<128x128xf32, #tpu.memory_space<vmem>>, vector<1x16xf32>,
      %broadcast_in_dim3A_68 = arith.constant 0.000000e+00 : f32
      %broadcast_in_dim3A_69 = vector.broadcast %broadcast_in_dim3A_68 : f32 to vector<16xf32>
      %swap3A_70 = arith.index_cast %add3A_55 : i32 to index
      %swap3A_71 = arith.constant 32 : index
      %swap3A_72 = tpu.vector_load %arg9[%swap3A_70, %swap3A_71] {strides = array<i32>} : memref<128x128xf32, #tpu.memory_space<vmem>>, vector<1x16xf32>,
      %swap3A_73 = vector.shape_cast %swap3A_72 : vector<1x16xf32> to vector<16xf32>
      %swap3A_74 = vector.shape_cast %broadcast_in_dim3A_69 : vector<16xf32> to vector<1x16xf32>
      tpu.vector_store %arg9[%swap3A_70, %swap3A_71], %swap3A_74 {strides = array<i32>} : memref<128x128xf32, #tpu.memory_space<vmem>>, vector<1x16xf32>,
      %broadcast_in_dim3A_75 = arith.constant 0.000000e+00 : f32
      %broadcast_in_dim3A_76 = vector.broadcast %broadcast_in_dim3A_75 : f32 to vector<16xf32>
      %swap3A_77 = arith.index_cast %add3A_55 : i32 to index
      %swap3A_78 = arith.constant 48 : index
      %swap3A_79 = tpu.vector_load %arg9[%swap3A_77, %swap3A_78] {strides = array<i32>} : memref<128x128xf32, #tpu.memory_space<vmem>>, vector<1x16xf32>,
      %swap3A_80 = vector.shape_cast %swap3A_79 : vector<1x16xf32> to vector<16xf32>
      %swap3A_81 = vector.shape_cast %broadcast_in_dim3A_76 : vector<16xf32> to vector<1x16xf32>
      tpu.vector_store %arg9[%swap3A_77, %swap3A_78], %swap3A_81 {strides = array<i32>} : memref<128x128xf32, #tpu.memory_space<vmem>>, vector<1x16xf32>,
      %broadcast_in_dim3A_82 = arith.constant 0.000000e+00 : f32
      %broadcast_in_dim3A_83 = vector.broadcast %broadcast_in_dim3A_82 : f32 to vector<16xf32>
      %swap3A_84 = arith.index_cast %add3A_55 : i32 to index
      %swap3A_85 = arith.constant 64 : index
      %swap3A_86 = tpu.vector_load %arg9[%swap3A_84, %swap3A_85] {strides = array<i32>} : memref<128x128xf32, #tpu.memory_space<vmem>>, vector<1x16xf32>,
      %swap3A_87 = vector.shape_cast %swap3A_86 : vector<1x16xf32> to vector<16xf32>
      %swap3A_88 = vector.shape_cast %broadcast_in_dim3A_83 : vector<16xf32> to vector<1x16xf32>
      tpu.vector_store %arg9[%swap3A_84, %swap3A_85], %swap3A_88 {strides = array<i32>} : memref<128x128xf32, #tpu.memory_space<vmem>>, vector<1x16xf32>,
      %broadcast_in_dim3A_89 = arith.constant 0.000000e+00 : f32
      %broadcast_in_dim3A_90 = vector.broadcast %broadcast_in_dim3A_89 : f32 to vector<16xf32>
      %swap3A_91 = arith.index_cast %add3A_55 : i32 to index
      %swap3A_92 = arith.constant 80 : index
      %swap3A_93 = tpu.vector_load %arg9[%swap3A_91, %swap3A_92] {strides = array<i32>} : memref<128x128xf32, #tpu.memory_space<vmem>>, vector<1x16xf32>,
      %swap3A_94 = vector.shape_cast %swap3A_93 : vector<1x16xf32> to vector<16xf32>
      %swap3A_95 = vector.shape_cast %broadcast_in_dim3A_90 : vector<16xf32> to vector<1x16xf32>
      tpu.vector_store %arg9[%swap3A_91, %swap3A_92], %swap3A_95 {strides = array<i32>} : memref<128x128xf32, #tpu.memory_space<vmem>>, vector<1x16xf32>,
      %broadcast_in_dim3A_96 = arith.constant 0.000000e+00 : f32
      %broadcast_in_dim3A_97 = vector.broadcast %broadcast_in_dim3A_96 : f32 to vector<16xf32>
      %swap3A_98 = arith.index_cast %add3A_55 : i32 to index
      %swap3A_99 = arith.constant 96 : index
      %swap3A_100 = tpu.vector_load %arg9[%swap3A_98, %swap3A_99] {strides = array<i32>} : memref<128x128xf32, #tpu.memory_space<vmem>>, vector<1x16xf32>,
      %swap3A_101 = vector.shape_cast %swap3A_100 : vector<1x16xf32> to vector<16xf32>
      %swap3A_102 = vector.shape_cast %broadcast_in_dim3A_97 : vector<16xf32> to vector<1x16xf32>
      tpu.vector_store %arg9[%swap3A_98, %swap3A_99], %swap3A_102 {strides = array<i32>} : memref<128x128xf32, #tpu.memory_space<vmem>>, vector<1x16xf32>,
      %broadcast_in_dim3A_103 = arith.constant 0.000000e+00 : f32
      %broadcast_in_dim3A_104 = vector.broadcast %broadcast_in_dim3A_103 : f32 to vector<16xf32>
      %swap3A_105 = arith.index_cast %add3A_55 : i32 to index
      %swap3A_106 = arith.constant 112 : index
      %swap3A_107 = tpu.vector_load %arg9[%swap3A_105, %swap3A_106] {strides = array<i32>} : memref<128x128xf32, #tpu.memory_space<vmem>>, vector<1x16xf32>,
      %swap3A_108 = vector.shape_cast %swap3A_107 : vector<1x16xf32> to vector<16xf32>
      %swap3A_109 = vector.shape_cast %broadcast_in_dim3A_104 : vector<16xf32> to vector<1x16xf32>
      tpu.vector_store %arg9[%swap3A_105, %swap3A_106], %swap3A_109 {strides = array<i32>} : memref<128x128xf32, #tpu.memory_space<vmem>>, vector<1x16xf32>,
    }
    %scan3A_6 = arith.constant 128 : i32
    %add3A_7 = arith.constant 0 : i32
    %add3A_8 = arith.addi %mul3A_2, %add3A_7 : i32
    "tpu.region"() ({
      %run_scoped3A_51 = tpu.sem_alloc : memref<!tpu.dma_semaphore, #tpu.memory_space<semaphore_mem>>
      %dma_start3A_52 = arith.constant 0 : i32
      %dma_start3A_53 = tpu.memref_slice %arg11[%add3A_8, %dma_start3A_52] : memref<10240x128xf32, #tpu.memory_space<vmem_shared>> -> memref<128x128xf32, #tpu.memory_space<vmem_shared>>
      %dma_start3A_54 = arith.constant 0 : i32
      %dma_start3A_55 = tpu.memref_slice %arg11[%add3A_8, %dma_start3A_54] : memref<10240x128xf32, #tpu.memory_space<vmem_shared>> -> memref<128x128xf32, #tpu.memory_space<vmem_shared>>
      tpu.enqueue_dma source(%arg9 : memref<128x128xf32, #tpu.memory_space<vmem>>) target(%dma_start3A_55 : memref<128x128xf32, #tpu.memory_space<vmem_shared>>) target_semaphore(%run_scoped3A_51 : memref<!tpu.dma_semaphore, #tpu.memory_space<semaphore_mem>>)
      %dma_wait3A = arith.constant 0 : i32
      %dma_wait3A_56 = tpu.memref_slice %arg11[%add3A_8, %dma_wait3A] : memref<10240x128xf32, #tpu.memory_space<vmem_shared>> -> memref<128x128xf32, #tpu.memory_space<vmem_shared>>
      %dma_wait3A_57 = arith.constant 0 : i32
      %dma_wait3A_58 = tpu.memref_slice %arg11[%add3A_8, %dma_wait3A_57] : memref<10240x128xf32, #tpu.memory_space<vmem_shared>> -> memref<128x128xf32, #tpu.memory_space<vmem_shared>>
      tpu.wait_dma2 semaphore(%run_scoped3A_51 : memref<!tpu.dma_semaphore, #tpu.memory_space<semaphore_mem>>) src(%arg9 : memref<128x128xf32, #tpu.memory_space<vmem>>) dst(%dma_wait3A_58 : memref<128x128xf32, #tpu.memory_space<vmem_shared>>)
      tpu.yield
    }) : () -> ()
    %add3A_9 = arith.constant 128 : i32
    %add3A_10 = arith.addi %mul3A_2, %add3A_9 : i32
    "tpu.region"() ({
      %run_scoped3A_51 = tpu.sem_alloc : memref<!tpu.dma_semaphore, #tpu.memory_space<semaphore_mem>>
      %dma_start3A_52 = arith.constant 0 : i32
      %dma_start3A_53 = tpu.memref_slice %arg11[%add3A_10, %dma_start3A_52] : memref<10240x128xf32, #tpu.memory_space<vmem_shared>> -> memref<128x128xf32, #tpu.memory_space<vmem_shared>>
      %dma_start3A_54 = arith.constant 0 : i32
      %dma_start3A_55 = tpu.memref_slice %arg11[%add3A_10, %dma_start3A_54] : memref<10240x128xf32, #tpu.memory_space<vmem_shared>> -> memref<128x128xf32, #tpu.memory_space<vmem_shared>>
      tpu.enqueue_dma source(%arg9 : memref<128x128xf32, #tpu.memory_space<vmem>>) target(%dma_start3A_55 : memref<128x128xf32, #tpu.memory_space<vmem_shared>>) target_semaphore(%run_scoped3A_51 : memref<!tpu.dma_semaphore, #tpu.memory_space<semaphore_mem>>)
      %dma_wait3A = arith.constant 0 : i32
      %dma_wait3A_56 = tpu.memref_slice %arg11[%add3A_10, %dma_wait3A] : memref<10240x128xf32, #tpu.memory_space<vmem_shared>> -> memref<128x128xf32, #tpu.memory_space<vmem_shared>>
      %dma_wait3A_57 = arith.constant 0 : i32
      %dma_wait3A_58 = tpu.memref_slice %arg11[%add3A_10, %dma_wait3A_57] : memref<10240x128xf32, #tpu.memory_space<vmem_shared>> -> memref<128x128xf32, #tpu.memory_space<vmem_shared>>
      tpu.wait_dma2 semaphore(%run_scoped3A_51 : memref<!tpu.dma_semaphore, #tpu.memory_space<semaphore_mem>>) src(%arg9 : memref<128x128xf32, #tpu.memory_space<vmem>>) dst(%dma_wait3A_58 : memref<128x128xf32, #tpu.memory_space<vmem_shared>>)
      tpu.yield
    }) : () -> ()
    %add3A_11 = arith.constant 256 : i32
    %add3A_12 = arith.addi %mul3A_2, %add3A_11 : i32
    "tpu.region"() ({
      %run_scoped3A_51 = tpu.sem_alloc : memref<!tpu.dma_semaphore, #tpu.memory_space<semaphore_mem>>
      %dma_start3A_52 = arith.constant 0 : i32
      %dma_start3A_53 = tpu.memref_slice %arg11[%add3A_12, %dma_start3A_52] : memref<10240x128xf32, #tpu.memory_space<vmem_shared>> -> memref<128x128xf32, #tpu.memory_space<vmem_shared>>
      %dma_start3A_54 = arith.constant 0 : i32
      %dma_start3A_55 = tpu.memref_slice %arg11[%add3A_12, %dma_start3A_54] : memref<10240x128xf32, #tpu.memory_space<vmem_shared>> -> memref<128x128xf32, #tpu.memory_space<vmem_shared>>
      tpu.enqueue_dma source(%arg9 : memref<128x128xf32, #tpu.memory_space<vmem>>) target(%dma_start3A_55 : memref<128x128xf32, #tpu.memory_space<vmem_shared>>) target_semaphore(%run_scoped3A_51 : memref<!tpu.dma_semaphore, #tpu.memory_space<semaphore_mem>>)
      %dma_wait3A = arith.constant 0 : i32
      %dma_wait3A_56 = tpu.memref_slice %arg11[%add3A_12, %dma_wait3A] : memref<10240x128xf32, #tpu.memory_space<vmem_shared>> -> memref<128x128xf32, #tpu.memory_space<vmem_shared>>
      %dma_wait3A_57 = arith.constant 0 : i32
      %dma_wait3A_58 = tpu.memref_slice %arg11[%add3A_12, %dma_wait3A_57] : memref<10240x128xf32, #tpu.memory_space<vmem_shared>> -> memref<128x128xf32, #tpu.memory_space<vmem_shared>>
      tpu.wait_dma2 semaphore(%run_scoped3A_51 : memref<!tpu.dma_semaphore, #tpu.memory_space<semaphore_mem>>) src(%arg9 : memref<128x128xf32, #tpu.memory_space<vmem>>) dst(%dma_wait3A_58 : memref<128x128xf32, #tpu.memory_space<vmem_shared>>)
      tpu.yield
    }) : () -> ()
    %add3A_13 = arith.constant 384 : i32
    %add3A_14 = arith.addi %mul3A_2, %add3A_13 : i32
    "tpu.region"() ({
      %run_scoped3A_51 = tpu.sem_alloc : memref<!tpu.dma_semaphore, #tpu.memory_space<semaphore_mem>>
      %dma_start3A_52 = arith.constant 0 : i32
      %dma_start3A_53 = tpu.memref_slice %arg11[%add3A_14, %dma_start3A_52] : memref<10240x128xf32, #tpu.memory_space<vmem_shared>> -> memref<128x128xf32, #tpu.memory_space<vmem_shared>>
      %dma_start3A_54 = arith.constant 0 : i32
      %dma_start3A_55 = tpu.memref_slice %arg11[%add3A_14, %dma_start3A_54] : memref<10240x128xf32, #tpu.memory_space<vmem_shared>> -> memref<128x128xf32, #tpu.memory_space<vmem_shared>>
      tpu.enqueue_dma source(%arg9 : memref<128x128xf32, #tpu.memory_space<vmem>>) target(%dma_start3A_55 : memref<128x128xf32, #tpu.memory_space<vmem_shared>>) target_semaphore(%run_scoped3A_51 : memref<!tpu.dma_semaphore, #tpu.memory_space<semaphore_mem>>)
      %dma_wait3A = arith.constant 0 : i32
      %dma_wait3A_56 = tpu.memref_slice %arg11[%add3A_14, %dma_wait3A] : memref<10240x128xf32, #tpu.memory_space<vmem_shared>> -> memref<128x128xf32, #tpu.memory_space<vmem_shared>>
      %dma_wait3A_57 = arith.constant 0 : i32
      %dma_wait3A_58 = tpu.memref_slice %arg11[%add3A_14, %dma_wait3A_57] : memref<10240x128xf32, #tpu.memory_space<vmem_shared>> -> memref<128x128xf32, #tpu.memory_space<vmem_shared>>
      tpu.wait_dma2 semaphore(%run_scoped3A_51 : memref<!tpu.dma_semaphore, #tpu.memory_space<semaphore_mem>>) src(%arg9 : memref<128x128xf32, #tpu.memory_space<vmem>>) dst(%dma_wait3A_58 : memref<128x128xf32, #tpu.memory_space<vmem_shared>>)
      tpu.yield
    }) : () -> ()
    %add3A_15 = arith.constant 512 : i32
    %add3A_16 = arith.addi %mul3A_2, %add3A_15 : i32
    "tpu.region"() ({
      %run_scoped3A_51 = tpu.sem_alloc : memref<!tpu.dma_semaphore, #tpu.memory_space<semaphore_mem>>
      %dma_start3A_52 = arith.constant 0 : i32
      %dma_start3A_53 = tpu.memref_slice %arg11[%add3A_16, %dma_start3A_52] : memref<10240x128xf32, #tpu.memory_space<vmem_shared>> -> memref<128x128xf32, #tpu.memory_space<vmem_shared>>
      %dma_start3A_54 = arith.constant 0 : i32
      %dma_start3A_55 = tpu.memref_slice %arg11[%add3A_16, %dma_start3A_54] : memref<10240x128xf32, #tpu.memory_space<vmem_shared>> -> memref<128x128xf32, #tpu.memory_space<vmem_shared>>
      tpu.enqueue_dma source(%arg9 : memref<128x128xf32, #tpu.memory_space<vmem>>) target(%dma_start3A_55 : memref<128x128xf32, #tpu.memory_space<vmem_shared>>) target_semaphore(%run_scoped3A_51 : memref<!tpu.dma_semaphore, #tpu.memory_space<semaphore_mem>>)
      %dma_wait3A = arith.constant 0 : i32
      %dma_wait3A_56 = tpu.memref_slice %arg11[%add3A_16, %dma_wait3A] : memref<10240x128xf32, #tpu.memory_space<vmem_shared>> -> memref<128x128xf32, #tpu.memory_space<vmem_shared>>
      %dma_wait3A_57 = arith.constant 0 : i32
      %dma_wait3A_58 = tpu.memref_slice %arg11[%add3A_16, %dma_wait3A_57] : memref<10240x128xf32, #tpu.memory_space<vmem_shared>> -> memref<128x128xf32, #tpu.memory_space<vmem_shared>>
      tpu.wait_dma2 semaphore(%run_scoped3A_51 : memref<!tpu.dma_semaphore, #tpu.memory_space<semaphore_mem>>) src(%arg9 : memref<128x128xf32, #tpu.memory_space<vmem>>) dst(%dma_wait3A_58 : memref<128x128xf32, #tpu.memory_space<vmem_shared>>)
      tpu.yield
    }) : () -> ()
    %barrier3A = arith.constant 0 : index
    tpu.barrier barrier_id(%barrier3A)
    %run_scoped3A = arith.constant 0 : i32
    "tpu.region"() ({
      %run_scoped3A_51 = tpu.sem_alloc : memref<!tpu.dma_semaphore, #tpu.memory_space<semaphore_mem>>
      %dma_start3A_52 = arith.constant 0 : i32
      %dma_start3A_53 = arith.constant 0 : i32
      %dma_start3A_54 = tpu.memref_slice %arg3[%add3A, %run_scoped3A, %dma_start3A_52, %dma_start3A_53] : memref<32x2x40x128xi32, #tpu.memory_space<hbm>> -> memref<1x1x40x128xi32, #tpu.memory_space<hbm>>
      %dma_start3A_55 = tpu.memref_squeeze %dma_start3A_54 : memref<1x1x40x128xi32, #tpu.memory_space<hbm>> -> memref<40x128xi32, #tpu.memory_space<hbm>>
      %dma_start3A_56 = arith.constant 0 : i32
      %dma_start3A_57 = arith.constant 0 : i32
      %dma_start3A_58 = tpu.memref_slice %arg3[%add3A, %run_scoped3A, %dma_start3A_56, %dma_start3A_57] : memref<32x2x40x128xi32, #tpu.memory_space<hbm>> -> memref<1x1x40x128xi32, #tpu.memory_space<hbm>>
      %dma_start3A_59 = tpu.memref_squeeze %dma_start3A_58 : memref<1x1x40x128xi32, #tpu.memory_space<hbm>> -> memref<40x128xi32, #tpu.memory_space<hbm>>
      tpu.enqueue_dma source(%dma_start3A_59 : memref<40x128xi32, #tpu.memory_space<hbm>>) target(%arg7 : memref<40x128xi32, #tpu.memory_space<vmem>>) target_semaphore(%run_scoped3A_51 : memref<!tpu.dma_semaphore, #tpu.memory_space<semaphore_mem>>)
      %dma_wait3A = arith.constant 0 : i32
      %dma_wait3A_60 = arith.constant 0 : i32
      %dma_wait3A_61 = tpu.memref_slice %arg3[%add3A, %run_scoped3A, %dma_wait3A, %dma_wait3A_60] : memref<32x2x40x128xi32, #tpu.memory_space<hbm>> -> memref<1x1x40x128xi32, #tpu.memory_space<hbm>>
      %dma_wait3A_62 = tpu.memref_squeeze %dma_wait3A_61 : memref<1x1x40x128xi32, #tpu.memory_space<hbm>> -> memref<40x128xi32, #tpu.memory_space<hbm>>
      %dma_wait3A_63 = arith.constant 0 : i32
      %dma_wait3A_64 = arith.constant 0 : i32
      %dma_wait3A_65 = tpu.memref_slice %arg3[%add3A, %run_scoped3A, %dma_wait3A_63, %dma_wait3A_64] : memref<32x2x40x128xi32, #tpu.memory_space<hbm>> -> memref<1x1x40x128xi32, #tpu.memory_space<hbm>>
      %dma_wait3A_66 = tpu.memref_squeeze %dma_wait3A_65 : memref<1x1x40x128xi32, #tpu.memory_space<hbm>> -> memref<40x128xi32, #tpu.memory_space<hbm>>
      tpu.wait_dma2 semaphore(%run_scoped3A_51 : memref<!tpu.dma_semaphore, #tpu.memory_space<semaphore_mem>>) src(%dma_wait3A_66 : memref<40x128xi32, #tpu.memory_space<hbm>>) dst(%arg7 : memref<40x128xi32, #tpu.memory_space<vmem>>)
      tpu.yield
    }) : () -> ()
    %run_scoped3A_17 = arith.constant 0 : i32
    "tpu.region"() ({
      %run_scoped3A_51 = tpu.sem_alloc : memref<!tpu.dma_semaphore, #tpu.memory_space<semaphore_mem>>
      %dma_start3A_52 = arith.constant 0 : i32
      %dma_start3A_53 = arith.constant 0 : i32
      %dma_start3A_54 = tpu.memref_slice %arg4[%add3A, %run_scoped3A_17, %dma_start3A_52, %dma_start3A_53] : memref<32x2x40x128xi32, #tpu.memory_space<hbm>> -> memref<1x1x40x128xi32, #tpu.memory_space<hbm>>
      %dma_start3A_55 = tpu.memref_squeeze %dma_start3A_54 : memref<1x1x40x128xi32, #tpu.memory_space<hbm>> -> memref<40x128xi32, #tpu.memory_space<hbm>>
      %dma_start3A_56 = arith.constant 0 : i32
      %dma_start3A_57 = arith.constant 0 : i32
      %dma_start3A_58 = tpu.memref_slice %arg4[%add3A, %run_scoped3A_17, %dma_start3A_56, %dma_start3A_57] : memref<32x2x40x128xi32, #tpu.memory_space<hbm>> -> memref<1x1x40x128xi32, #tpu.memory_space<hbm>>
      %dma_start3A_59 = tpu.memref_squeeze %dma_start3A_58 : memref<1x1x40x128xi32, #tpu.memory_space<hbm>> -> memref<40x128xi32, #tpu.memory_space<hbm>>
      tpu.enqueue_dma source(%dma_start3A_59 : memref<40x128xi32, #tpu.memory_space<hbm>>) target(%arg8 : memref<40x128xi32, #tpu.memory_space<vmem>>) target_semaphore(%run_scoped3A_51 : memref<!tpu.dma_semaphore, #tpu.memory_space<semaphore_mem>>)
      %dma_wait3A = arith.constant 0 : i32
      %dma_wait3A_60 = arith.constant 0 : i32
      %dma_wait3A_61 = tpu.memref_slice %arg4[%add3A, %run_scoped3A_17, %dma_wait3A, %dma_wait3A_60] : memref<32x2x40x128xi32, #tpu.memory_space<hbm>> -> memref<1x1x40x128xi32, #tpu.memory_space<hbm>>
      %dma_wait3A_62 = tpu.memref_squeeze %dma_wait3A_61 : memref<1x1x40x128xi32, #tpu.memory_space<hbm>> -> memref<40x128xi32, #tpu.memory_space<hbm>>
      %dma_wait3A_63 = arith.constant 0 : i32
      %dma_wait3A_64 = arith.constant 0 : i32
      %dma_wait3A_65 = tpu.memref_slice %arg4[%add3A, %run_scoped3A_17, %dma_wait3A_63, %dma_wait3A_64] : memref<32x2x40x128xi32, #tpu.memory_space<hbm>> -> memref<1x1x40x128xi32, #tpu.memory_space<hbm>>
      %dma_wait3A_66 = tpu.memref_squeeze %dma_wait3A_65 : memref<1x1x40x128xi32, #tpu.memory_space<hbm>> -> memref<40x128xi32, #tpu.memory_space<hbm>>
      tpu.wait_dma2 semaphore(%run_scoped3A_51 : memref<!tpu.dma_semaphore, #tpu.memory_space<semaphore_mem>>) src(%dma_wait3A_66 : memref<40x128xi32, #tpu.memory_space<hbm>>) dst(%arg8 : memref<40x128xi32, #tpu.memory_space<vmem>>)
      tpu.yield
    }) : () -> ()
    %dma_start3A = arith.constant 0 : i32
    %dma_start3A_18 = arith.constant 0 : i32
    %dma_start3A_19 = tpu.memref_slice %arg7[%dma_start3A, %dma_start3A_18] : memref<40x128xi32, #tpu.memory_space<vmem>> -> memref<1x128xi32, #tpu.memory_space<vmem>>
    %dma_start3A_20 = tpu.memref_squeeze %dma_start3A_19 : memref<1x128xi32, #tpu.memory_space<vmem>> -> memref<128xi32, #tpu.memory_space<vmem>>
    %dma_start3A_21 = arith.constant 0 : i32
    %dma_start3A_22 = arith.constant 0 : i32
    %dma_start3A_23 = tpu.memref_slice %arg2[%dma_start3A_21, %dma_start3A_22] : memref<10240x128xf32, #tpu.memory_space<hbm>> -> memref<10240x128xf32, #tpu.memory_space<hbm>>
    tpu.enqueue_indirect_dma source(%dma_start3A_23 : memref<10240x128xf32, #tpu.memory_space<hbm>>) target(%arg9 : memref<128x128xf32, #tpu.memory_space<vmem>>) offsets(%dma_start3A_20 : memref<128xi32, #tpu.memory_space<vmem>>) semaphore(%arg12 : memref<!tpu.dma_semaphore, #tpu.memory_space<semaphore_mem>>)
    %scan3A_24 = arith.constant 0 : i32
    %scan3A_25 = arith.constant 20 : i32
    %scan3A_26 = arith.addi %scan3A_24, %scan3A_25 : i32
    %scan3A_27 = arith.constant 1 : i32
    scf.for %scan3A_51 = %scan3A_24 to %scan3A_26 step %scan3A_27  : i32 {
      %mul3A_52 = arith.constant 2 : i32
      %mul3A_53 = arith.muli %scan3A_51, %mul3A_52 : i32
      %add3A_54 = arith.constant 0 : i32
      %add3A_55 = arith.addi %add3A_54, %mul3A_53 : i32
      %dma_wait3A = arith.constant 0 : i32
      %dma_wait3A_56 = arith.constant 0 : i32
      %dma_wait3A_57 = tpu.memref_slice %arg7[%dma_wait3A, %dma_wait3A_56] : memref<40x128xi32, #tpu.memory_space<vmem>> -> memref<1x128xi32, #tpu.memory_space<vmem>>
      %dma_wait3A_58 = tpu.memref_squeeze %dma_wait3A_57 : memref<1x128xi32, #tpu.memory_space<vmem>> -> memref<128xi32, #tpu.memory_space<vmem>>
      %dma_wait3A_59 = arith.constant 0 : i32
      %dma_wait3A_60 = arith.constant 0 : i32
      %dma_wait3A_61 = tpu.memref_slice %arg2[%dma_wait3A_59, %dma_wait3A_60] : memref<10240x128xf32, #tpu.memory_space<hbm>> -> memref<10240x128xf32, #tpu.memory_space<hbm>>
      tpu.wait_indirect_dma semaphore(%arg12 : memref<!tpu.dma_semaphore, #tpu.memory_space<semaphore_mem>>) src(%dma_wait3A_61 : memref<10240x128xf32, #tpu.memory_space<hbm>>) dst(%arg9 : memref<128x128xf32, #tpu.memory_space<vmem>>)
      %add3A_62 = arith.constant 1 : i32
      %add3A_63 = arith.addi %add3A_55, %add3A_62 : i32
      %dma_start3A_64 = arith.constant 0 : i32
      %dma_start3A_65 = tpu.memref_slice %arg7[%add3A_63, %dma_start3A_64] : memref<40x128xi32, #tpu.memory_space<vmem>> -> memref<1x128xi32, #tpu.memory_space<vmem>>
      %dma_start3A_66 = tpu.memref_squeeze %dma_start3A_65 : memref<1x128xi32, #tpu.memory_space<vmem>> -> memref<128xi32, #tpu.memory_space<vmem>>
      %dma_start3A_67 = arith.constant 0 : i32
      %dma_start3A_68 = arith.constant 0 : i32
      %dma_start3A_69 = tpu.memref_slice %arg2[%dma_start3A_67, %dma_start3A_68] : memref<10240x128xf32, #tpu.memory_space<hbm>> -> memref<10240x128xf32, #tpu.memory_space<hbm>>
      tpu.enqueue_indirect_dma source(%dma_start3A_69 : memref<10240x128xf32, #tpu.memory_space<hbm>>) target(%arg10 : memref<128x128xf32, #tpu.memory_space<vmem>>) offsets(%dma_start3A_66 : memref<128xi32, #tpu.memory_space<vmem>>) semaphore(%arg12 : memref<!tpu.dma_semaphore, #tpu.memory_space<semaphore_mem>>)
      "tpu.region"() ({
        %run_scoped3A_85 = tpu.sem_alloc : memref<!tpu.dma_semaphore, #tpu.memory_space<semaphore_mem>>
        %dma_start3A_86 = arith.constant 0 : i32
        %dma_start3A_87 = tpu.memref_slice %arg8[%add3A_55, %dma_start3A_86] : memref<40x128xi32, #tpu.memory_space<vmem>> -> memref<1x128xi32, #tpu.memory_space<vmem>>
        %dma_start3A_88 = tpu.memref_squeeze %dma_start3A_87 : memref<1x128xi32, #tpu.memory_space<vmem>> -> memref<128xi32, #tpu.memory_space<vmem>>
        %dma_start3A_89 = arith.constant 0 : i32
        %dma_start3A_90 = arith.constant 0 : i32
        %dma_start3A_91 = tpu.memref_slice %arg11[%dma_start3A_89, %dma_start3A_90] : memref<10240x128xf32, #tpu.memory_space<vmem_shared>> -> memref<10240x128xf32, #tpu.memory_space<vmem_shared>>
        tpu.enqueue_indirect_dma source(%arg9 : memref<128x128xf32, #tpu.memory_space<vmem>>) target(%dma_start3A_91 : memref<10240x128xf32, #tpu.memory_space<vmem_shared>>) offsets(%dma_start3A_88 : memref<128xi32, #tpu.memory_space<vmem>>) semaphore(%run_scoped3A_85 : memref<!tpu.dma_semaphore, #tpu.memory_space<semaphore_mem>>) {add = true}
        %dma_wait3A_92 = arith.constant 0 : i32
        %dma_wait3A_93 = tpu.memref_slice %arg8[%add3A_55, %dma_wait3A_92] : memref<40x128xi32, #tpu.memory_space<vmem>> -> memref<1x128xi32, #tpu.memory_space<vmem>>
        %dma_wait3A_94 = tpu.memref_squeeze %dma_wait3A_93 : memref<1x128xi32, #tpu.memory_space<vmem>> -> memref<128xi32, #tpu.memory_space<vmem>>
        %dma_wait3A_95 = arith.constant 0 : i32
        %dma_wait3A_96 = arith.constant 0 : i32
        %dma_wait3A_97 = tpu.memref_slice %arg11[%dma_wait3A_95, %dma_wait3A_96] : memref<10240x128xf32, #tpu.memory_space<vmem_shared>> -> memref<10240x128xf32, #tpu.memory_space<vmem_shared>>
        tpu.wait_indirect_dma semaphore(%run_scoped3A_85 : memref<!tpu.dma_semaphore, #tpu.memory_space<semaphore_mem>>) src(%arg9 : memref<128x128xf32, #tpu.memory_space<vmem>>) dst(%dma_wait3A_97 : memref<10240x128xf32, #tpu.memory_space<vmem_shared>>)
        tpu.yield
      }) : () -> ()
      %dma_wait3A_70 = arith.constant 0 : i32
      %dma_wait3A_71 = arith.constant 0 : i32
      %dma_wait3A_72 = tpu.memref_slice %arg7[%dma_wait3A_70, %dma_wait3A_71] : memref<40x128xi32, #tpu.memory_space<vmem>> -> memref<1x128xi32, #tpu.memory_space<vmem>>
      %dma_wait3A_73 = tpu.memref_squeeze %dma_wait3A_72 : memref<1x128xi32, #tpu.memory_space<vmem>> -> memref<128xi32, #tpu.memory_space<vmem>>
      %dma_wait3A_74 = arith.constant 0 : i32
      %dma_wait3A_75 = arith.constant 0 : i32
      %dma_wait3A_76 = tpu.memref_slice %arg2[%dma_wait3A_74, %dma_wait3A_75] : memref<10240x128xf32, #tpu.memory_space<hbm>> -> memref<10240x128xf32, #tpu.memory_space<hbm>>
      tpu.wait_indirect_dma semaphore(%arg12 : memref<!tpu.dma_semaphore, #tpu.memory_space<semaphore_mem>>) src(%dma_wait3A_76 : memref<10240x128xf32, #tpu.memory_space<hbm>>) dst(%arg10 : memref<128x128xf32, #tpu.memory_space<vmem>>)
      %add3A_77 = arith.constant 2 : i32
      %add3A_78 = arith.addi %add3A_55, %add3A_77 : i32
      %lt3A = arith.constant 40 : i32
      %lt3A_79 = arith.cmpi slt, %add3A_78, %lt3A : i32
      %convert_element_type3A_80 = arith.extui %lt3A_79 : i1 to i32
      %cond3A_81 = arith.constant 0 : i32
      %cond3A_82 = arith.cmpi ne, %convert_element_type3A_80, %cond3A_81 : i32
      scf.if %cond3A_82 {
        %add3A_85 = arith.constant 2 : i32
        %add3A_86 = arith.addi %add3A_55, %add3A_85 : i32
        %dma_start3A_87 = arith.constant 0 : i32
        %dma_start3A_88 = tpu.memref_slice %arg7[%add3A_86, %dma_start3A_87] : memref<40x128xi32, #tpu.memory_space<vmem>> -> memref<1x128xi32, #tpu.memory_space<vmem>>
        %dma_start3A_89 = tpu.memref_squeeze %dma_start3A_88 : memref<1x128xi32, #tpu.memory_space<vmem>> -> memref<128xi32, #tpu.memory_space<vmem>>
        %dma_start3A_90 = arith.constant 0 : i32
        %dma_start3A_91 = arith.constant 0 : i32
        %dma_start3A_92 = tpu.memref_slice %arg2[%dma_start3A_90, %dma_start3A_91] : memref<10240x128xf32, #tpu.memory_space<hbm>> -> memref<10240x128xf32, #tpu.memory_space<hbm>>
        tpu.enqueue_indirect_dma source(%dma_start3A_92 : memref<10240x128xf32, #tpu.memory_space<hbm>>) target(%arg9 : memref<128x128xf32, #tpu.memory_space<vmem>>) offsets(%dma_start3A_89 : memref<128xi32, #tpu.memory_space<vmem>>) semaphore(%arg12 : memref<!tpu.dma_semaphore, #tpu.memory_space<semaphore_mem>>)
      } else {
      }
      %add3A_83 = arith.constant 1 : i32
      %add3A_84 = arith.addi %add3A_55, %add3A_83 : i32
      "tpu.region"() ({
        %run_scoped3A_85 = tpu.sem_alloc : memref<!tpu.dma_semaphore, #tpu.memory_space<semaphore_mem>>
        %dma_start3A_86 = arith.constant 0 : i32
        %dma_start3A_87 = tpu.memref_slice %arg8[%add3A_84, %dma_start3A_86] : memref<40x128xi32, #tpu.memory_space<vmem>> -> memref<1x128xi32, #tpu.memory_space<vmem>>
        %dma_start3A_88 = tpu.memref_squeeze %dma_start3A_87 : memref<1x128xi32, #tpu.memory_space<vmem>> -> memref<128xi32, #tpu.memory_space<vmem>>
        %dma_start3A_89 = arith.constant 0 : i32
        %dma_start3A_90 = arith.constant 0 : i32
        %dma_start3A_91 = tpu.memref_slice %arg11[%dma_start3A_89, %dma_start3A_90] : memref<10240x128xf32, #tpu.memory_space<vmem_shared>> -> memref<10240x128xf32, #tpu.memory_space<vmem_shared>>
        tpu.enqueue_indirect_dma source(%arg10 : memref<128x128xf32, #tpu.memory_space<vmem>>) target(%dma_start3A_91 : memref<10240x128xf32, #tpu.memory_space<vmem_shared>>) offsets(%dma_start3A_88 : memref<128xi32, #tpu.memory_space<vmem>>) semaphore(%run_scoped3A_85 : memref<!tpu.dma_semaphore, #tpu.memory_space<semaphore_mem>>) {add = true}
        %dma_wait3A_92 = arith.constant 0 : i32
        %dma_wait3A_93 = tpu.memref_slice %arg8[%add3A_84, %dma_wait3A_92] : memref<40x128xi32, #tpu.memory_space<vmem>> -> memref<1x128xi32, #tpu.memory_space<vmem>>
        %dma_wait3A_94 = tpu.memref_squeeze %dma_wait3A_93 : memref<1x128xi32, #tpu.memory_space<vmem>> -> memref<128xi32, #tpu.memory_space<vmem>>
        %dma_wait3A_95 = arith.constant 0 : i32
        %dma_wait3A_96 = arith.constant 0 : i32
        %dma_wait3A_97 = tpu.memref_slice %arg11[%dma_wait3A_95, %dma_wait3A_96] : memref<10240x128xf32, #tpu.memory_space<vmem_shared>> -> memref<10240x128xf32, #tpu.memory_space<vmem_shared>>
        tpu.wait_indirect_dma semaphore(%run_scoped3A_85 : memref<!tpu.dma_semaphore, #tpu.memory_space<semaphore_mem>>) src(%arg10 : memref<128x128xf32, #tpu.memory_space<vmem>>) dst(%dma_wait3A_97 : memref<10240x128xf32, #tpu.memory_space<vmem_shared>>)
        tpu.yield
      }) : () -> ()
    }
    %scan3A_28 = arith.constant 20 : i32
    %run_scoped3A_29 = arith.constant 1 : i32
    "tpu.region"() ({
      %run_scoped3A_51 = tpu.sem_alloc : memref<!tpu.dma_semaphore, #tpu.memory_space<semaphore_mem>>
      %dma_start3A_52 = arith.constant 0 : i32
      %dma_start3A_53 = arith.constant 0 : i32
      %dma_start3A_54 = tpu.memref_slice %arg3[%add3A, %run_scoped3A_29, %dma_start3A_52, %dma_start3A_53] : memref<32x2x40x128xi32, #tpu.memory_space<hbm>> -> memref<1x1x40x128xi32, #tpu.memory_space<hbm>>
      %dma_start3A_55 = tpu.memref_squeeze %dma_start3A_54 : memref<1x1x40x128xi32, #tpu.memory_space<hbm>> -> memref<40x128xi32, #tpu.memory_space<hbm>>
      %dma_start3A_56 = arith.constant 0 : i32
      %dma_start3A_57 = arith.constant 0 : i32
      %dma_start3A_58 = tpu.memref_slice %arg3[%add3A, %run_scoped3A_29, %dma_start3A_56, %dma_start3A_57] : memref<32x2x40x128xi32, #tpu.memory_space<hbm>> -> memref<1x1x40x128xi32, #tpu.memory_space<hbm>>
      %dma_start3A_59 = tpu.memref_squeeze %dma_start3A_58 : memref<1x1x40x128xi32, #tpu.memory_space<hbm>> -> memref<40x128xi32, #tpu.memory_space<hbm>>
      tpu.enqueue_dma source(%dma_start3A_59 : memref<40x128xi32, #tpu.memory_space<hbm>>) target(%arg7 : memref<40x128xi32, #tpu.memory_space<vmem>>) target_semaphore(%run_scoped3A_51 : memref<!tpu.dma_semaphore, #tpu.memory_space<semaphore_mem>>)
      %dma_wait3A = arith.constant 0 : i32
      %dma_wait3A_60 = arith.constant 0 : i32
      %dma_wait3A_61 = tpu.memref_slice %arg3[%add3A, %run_scoped3A_29, %dma_wait3A, %dma_wait3A_60] : memref<32x2x40x128xi32, #tpu.memory_space<hbm>> -> memref<1x1x40x128xi32, #tpu.memory_space<hbm>>
      %dma_wait3A_62 = tpu.memref_squeeze %dma_wait3A_61 : memref<1x1x40x128xi32, #tpu.memory_space<hbm>> -> memref<40x128xi32, #tpu.memory_space<hbm>>
      %dma_wait3A_63 = arith.constant 0 : i32
      %dma_wait3A_64 = arith.constant 0 : i32
      %dma_wait3A_65 = tpu.memref_slice %arg3[%add3A, %run_scoped3A_29, %dma_wait3A_63, %dma_wait3A_64] : memref<32x2x40x128xi32, #tpu.memory_space<hbm>> -> memref<1x1x40x128xi32, #tpu.memory_space<hbm>>
      %dma_wait3A_66 = tpu.memref_squeeze %dma_wait3A_65 : memref<1x1x40x128xi32, #tpu.memory_space<hbm>> -> memref<40x128xi32, #tpu.memory_space<hbm>>
      tpu.wait_dma2 semaphore(%run_scoped3A_51 : memref<!tpu.dma_semaphore, #tpu.memory_space<semaphore_mem>>) src(%dma_wait3A_66 : memref<40x128xi32, #tpu.memory_space<hbm>>) dst(%arg7 : memref<40x128xi32, #tpu.memory_space<vmem>>)
      tpu.yield
    }) : () -> ()
    %run_scoped3A_30 = arith.constant 1 : i32
    "tpu.region"() ({
      %run_scoped3A_51 = tpu.sem_alloc : memref<!tpu.dma_semaphore, #tpu.memory_space<semaphore_mem>>
      %dma_start3A_52 = arith.constant 0 : i32
      %dma_start3A_53 = arith.constant 0 : i32
      %dma_start3A_54 = tpu.memref_slice %arg4[%add3A, %run_scoped3A_30, %dma_start3A_52, %dma_start3A_53] : memref<32x2x40x128xi32, #tpu.memory_space<hbm>> -> memref<1x1x40x128xi32, #tpu.memory_space<hbm>>
      %dma_start3A_55 = tpu.memref_squeeze %dma_start3A_54 : memref<1x1x40x128xi32, #tpu.memory_space<hbm>> -> memref<40x128xi32, #tpu.memory_space<hbm>>
      %dma_start3A_56 = arith.constant 0 : i32
      %dma_start3A_57 = arith.constant 0 : i32
      %dma_start3A_58 = tpu.memref_slice %arg4[%add3A, %run_scoped3A_30, %dma_start3A_56, %dma_start3A_57] : memref<32x2x40x128xi32, #tpu.memory_space<hbm>> -> memref<1x1x40x128xi32, #tpu.memory_space<hbm>>
      %dma_start3A_59 = tpu.memref_squeeze %dma_start3A_58 : memref<1x1x40x128xi32, #tpu.memory_space<hbm>> -> memref<40x128xi32, #tpu.memory_space<hbm>>
      tpu.enqueue_dma source(%dma_start3A_59 : memref<40x128xi32, #tpu.memory_space<hbm>>) target(%arg8 : memref<40x128xi32, #tpu.memory_space<vmem>>) target_semaphore(%run_scoped3A_51 : memref<!tpu.dma_semaphore, #tpu.memory_space<semaphore_mem>>)
      %dma_wait3A = arith.constant 0 : i32
      %dma_wait3A_60 = arith.constant 0 : i32
      %dma_wait3A_61 = tpu.memref_slice %arg4[%add3A, %run_scoped3A_30, %dma_wait3A, %dma_wait3A_60] : memref<32x2x40x128xi32, #tpu.memory_space<hbm>> -> memref<1x1x40x128xi32, #tpu.memory_space<hbm>>
      %dma_wait3A_62 = tpu.memref_squeeze %dma_wait3A_61 : memref<1x1x40x128xi32, #tpu.memory_space<hbm>> -> memref<40x128xi32, #tpu.memory_space<hbm>>
      %dma_wait3A_63 = arith.constant 0 : i32
      %dma_wait3A_64 = arith.constant 0 : i32
      %dma_wait3A_65 = tpu.memref_slice %arg4[%add3A, %run_scoped3A_30, %dma_wait3A_63, %dma_wait3A_64] : memref<32x2x40x128xi32, #tpu.memory_space<hbm>> -> memref<1x1x40x128xi32, #tpu.memory_space<hbm>>
      %dma_wait3A_66 = tpu.memref_squeeze %dma_wait3A_65 : memref<1x1x40x128xi32, #tpu.memory_space<hbm>> -> memref<40x128xi32, #tpu.memory_space<hbm>>
      tpu.wait_dma2 semaphore(%run_scoped3A_51 : memref<!tpu.dma_semaphore, #tpu.memory_space<semaphore_mem>>) src(%dma_wait3A_66 : memref<40x128xi32, #tpu.memory_space<hbm>>) dst(%arg8 : memref<40x128xi32, #tpu.memory_space<vmem>>)
      tpu.yield
    }) : () -> ()
    %dma_start3A_31 = arith.constant 0 : i32
    %dma_start3A_32 = arith.constant 0 : i32
    %dma_start3A_33 = tpu.memref_slice %arg7[%dma_start3A_31, %dma_start3A_32] : memref<40x128xi32, #tpu.memory_space<vmem>> -> memref<1x128xi32, #tpu.memory_space<vmem>>
    %dma_start3A_34 = tpu.memref_squeeze %dma_start3A_33 : memref<1x128xi32, #tpu.memory_space<vmem>> -> memref<128xi32, #tpu.memory_space<vmem>>
    %dma_start3A_35 = arith.constant 0 : i32
    %dma_start3A_36 = arith.constant 0 : i32
    %dma_start3A_37 = tpu.memref_slice %arg2[%dma_start3A_35, %dma_start3A_36] : memref<10240x128xf32, #tpu.memory_space<hbm>> -> memref<10240x128xf32, #tpu.memory_space<hbm>>
    tpu.enqueue_indirect_dma source(%dma_start3A_37 : memref<10240x128xf32, #tpu.memory_space<hbm>>) target(%arg9 : memref<128x128xf32, #tpu.memory_space<vmem>>) offsets(%dma_start3A_34 : memref<128xi32, #tpu.memory_space<vmem>>) semaphore(%arg12 : memref<!tpu.dma_semaphore, #tpu.memory_space<semaphore_mem>>)
    %scan3A_38 = arith.constant 0 : i32
    %scan3A_39 = arith.constant 20 : i32
    %scan3A_40 = arith.addi %scan3A_38, %scan3A_39 : i32
    %scan3A_41 = arith.constant 1 : i32
    scf.for %scan3A_51 = %scan3A_38 to %scan3A_40 step %scan3A_41  : i32 {
      %mul3A_52 = arith.constant 2 : i32
      %mul3A_53 = arith.muli %scan3A_51, %mul3A_52 : i32
      %add3A_54 = arith.constant 0 : i32
      %add3A_55 = arith.addi %add3A_54, %mul3A_53 : i32
      %dma_wait3A = arith.constant 0 : i32
      %dma_wait3A_56 = arith.constant 0 : i32
      %dma_wait3A_57 = tpu.memref_slice %arg7[%dma_wait3A, %dma_wait3A_56] : memref<40x128xi32, #tpu.memory_space<vmem>> -> memref<1x128xi32, #tpu.memory_space<vmem>>
      %dma_wait3A_58 = tpu.memref_squeeze %dma_wait3A_57 : memref<1x128xi32, #tpu.memory_space<vmem>> -> memref<128xi32, #tpu.memory_space<vmem>>
      %dma_wait3A_59 = arith.constant 0 : i32
      %dma_wait3A_60 = arith.constant 0 : i32
      %dma_wait3A_61 = tpu.memref_slice %arg2[%dma_wait3A_59, %dma_wait3A_60] : memref<10240x128xf32, #tpu.memory_space<hbm>> -> memref<10240x128xf32, #tpu.memory_space<hbm>>
      tpu.wait_indirect_dma semaphore(%arg12 : memref<!tpu.dma_semaphore, #tpu.memory_space<semaphore_mem>>) src(%dma_wait3A_61 : memref<10240x128xf32, #tpu.memory_space<hbm>>) dst(%arg9 : memref<128x128xf32, #tpu.memory_space<vmem>>)
      %add3A_62 = arith.constant 1 : i32
      %add3A_63 = arith.addi %add3A_55, %add3A_62 : i32
      %dma_start3A_64 = arith.constant 0 : i32
      %dma_start3A_65 = tpu.memref_slice %arg7[%add3A_63, %dma_start3A_64] : memref<40x128xi32, #tpu.memory_space<vmem>> -> memref<1x128xi32, #tpu.memory_space<vmem>>
      %dma_start3A_66 = tpu.memref_squeeze %dma_start3A_65 : memref<1x128xi32, #tpu.memory_space<vmem>> -> memref<128xi32, #tpu.memory_space<vmem>>
      %dma_start3A_67 = arith.constant 0 : i32
      %dma_start3A_68 = arith.constant 0 : i32
      %dma_start3A_69 = tpu.memref_slice %arg2[%dma_start3A_67, %dma_start3A_68] : memref<10240x128xf32, #tpu.memory_space<hbm>> -> memref<10240x128xf32, #tpu.memory_space<hbm>>
      tpu.enqueue_indirect_dma source(%dma_start3A_69 : memref<10240x128xf32, #tpu.memory_space<hbm>>) target(%arg10 : memref<128x128xf32, #tpu.memory_space<vmem>>) offsets(%dma_start3A_66 : memref<128xi32, #tpu.memory_space<vmem>>) semaphore(%arg12 : memref<!tpu.dma_semaphore, #tpu.memory_space<semaphore_mem>>)
      "tpu.region"() ({
        %run_scoped3A_85 = tpu.sem_alloc : memref<!tpu.dma_semaphore, #tpu.memory_space<semaphore_mem>>
        %dma_start3A_86 = arith.constant 0 : i32
        %dma_start3A_87 = tpu.memref_slice %arg8[%add3A_55, %dma_start3A_86] : memref<40x128xi32, #tpu.memory_space<vmem>> -> memref<1x128xi32, #tpu.memory_space<vmem>>
        %dma_start3A_88 = tpu.memref_squeeze %dma_start3A_87 : memref<1x128xi32, #tpu.memory_space<vmem>> -> memref<128xi32, #tpu.memory_space<vmem>>
        %dma_start3A_89 = arith.constant 0 : i32
        %dma_start3A_90 = arith.constant 0 : i32
        %dma_start3A_91 = tpu.memref_slice %arg11[%dma_start3A_89, %dma_start3A_90] : memref<10240x128xf32, #tpu.memory_space<vmem_shared>> -> memref<10240x128xf32, #tpu.memory_space<vmem_shared>>
        tpu.enqueue_indirect_dma source(%arg9 : memref<128x128xf32, #tpu.memory_space<vmem>>) target(%dma_start3A_91 : memref<10240x128xf32, #tpu.memory_space<vmem_shared>>) offsets(%dma_start3A_88 : memref<128xi32, #tpu.memory_space<vmem>>) semaphore(%run_scoped3A_85 : memref<!tpu.dma_semaphore, #tpu.memory_space<semaphore_mem>>) {add = true}
        %dma_wait3A_92 = arith.constant 0 : i32
        %dma_wait3A_93 = tpu.memref_slice %arg8[%add3A_55, %dma_wait3A_92] : memref<40x128xi32, #tpu.memory_space<vmem>> -> memref<1x128xi32, #tpu.memory_space<vmem>>
        %dma_wait3A_94 = tpu.memref_squeeze %dma_wait3A_93 : memref<1x128xi32, #tpu.memory_space<vmem>> -> memref<128xi32, #tpu.memory_space<vmem>>
        %dma_wait3A_95 = arith.constant 0 : i32
        %dma_wait3A_96 = arith.constant 0 : i32
        %dma_wait3A_97 = tpu.memref_slice %arg11[%dma_wait3A_95, %dma_wait3A_96] : memref<10240x128xf32, #tpu.memory_space<vmem_shared>> -> memref<10240x128xf32, #tpu.memory_space<vmem_shared>>
        tpu.wait_indirect_dma semaphore(%run_scoped3A_85 : memref<!tpu.dma_semaphore, #tpu.memory_space<semaphore_mem>>) src(%arg9 : memref<128x128xf32, #tpu.memory_space<vmem>>) dst(%dma_wait3A_97 : memref<10240x128xf32, #tpu.memory_space<vmem_shared>>)
        tpu.yield
      }) : () -> ()
      %dma_wait3A_70 = arith.constant 0 : i32
      %dma_wait3A_71 = arith.constant 0 : i32
      %dma_wait3A_72 = tpu.memref_slice %arg7[%dma_wait3A_70, %dma_wait3A_71] : memref<40x128xi32, #tpu.memory_space<vmem>> -> memref<1x128xi32, #tpu.memory_space<vmem>>
      %dma_wait3A_73 = tpu.memref_squeeze %dma_wait3A_72 : memref<1x128xi32, #tpu.memory_space<vmem>> -> memref<128xi32, #tpu.memory_space<vmem>>
      %dma_wait3A_74 = arith.constant 0 : i32
      %dma_wait3A_75 = arith.constant 0 : i32
      %dma_wait3A_76 = tpu.memref_slice %arg2[%dma_wait3A_74, %dma_wait3A_75] : memref<10240x128xf32, #tpu.memory_space<hbm>> -> memref<10240x128xf32, #tpu.memory_space<hbm>>
      tpu.wait_indirect_dma semaphore(%arg12 : memref<!tpu.dma_semaphore, #tpu.memory_space<semaphore_mem>>) src(%dma_wait3A_76 : memref<10240x128xf32, #tpu.memory_space<hbm>>) dst(%arg10 : memref<128x128xf32, #tpu.memory_space<vmem>>)
      %add3A_77 = arith.constant 2 : i32
      %add3A_78 = arith.addi %add3A_55, %add3A_77 : i32
      %lt3A = arith.constant 40 : i32
      %lt3A_79 = arith.cmpi slt, %add3A_78, %lt3A : i32
      %convert_element_type3A_80 = arith.extui %lt3A_79 : i1 to i32
      %cond3A_81 = arith.constant 0 : i32
      %cond3A_82 = arith.cmpi ne, %convert_element_type3A_80, %cond3A_81 : i32
      scf.if %cond3A_82 {
        %add3A_85 = arith.constant 2 : i32
        %add3A_86 = arith.addi %add3A_55, %add3A_85 : i32
        %dma_start3A_87 = arith.constant 0 : i32
        %dma_start3A_88 = tpu.memref_slice %arg7[%add3A_86, %dma_start3A_87] : memref<40x128xi32, #tpu.memory_space<vmem>> -> memref<1x128xi32, #tpu.memory_space<vmem>>
        %dma_start3A_89 = tpu.memref_squeeze %dma_start3A_88 : memref<1x128xi32, #tpu.memory_space<vmem>> -> memref<128xi32, #tpu.memory_space<vmem>>
        %dma_start3A_90 = arith.constant 0 : i32
        %dma_start3A_91 = arith.constant 0 : i32
        %dma_start3A_92 = tpu.memref_slice %arg2[%dma_start3A_90, %dma_start3A_91] : memref<10240x128xf32, #tpu.memory_space<hbm>> -> memref<10240x128xf32, #tpu.memory_space<hbm>>
        tpu.enqueue_indirect_dma source(%dma_start3A_92 : memref<10240x128xf32, #tpu.memory_space<hbm>>) target(%arg9 : memref<128x128xf32, #tpu.memory_space<vmem>>) offsets(%dma_start3A_89 : memref<128xi32, #tpu.memory_space<vmem>>) semaphore(%arg12 : memref<!tpu.dma_semaphore, #tpu.memory_space<semaphore_mem>>)
      } else {
      }
      %add3A_83 = arith.constant 1 : i32
      %add3A_84 = arith.addi %add3A_55, %add3A_83 : i32
      "tpu.region"() ({
        %run_scoped3A_85 = tpu.sem_alloc : memref<!tpu.dma_semaphore, #tpu.memory_space<semaphore_mem>>
        %dma_start3A_86 = arith.constant 0 : i32
        %dma_start3A_87 = tpu.memref_slice %arg8[%add3A_84, %dma_start3A_86] : memref<40x128xi32, #tpu.memory_space<vmem>> -> memref<1x128xi32, #tpu.memory_space<vmem>>
        %dma_start3A_88 = tpu.memref_squeeze %dma_start3A_87 : memref<1x128xi32, #tpu.memory_space<vmem>> -> memref<128xi32, #tpu.memory_space<vmem>>
        %dma_start3A_89 = arith.constant 0 : i32
        %dma_start3A_90 = arith.constant 0 : i32
        %dma_start3A_91 = tpu.memref_slice %arg11[%dma_start3A_89, %dma_start3A_90] : memref<10240x128xf32, #tpu.memory_space<vmem_shared>> -> memref<10240x128xf32, #tpu.memory_space<vmem_shared>>
        tpu.enqueue_indirect_dma source(%arg10 : memref<128x128xf32, #tpu.memory_space<vmem>>) target(%dma_start3A_91 : memref<10240x128xf32, #tpu.memory_space<vmem_shared>>) offsets(%dma_start3A_88 : memref<128xi32, #tpu.memory_space<vmem>>) semaphore(%run_scoped3A_85 : memref<!tpu.dma_semaphore, #tpu.memory_space<semaphore_mem>>) {add = true}
        %dma_wait3A_92 = arith.constant 0 : i32
        %dma_wait3A_93 = tpu.memref_slice %arg8[%add3A_84, %dma_wait3A_92] : memref<40x128xi32, #tpu.memory_space<vmem>> -> memref<1x128xi32, #tpu.memory_space<vmem>>
        %dma_wait3A_94 = tpu.memref_squeeze %dma_wait3A_93 : memref<1x128xi32, #tpu.memory_space<vmem>> -> memref<128xi32, #tpu.memory_space<vmem>>
        %dma_wait3A_95 = arith.constant 0 : i32
        %dma_wait3A_96 = arith.constant 0 : i32
        %dma_wait3A_97 = tpu.memref_slice %arg11[%dma_wait3A_95, %dma_wait3A_96] : memref<10240x128xf32, #tpu.memory_space<vmem_shared>> -> memref<10240x128xf32, #tpu.memory_space<vmem_shared>>
        tpu.wait_indirect_dma semaphore(%run_scoped3A_85 : memref<!tpu.dma_semaphore, #tpu.memory_space<semaphore_mem>>) src(%arg10 : memref<128x128xf32, #tpu.memory_space<vmem>>) dst(%dma_wait3A_97 : memref<10240x128xf32, #tpu.memory_space<vmem_shared>>)
        tpu.yield
      }) : () -> ()
    }
    %scan3A_42 = arith.constant 20 : i32
    %barrier3A_43 = arith.constant 0 : index
    tpu.barrier barrier_id(%barrier3A_43)
    %eq3A = arith.constant 0 : i32
    %eq3A_44 = arith.cmpi eq, %arg0, %eq3A : i32
    %convert_element_type3A = arith.extui %eq3A_44 : i1 to i32
    %cond3A = arith.constant 0 : i32
    %cond3A_45 = arith.cmpi ne, %convert_element_type3A, %cond3A : i32
    scf.if %cond3A_45 {
      "tpu.region"() ({
        %run_scoped3A_51 = tpu.sem_alloc : memref<!tpu.dma_semaphore, #tpu.memory_space<semaphore_mem>>
        %dma_start3A_52 = arith.constant 0 : i32
        %dma_start3A_53 = tpu.memref_slice %arg5[%mul3A_2, %dma_start3A_52] : memref<10240x128xf32, #tpu.memory_space<hbm>> -> memref<640x128xf32, #tpu.memory_space<hbm>>
        %dma_start3A_54 = arith.constant 0 : i32
        %dma_start3A_55 = tpu.memref_slice %arg11[%mul3A_2, %dma_start3A_54] : memref<10240x128xf32, #tpu.memory_space<vmem_shared>> -> memref<640x128xf32, #tpu.memory_space<vmem_shared>>
        tpu.enqueue_dma source(%dma_start3A_55 : memref<640x128xf32, #tpu.memory_space<vmem_shared>>) target(%dma_start3A_53 : memref<640x128xf32, #tpu.memory_space<hbm>>) target_semaphore(%run_scoped3A_51 : memref<!tpu.dma_semaphore, #tpu.memory_space<semaphore_mem>>)
        %dma_wait3A = arith.constant 0 : i32
        %dma_wait3A_56 = tpu.memref_slice %arg5[%mul3A_2, %dma_wait3A] : memref<10240x128xf32, #tpu.memory_space<hbm>> -> memref<640x128xf32, #tpu.memory_space<hbm>>
        %dma_wait3A_57 = arith.constant 0 : i32
        %dma_wait3A_58 = tpu.memref_slice %arg11[%mul3A_2, %dma_wait3A_57] : memref<10240x128xf32, #tpu.memory_space<vmem_shared>> -> memref<640x128xf32, #tpu.memory_space<vmem_shared>>
        tpu.wait_dma2 semaphore(%run_scoped3A_51 : memref<!tpu.dma_semaphore, #tpu.memory_space<semaphore_mem>>) src(%dma_wait3A_58 : memref<640x128xf32, #tpu.memory_space<vmem_shared>>) dst(%dma_wait3A_56 : memref<640x128xf32, #tpu.memory_space<hbm>>)
        tpu.yield
      }) : () -> ()
    } else {
    }
    %eq3A_46 = arith.constant 1 : i32
    %eq3A_47 = arith.cmpi eq, %arg0, %eq3A_46 : i32
    %convert_element_type3A_48 = arith.extui %eq3A_47 : i1 to i32
    %cond3A_49 = arith.constant 0 : i32
    %cond3A_50 = arith.cmpi ne, %convert_element_type3A_48, %cond3A_49 : i32
    scf.if %cond3A_50 {
      "tpu.region"() ({
        %run_scoped3A_51 = tpu.sem_alloc : memref<!tpu.dma_semaphore, #tpu.memory_space<semaphore_mem>>
        %dma_start3A_52 = arith.constant 0 : i32
        %dma_start3A_53 = tpu.memref_slice %arg6[%mul3A_2, %dma_start3A_52] : memref<10240x128xf32, #tpu.memory_space<hbm>> -> memref<640x128xf32, #tpu.memory_space<hbm>>
        %dma_start3A_54 = arith.constant 0 : i32
        %dma_start3A_55 = tpu.memref_slice %arg11[%mul3A_2, %dma_start3A_54] : memref<10240x128xf32, #tpu.memory_space<vmem_shared>> -> memref<640x128xf32, #tpu.memory_space<vmem_shared>>
        tpu.enqueue_dma source(%dma_start3A_55 : memref<640x128xf32, #tpu.memory_space<vmem_shared>>) target(%dma_start3A_53 : memref<640x128xf32, #tpu.memory_space<hbm>>) target_semaphore(%run_scoped3A_51 : memref<!tpu.dma_semaphore, #tpu.memory_space<semaphore_mem>>)
        %dma_wait3A = arith.constant 0 : i32
        %dma_wait3A_56 = tpu.memref_slice %arg6[%mul3A_2, %dma_wait3A] : memref<10240x128xf32, #tpu.memory_space<hbm>> -> memref<640x128xf32, #tpu.memory_space<hbm>>
        %dma_wait3A_57 = arith.constant 0 : i32
        %dma_wait3A_58 = tpu.memref_slice %arg11[%mul3A_2, %dma_wait3A_57] : memref<10240x128xf32, #tpu.memory_space<vmem_shared>> -> memref<640x128xf32, #tpu.memory_space<vmem_shared>>
        tpu.wait_dma2 semaphore(%run_scoped3A_51 : memref<!tpu.dma_semaphore, #tpu.memory_space<semaphore_mem>>) src(%dma_wait3A_58 : memref<640x128xf32, #tpu.memory_space<vmem_shared>>) dst(%dma_wait3A_56 : memref<640x128xf32, #tpu.memory_space<hbm>>)
        tpu.yield
      }) : () -> ()
    } else {
    }
    return
  }
}

#map = affine_map<(d0, d1) -> (0, 0)>
#map1 = affine_map<(d0, d1) -> (0, 0, 0, 0)>
module attributes {stable_mosaic.version = 14 : i64} {
  func.func @body(%arg0: i32, %arg1: i32, %arg2: memref<10240x128xf32, #tpu.memory_space<hbm>>, %arg3: memref<32x2x40x128xi32, #tpu.memory_space<hbm>>, %arg4: memref<32x2x40x128xi32, #tpu.memory_space<hbm>>, %arg5: memref<10240x128xf32, #tpu.memory_space<hbm>>, %arg6: memref<10240x128xf32, #tpu.memory_space<hbm>>, %arg7: memref<2x10240xf32, #tpu.memory_space<hbm>>, %arg8: memref<40x128xi32, #tpu.memory_space<vmem>>, %arg9: memref<40x128xi32, #tpu.memory_space<vmem>>, %arg10: memref<128x128xf32, #tpu.memory_space<vmem>>, %arg11: memref<128x128xf32, #tpu.memory_space<vmem>>, %arg12: memref<10240x128xf32, #tpu.memory_space<vmem_shared>>, %arg13: memref<!tpu.dma_semaphore, #tpu.memory_space<semaphore_mem>>, %arg14: memref<128xf32, #tpu.memory_space<vmem>>, %arg15: memref<640xf32, #tpu.memory_space<vmem>>, %arg16: memref<10240xf32, #tpu.memory_space<vmem_shared>>) attributes {dimension_semantics = [#tpu.dimension_semantics<core_parallel>, #tpu.dimension_semantics<subcore_parallel>], iteration_bounds = array<i64: 2, 16>, scalar_prefetch = 0 : i64, scratch_operands = 9 : i64, tpu.core_type = #tpu.core_type<sc_vector_subcore>, window_params = [{transform_indices = #map}, {transform_indices = #map1}, {transform_indices = #map1}, {transform_indices = #map}, {transform_indices = #map}, {transform_indices = #map}]} {
    %mul3A = arith.constant 2 : i32
    %mul3A_0 = arith.muli %arg1, %mul3A : i32
    %add3A = arith.addi %mul3A_0, %arg0 : i32
    %mul3A_1 = arith.constant 640 : i32
    %mul3A_2 = arith.muli %arg1, %mul3A_1 : i32
    %scan3A = arith.constant 0 : i32
    %scan3A_3 = arith.constant 128 : i32
    %scan3A_4 = arith.addi %scan3A, %scan3A_3 : i32
    %scan3A_5 = arith.constant 1 : i32
    scf.for %scan3A_61 = %scan3A to %scan3A_4 step %scan3A_5  : i32 {
      %mul3A_62 = arith.constant 1 : i32
      %mul3A_63 = arith.muli %scan3A_61, %mul3A_62 : i32
      %add3A_64 = arith.constant 0 : i32
      %add3A_65 = arith.addi %add3A_64, %mul3A_63 : i32
      %broadcast_in_dim3A = arith.constant 0.000000e+00 : f32
      %broadcast_in_dim3A_66 = vector.broadcast %broadcast_in_dim3A : f32 to vector<16xf32>
      %swap3A = arith.index_cast %add3A_65 : i32 to index
      %swap3A_67 = arith.constant 0 : index
      %swap3A_68 = tpu.vector_load %arg10[%swap3A, %swap3A_67] {strides = array<i32>} : memref<128x128xf32, #tpu.memory_space<vmem>>, vector<1x16xf32>,
      %swap3A_69 = vector.shape_cast %swap3A_68 : vector<1x16xf32> to vector<16xf32>
      %swap3A_70 = vector.shape_cast %broadcast_in_dim3A_66 : vector<16xf32> to vector<1x16xf32>
      tpu.vector_store %arg10[%swap3A, %swap3A_67], %swap3A_70 {strides = array<i32>} : memref<128x128xf32, #tpu.memory_space<vmem>>, vector<1x16xf32>,
      %broadcast_in_dim3A_71 = arith.constant 0.000000e+00 : f32
      %broadcast_in_dim3A_72 = vector.broadcast %broadcast_in_dim3A_71 : f32 to vector<16xf32>
      %swap3A_73 = arith.index_cast %add3A_65 : i32 to index
      %swap3A_74 = arith.constant 16 : index
      %swap3A_75 = tpu.vector_load %arg10[%swap3A_73, %swap3A_74] {strides = array<i32>} : memref<128x128xf32, #tpu.memory_space<vmem>>, vector<1x16xf32>,
      %swap3A_76 = vector.shape_cast %swap3A_75 : vector<1x16xf32> to vector<16xf32>
      %swap3A_77 = vector.shape_cast %broadcast_in_dim3A_72 : vector<16xf32> to vector<1x16xf32>
      tpu.vector_store %arg10[%swap3A_73, %swap3A_74], %swap3A_77 {strides = array<i32>} : memref<128x128xf32, #tpu.memory_space<vmem>>, vector<1x16xf32>,
      %broadcast_in_dim3A_78 = arith.constant 0.000000e+00 : f32
      %broadcast_in_dim3A_79 = vector.broadcast %broadcast_in_dim3A_78 : f32 to vector<16xf32>
      %swap3A_80 = arith.index_cast %add3A_65 : i32 to index
      %swap3A_81 = arith.constant 32 : index
      %swap3A_82 = tpu.vector_load %arg10[%swap3A_80, %swap3A_81] {strides = array<i32>} : memref<128x128xf32, #tpu.memory_space<vmem>>, vector<1x16xf32>,
      %swap3A_83 = vector.shape_cast %swap3A_82 : vector<1x16xf32> to vector<16xf32>
      %swap3A_84 = vector.shape_cast %broadcast_in_dim3A_79 : vector<16xf32> to vector<1x16xf32>
      tpu.vector_store %arg10[%swap3A_80, %swap3A_81], %swap3A_84 {strides = array<i32>} : memref<128x128xf32, #tpu.memory_space<vmem>>, vector<1x16xf32>,
      %broadcast_in_dim3A_85 = arith.constant 0.000000e+00 : f32
      %broadcast_in_dim3A_86 = vector.broadcast %broadcast_in_dim3A_85 : f32 to vector<16xf32>
      %swap3A_87 = arith.index_cast %add3A_65 : i32 to index
      %swap3A_88 = arith.constant 48 : index
      %swap3A_89 = tpu.vector_load %arg10[%swap3A_87, %swap3A_88] {strides = array<i32>} : memref<128x128xf32, #tpu.memory_space<vmem>>, vector<1x16xf32>,
      %swap3A_90 = vector.shape_cast %swap3A_89 : vector<1x16xf32> to vector<16xf32>
      %swap3A_91 = vector.shape_cast %broadcast_in_dim3A_86 : vector<16xf32> to vector<1x16xf32>
      tpu.vector_store %arg10[%swap3A_87, %swap3A_88], %swap3A_91 {strides = array<i32>} : memref<128x128xf32, #tpu.memory_space<vmem>>, vector<1x16xf32>,
      %broadcast_in_dim3A_92 = arith.constant 0.000000e+00 : f32
      %broadcast_in_dim3A_93 = vector.broadcast %broadcast_in_dim3A_92 : f32 to vector<16xf32>
      %swap3A_94 = arith.index_cast %add3A_65 : i32 to index
      %swap3A_95 = arith.constant 64 : index
      %swap3A_96 = tpu.vector_load %arg10[%swap3A_94, %swap3A_95] {strides = array<i32>} : memref<128x128xf32, #tpu.memory_space<vmem>>, vector<1x16xf32>,
      %swap3A_97 = vector.shape_cast %swap3A_96 : vector<1x16xf32> to vector<16xf32>
      %swap3A_98 = vector.shape_cast %broadcast_in_dim3A_93 : vector<16xf32> to vector<1x16xf32>
      tpu.vector_store %arg10[%swap3A_94, %swap3A_95], %swap3A_98 {strides = array<i32>} : memref<128x128xf32, #tpu.memory_space<vmem>>, vector<1x16xf32>,
      %broadcast_in_dim3A_99 = arith.constant 0.000000e+00 : f32
      %broadcast_in_dim3A_100 = vector.broadcast %broadcast_in_dim3A_99 : f32 to vector<16xf32>
      %swap3A_101 = arith.index_cast %add3A_65 : i32 to index
      %swap3A_102 = arith.constant 80 : index
      %swap3A_103 = tpu.vector_load %arg10[%swap3A_101, %swap3A_102] {strides = array<i32>} : memref<128x128xf32, #tpu.memory_space<vmem>>, vector<1x16xf32>,
      %swap3A_104 = vector.shape_cast %swap3A_103 : vector<1x16xf32> to vector<16xf32>
      %swap3A_105 = vector.shape_cast %broadcast_in_dim3A_100 : vector<16xf32> to vector<1x16xf32>
      tpu.vector_store %arg10[%swap3A_101, %swap3A_102], %swap3A_105 {strides = array<i32>} : memref<128x128xf32, #tpu.memory_space<vmem>>, vector<1x16xf32>,
      %broadcast_in_dim3A_106 = arith.constant 0.000000e+00 : f32
      %broadcast_in_dim3A_107 = vector.broadcast %broadcast_in_dim3A_106 : f32 to vector<16xf32>
      %swap3A_108 = arith.index_cast %add3A_65 : i32 to index
      %swap3A_109 = arith.constant 96 : index
      %swap3A_110 = tpu.vector_load %arg10[%swap3A_108, %swap3A_109] {strides = array<i32>} : memref<128x128xf32, #tpu.memory_space<vmem>>, vector<1x16xf32>,
      %swap3A_111 = vector.shape_cast %swap3A_110 : vector<1x16xf32> to vector<16xf32>
      %swap3A_112 = vector.shape_cast %broadcast_in_dim3A_107 : vector<16xf32> to vector<1x16xf32>
      tpu.vector_store %arg10[%swap3A_108, %swap3A_109], %swap3A_112 {strides = array<i32>} : memref<128x128xf32, #tpu.memory_space<vmem>>, vector<1x16xf32>,
      %broadcast_in_dim3A_113 = arith.constant 0.000000e+00 : f32
      %broadcast_in_dim3A_114 = vector.broadcast %broadcast_in_dim3A_113 : f32 to vector<16xf32>
      %swap3A_115 = arith.index_cast %add3A_65 : i32 to index
      %swap3A_116 = arith.constant 112 : index
      %swap3A_117 = tpu.vector_load %arg10[%swap3A_115, %swap3A_116] {strides = array<i32>} : memref<128x128xf32, #tpu.memory_space<vmem>>, vector<1x16xf32>,
      %swap3A_118 = vector.shape_cast %swap3A_117 : vector<1x16xf32> to vector<16xf32>
      %swap3A_119 = vector.shape_cast %broadcast_in_dim3A_114 : vector<16xf32> to vector<1x16xf32>
      tpu.vector_store %arg10[%swap3A_115, %swap3A_116], %swap3A_119 {strides = array<i32>} : memref<128x128xf32, #tpu.memory_space<vmem>>, vector<1x16xf32>,
    }
    %scan3A_6 = arith.constant 128 : i32
    %add3A_7 = arith.constant 0 : i32
    %add3A_8 = arith.addi %mul3A_2, %add3A_7 : i32
    "tpu.region"() ({
      %run_scoped3A_61 = tpu.sem_alloc : memref<!tpu.dma_semaphore, #tpu.memory_space<semaphore_mem>>
      %dma_start3A_62 = arith.constant 0 : i32
      %dma_start3A_63 = tpu.memref_slice %arg12[%add3A_8, %dma_start3A_62] : memref<10240x128xf32, #tpu.memory_space<vmem_shared>> -> memref<128x128xf32, #tpu.memory_space<vmem_shared>>
      %dma_start3A_64 = arith.constant 0 : i32
      %dma_start3A_65 = tpu.memref_slice %arg12[%add3A_8, %dma_start3A_64] : memref<10240x128xf32, #tpu.memory_space<vmem_shared>> -> memref<128x128xf32, #tpu.memory_space<vmem_shared>>
      tpu.enqueue_dma source(%arg10 : memref<128x128xf32, #tpu.memory_space<vmem>>) target(%dma_start3A_65 : memref<128x128xf32, #tpu.memory_space<vmem_shared>>) target_semaphore(%run_scoped3A_61 : memref<!tpu.dma_semaphore, #tpu.memory_space<semaphore_mem>>)
      %dma_wait3A = arith.constant 0 : i32
      %dma_wait3A_66 = tpu.memref_slice %arg12[%add3A_8, %dma_wait3A] : memref<10240x128xf32, #tpu.memory_space<vmem_shared>> -> memref<128x128xf32, #tpu.memory_space<vmem_shared>>
      %dma_wait3A_67 = arith.constant 0 : i32
      %dma_wait3A_68 = tpu.memref_slice %arg12[%add3A_8, %dma_wait3A_67] : memref<10240x128xf32, #tpu.memory_space<vmem_shared>> -> memref<128x128xf32, #tpu.memory_space<vmem_shared>>
      tpu.wait_dma2 semaphore(%run_scoped3A_61 : memref<!tpu.dma_semaphore, #tpu.memory_space<semaphore_mem>>) src(%arg10 : memref<128x128xf32, #tpu.memory_space<vmem>>) dst(%dma_wait3A_68 : memref<128x128xf32, #tpu.memory_space<vmem_shared>>)
      tpu.yield
    }) : () -> ()
    %add3A_9 = arith.constant 128 : i32
    %add3A_10 = arith.addi %mul3A_2, %add3A_9 : i32
    "tpu.region"() ({
      %run_scoped3A_61 = tpu.sem_alloc : memref<!tpu.dma_semaphore, #tpu.memory_space<semaphore_mem>>
      %dma_start3A_62 = arith.constant 0 : i32
      %dma_start3A_63 = tpu.memref_slice %arg12[%add3A_10, %dma_start3A_62] : memref<10240x128xf32, #tpu.memory_space<vmem_shared>> -> memref<128x128xf32, #tpu.memory_space<vmem_shared>>
      %dma_start3A_64 = arith.constant 0 : i32
      %dma_start3A_65 = tpu.memref_slice %arg12[%add3A_10, %dma_start3A_64] : memref<10240x128xf32, #tpu.memory_space<vmem_shared>> -> memref<128x128xf32, #tpu.memory_space<vmem_shared>>
      tpu.enqueue_dma source(%arg10 : memref<128x128xf32, #tpu.memory_space<vmem>>) target(%dma_start3A_65 : memref<128x128xf32, #tpu.memory_space<vmem_shared>>) target_semaphore(%run_scoped3A_61 : memref<!tpu.dma_semaphore, #tpu.memory_space<semaphore_mem>>)
      %dma_wait3A = arith.constant 0 : i32
      %dma_wait3A_66 = tpu.memref_slice %arg12[%add3A_10, %dma_wait3A] : memref<10240x128xf32, #tpu.memory_space<vmem_shared>> -> memref<128x128xf32, #tpu.memory_space<vmem_shared>>
      %dma_wait3A_67 = arith.constant 0 : i32
      %dma_wait3A_68 = tpu.memref_slice %arg12[%add3A_10, %dma_wait3A_67] : memref<10240x128xf32, #tpu.memory_space<vmem_shared>> -> memref<128x128xf32, #tpu.memory_space<vmem_shared>>
      tpu.wait_dma2 semaphore(%run_scoped3A_61 : memref<!tpu.dma_semaphore, #tpu.memory_space<semaphore_mem>>) src(%arg10 : memref<128x128xf32, #tpu.memory_space<vmem>>) dst(%dma_wait3A_68 : memref<128x128xf32, #tpu.memory_space<vmem_shared>>)
      tpu.yield
    }) : () -> ()
    %add3A_11 = arith.constant 256 : i32
    %add3A_12 = arith.addi %mul3A_2, %add3A_11 : i32
    "tpu.region"() ({
      %run_scoped3A_61 = tpu.sem_alloc : memref<!tpu.dma_semaphore, #tpu.memory_space<semaphore_mem>>
      %dma_start3A_62 = arith.constant 0 : i32
      %dma_start3A_63 = tpu.memref_slice %arg12[%add3A_12, %dma_start3A_62] : memref<10240x128xf32, #tpu.memory_space<vmem_shared>> -> memref<128x128xf32, #tpu.memory_space<vmem_shared>>
      %dma_start3A_64 = arith.constant 0 : i32
      %dma_start3A_65 = tpu.memref_slice %arg12[%add3A_12, %dma_start3A_64] : memref<10240x128xf32, #tpu.memory_space<vmem_shared>> -> memref<128x128xf32, #tpu.memory_space<vmem_shared>>
      tpu.enqueue_dma source(%arg10 : memref<128x128xf32, #tpu.memory_space<vmem>>) target(%dma_start3A_65 : memref<128x128xf32, #tpu.memory_space<vmem_shared>>) target_semaphore(%run_scoped3A_61 : memref<!tpu.dma_semaphore, #tpu.memory_space<semaphore_mem>>)
      %dma_wait3A = arith.constant 0 : i32
      %dma_wait3A_66 = tpu.memref_slice %arg12[%add3A_12, %dma_wait3A] : memref<10240x128xf32, #tpu.memory_space<vmem_shared>> -> memref<128x128xf32, #tpu.memory_space<vmem_shared>>
      %dma_wait3A_67 = arith.constant 0 : i32
      %dma_wait3A_68 = tpu.memref_slice %arg12[%add3A_12, %dma_wait3A_67] : memref<10240x128xf32, #tpu.memory_space<vmem_shared>> -> memref<128x128xf32, #tpu.memory_space<vmem_shared>>
      tpu.wait_dma2 semaphore(%run_scoped3A_61 : memref<!tpu.dma_semaphore, #tpu.memory_space<semaphore_mem>>) src(%arg10 : memref<128x128xf32, #tpu.memory_space<vmem>>) dst(%dma_wait3A_68 : memref<128x128xf32, #tpu.memory_space<vmem_shared>>)
      tpu.yield
    }) : () -> ()
    %add3A_13 = arith.constant 384 : i32
    %add3A_14 = arith.addi %mul3A_2, %add3A_13 : i32
    "tpu.region"() ({
      %run_scoped3A_61 = tpu.sem_alloc : memref<!tpu.dma_semaphore, #tpu.memory_space<semaphore_mem>>
      %dma_start3A_62 = arith.constant 0 : i32
      %dma_start3A_63 = tpu.memref_slice %arg12[%add3A_14, %dma_start3A_62] : memref<10240x128xf32, #tpu.memory_space<vmem_shared>> -> memref<128x128xf32, #tpu.memory_space<vmem_shared>>
      %dma_start3A_64 = arith.constant 0 : i32
      %dma_start3A_65 = tpu.memref_slice %arg12[%add3A_14, %dma_start3A_64] : memref<10240x128xf32, #tpu.memory_space<vmem_shared>> -> memref<128x128xf32, #tpu.memory_space<vmem_shared>>
      tpu.enqueue_dma source(%arg10 : memref<128x128xf32, #tpu.memory_space<vmem>>) target(%dma_start3A_65 : memref<128x128xf32, #tpu.memory_space<vmem_shared>>) target_semaphore(%run_scoped3A_61 : memref<!tpu.dma_semaphore, #tpu.memory_space<semaphore_mem>>)
      %dma_wait3A = arith.constant 0 : i32
      %dma_wait3A_66 = tpu.memref_slice %arg12[%add3A_14, %dma_wait3A] : memref<10240x128xf32, #tpu.memory_space<vmem_shared>> -> memref<128x128xf32, #tpu.memory_space<vmem_shared>>
      %dma_wait3A_67 = arith.constant 0 : i32
      %dma_wait3A_68 = tpu.memref_slice %arg12[%add3A_14, %dma_wait3A_67] : memref<10240x128xf32, #tpu.memory_space<vmem_shared>> -> memref<128x128xf32, #tpu.memory_space<vmem_shared>>
      tpu.wait_dma2 semaphore(%run_scoped3A_61 : memref<!tpu.dma_semaphore, #tpu.memory_space<semaphore_mem>>) src(%arg10 : memref<128x128xf32, #tpu.memory_space<vmem>>) dst(%dma_wait3A_68 : memref<128x128xf32, #tpu.memory_space<vmem_shared>>)
      tpu.yield
    }) : () -> ()
    %add3A_15 = arith.constant 512 : i32
    %add3A_16 = arith.addi %mul3A_2, %add3A_15 : i32
    "tpu.region"() ({
      %run_scoped3A_61 = tpu.sem_alloc : memref<!tpu.dma_semaphore, #tpu.memory_space<semaphore_mem>>
      %dma_start3A_62 = arith.constant 0 : i32
      %dma_start3A_63 = tpu.memref_slice %arg12[%add3A_16, %dma_start3A_62] : memref<10240x128xf32, #tpu.memory_space<vmem_shared>> -> memref<128x128xf32, #tpu.memory_space<vmem_shared>>
      %dma_start3A_64 = arith.constant 0 : i32
      %dma_start3A_65 = tpu.memref_slice %arg12[%add3A_16, %dma_start3A_64] : memref<10240x128xf32, #tpu.memory_space<vmem_shared>> -> memref<128x128xf32, #tpu.memory_space<vmem_shared>>
      tpu.enqueue_dma source(%arg10 : memref<128x128xf32, #tpu.memory_space<vmem>>) target(%dma_start3A_65 : memref<128x128xf32, #tpu.memory_space<vmem_shared>>) target_semaphore(%run_scoped3A_61 : memref<!tpu.dma_semaphore, #tpu.memory_space<semaphore_mem>>)
      %dma_wait3A = arith.constant 0 : i32
      %dma_wait3A_66 = tpu.memref_slice %arg12[%add3A_16, %dma_wait3A] : memref<10240x128xf32, #tpu.memory_space<vmem_shared>> -> memref<128x128xf32, #tpu.memory_space<vmem_shared>>
      %dma_wait3A_67 = arith.constant 0 : i32
      %dma_wait3A_68 = tpu.memref_slice %arg12[%add3A_16, %dma_wait3A_67] : memref<10240x128xf32, #tpu.memory_space<vmem_shared>> -> memref<128x128xf32, #tpu.memory_space<vmem_shared>>
      tpu.wait_dma2 semaphore(%run_scoped3A_61 : memref<!tpu.dma_semaphore, #tpu.memory_space<semaphore_mem>>) src(%arg10 : memref<128x128xf32, #tpu.memory_space<vmem>>) dst(%dma_wait3A_68 : memref<128x128xf32, #tpu.memory_space<vmem_shared>>)
      tpu.yield
    }) : () -> ()
    %scan3A_17 = arith.constant 0 : i32
    %scan3A_18 = arith.constant 40 : i32
    %scan3A_19 = arith.addi %scan3A_17, %scan3A_18 : i32
    %scan3A_20 = arith.constant 1 : i32
    scf.for %scan3A_61 = %scan3A_17 to %scan3A_19 step %scan3A_20  : i32 {
      %mul3A_62 = arith.constant 1 : i32
      %mul3A_63 = arith.muli %scan3A_61, %mul3A_62 : i32
      %add3A_64 = arith.constant 0 : i32
      %add3A_65 = arith.addi %add3A_64, %mul3A_63 : i32
      %broadcast_in_dim3A = arith.constant 0.000000e+00 : f32
      %broadcast_in_dim3A_66 = vector.broadcast %broadcast_in_dim3A : f32 to vector<16xf32>
      %mul3A_67 = arith.constant 16 : i32
      %mul3A_68 = arith.muli %add3A_65, %mul3A_67 : i32
      %swap3A = arith.index_cast %mul3A_68 : i32 to index
      %swap3A_69 = tpu.vector_load %arg15[%swap3A] {strides = array<i32>} : memref<640xf32, #tpu.memory_space<vmem>>, vector<16xf32>,
      %swap3A_70 = vector.shape_cast %swap3A_69 : vector<16xf32> to vector<16xf32>
      %swap3A_71 = vector.shape_cast %broadcast_in_dim3A_66 : vector<16xf32> to vector<16xf32>
      tpu.vector_store %arg15[%swap3A], %swap3A_71 {strides = array<i32>} : memref<640xf32, #tpu.memory_space<vmem>>, vector<16xf32>,
    }
    %scan3A_21 = arith.constant 40 : i32
    "tpu.region"() ({
      %run_scoped3A_61 = tpu.sem_alloc : memref<!tpu.dma_semaphore, #tpu.memory_space<semaphore_mem>>
      %dma_start3A_62 = tpu.memref_slice %arg16[%mul3A_2] : memref<10240xf32, #tpu.memory_space<vmem_shared>> -> memref<640xf32, #tpu.memory_space<vmem_shared>>
      %dma_start3A_63 = tpu.memref_slice %arg16[%mul3A_2] : memref<10240xf32, #tpu.memory_space<vmem_shared>> -> memref<640xf32, #tpu.memory_space<vmem_shared>>
      tpu.enqueue_dma source(%arg15 : memref<640xf32, #tpu.memory_space<vmem>>) target(%dma_start3A_63 : memref<640xf32, #tpu.memory_space<vmem_shared>>) target_semaphore(%run_scoped3A_61 : memref<!tpu.dma_semaphore, #tpu.memory_space<semaphore_mem>>)
      %dma_wait3A = tpu.memref_slice %arg16[%mul3A_2] : memref<10240xf32, #tpu.memory_space<vmem_shared>> -> memref<640xf32, #tpu.memory_space<vmem_shared>>
      %dma_wait3A_64 = tpu.memref_slice %arg16[%mul3A_2] : memref<10240xf32, #tpu.memory_space<vmem_shared>> -> memref<640xf32, #tpu.memory_space<vmem_shared>>
      tpu.wait_dma2 semaphore(%run_scoped3A_61 : memref<!tpu.dma_semaphore, #tpu.memory_space<semaphore_mem>>) src(%arg15 : memref<640xf32, #tpu.memory_space<vmem>>) dst(%dma_wait3A_64 : memref<640xf32, #tpu.memory_space<vmem_shared>>)
      tpu.yield
    }) : () -> ()
    %scan3A_22 = arith.constant 0 : i32
    %scan3A_23 = arith.constant 8 : i32
    %scan3A_24 = arith.addi %scan3A_22, %scan3A_23 : i32
    %scan3A_25 = arith.constant 1 : i32
    scf.for %scan3A_61 = %scan3A_22 to %scan3A_24 step %scan3A_25  : i32 {
      %mul3A_62 = arith.constant 1 : i32
      %mul3A_63 = arith.muli %scan3A_61, %mul3A_62 : i32
      %add3A_64 = arith.constant 0 : i32
      %add3A_65 = arith.addi %add3A_64, %mul3A_63 : i32
      %broadcast_in_dim3A = arith.constant 1.000000e+00 : f32
      %broadcast_in_dim3A_66 = vector.broadcast %broadcast_in_dim3A : f32 to vector<16xf32>
      %mul3A_67 = arith.constant 16 : i32
      %mul3A_68 = arith.muli %add3A_65, %mul3A_67 : i32
      %swap3A = arith.index_cast %mul3A_68 : i32 to index
      %swap3A_69 = tpu.vector_load %arg14[%swap3A] {strides = array<i32>} : memref<128xf32, #tpu.memory_space<vmem>>, vector<16xf32>,
      %swap3A_70 = vector.shape_cast %swap3A_69 : vector<16xf32> to vector<16xf32>
      %swap3A_71 = vector.shape_cast %broadcast_in_dim3A_66 : vector<16xf32> to vector<16xf32>
      tpu.vector_store %arg14[%swap3A], %swap3A_71 {strides = array<i32>} : memref<128xf32, #tpu.memory_space<vmem>>, vector<16xf32>,
    }
    %scan3A_26 = arith.constant 8 : i32
    %barrier3A = arith.constant 0 : index
    tpu.barrier barrier_id(%barrier3A)
    %run_scoped3A = arith.constant 0 : i32
    "tpu.region"() ({
      %run_scoped3A_61 = tpu.sem_alloc : memref<!tpu.dma_semaphore, #tpu.memory_space<semaphore_mem>>
      %dma_start3A_62 = arith.constant 0 : i32
      %dma_start3A_63 = arith.constant 0 : i32
      %dma_start3A_64 = tpu.memref_slice %arg3[%add3A, %run_scoped3A, %dma_start3A_62, %dma_start3A_63] : memref<32x2x40x128xi32, #tpu.memory_space<hbm>> -> memref<1x1x40x128xi32, #tpu.memory_space<hbm>>
      %dma_start3A_65 = tpu.memref_squeeze %dma_start3A_64 : memref<1x1x40x128xi32, #tpu.memory_space<hbm>> -> memref<40x128xi32, #tpu.memory_space<hbm>>
      %dma_start3A_66 = arith.constant 0 : i32
      %dma_start3A_67 = arith.constant 0 : i32
      %dma_start3A_68 = tpu.memref_slice %arg3[%add3A, %run_scoped3A, %dma_start3A_66, %dma_start3A_67] : memref<32x2x40x128xi32, #tpu.memory_space<hbm>> -> memref<1x1x40x128xi32, #tpu.memory_space<hbm>>
      %dma_start3A_69 = tpu.memref_squeeze %dma_start3A_68 : memref<1x1x40x128xi32, #tpu.memory_space<hbm>> -> memref<40x128xi32, #tpu.memory_space<hbm>>
      tpu.enqueue_dma source(%dma_start3A_69 : memref<40x128xi32, #tpu.memory_space<hbm>>) target(%arg8 : memref<40x128xi32, #tpu.memory_space<vmem>>) target_semaphore(%run_scoped3A_61 : memref<!tpu.dma_semaphore, #tpu.memory_space<semaphore_mem>>)
      %dma_wait3A = arith.constant 0 : i32
      %dma_wait3A_70 = arith.constant 0 : i32
      %dma_wait3A_71 = tpu.memref_slice %arg3[%add3A, %run_scoped3A, %dma_wait3A, %dma_wait3A_70] : memref<32x2x40x128xi32, #tpu.memory_space<hbm>> -> memref<1x1x40x128xi32, #tpu.memory_space<hbm>>
      %dma_wait3A_72 = tpu.memref_squeeze %dma_wait3A_71 : memref<1x1x40x128xi32, #tpu.memory_space<hbm>> -> memref<40x128xi32, #tpu.memory_space<hbm>>
      %dma_wait3A_73 = arith.constant 0 : i32
      %dma_wait3A_74 = arith.constant 0 : i32
      %dma_wait3A_75 = tpu.memref_slice %arg3[%add3A, %run_scoped3A, %dma_wait3A_73, %dma_wait3A_74] : memref<32x2x40x128xi32, #tpu.memory_space<hbm>> -> memref<1x1x40x128xi32, #tpu.memory_space<hbm>>
      %dma_wait3A_76 = tpu.memref_squeeze %dma_wait3A_75 : memref<1x1x40x128xi32, #tpu.memory_space<hbm>> -> memref<40x128xi32, #tpu.memory_space<hbm>>
      tpu.wait_dma2 semaphore(%run_scoped3A_61 : memref<!tpu.dma_semaphore, #tpu.memory_space<semaphore_mem>>) src(%dma_wait3A_76 : memref<40x128xi32, #tpu.memory_space<hbm>>) dst(%arg8 : memref<40x128xi32, #tpu.memory_space<vmem>>)
      tpu.yield
    }) : () -> ()
    %run_scoped3A_27 = arith.constant 0 : i32
    "tpu.region"() ({
      %run_scoped3A_61 = tpu.sem_alloc : memref<!tpu.dma_semaphore, #tpu.memory_space<semaphore_mem>>
      %dma_start3A_62 = arith.constant 0 : i32
      %dma_start3A_63 = arith.constant 0 : i32
      %dma_start3A_64 = tpu.memref_slice %arg4[%add3A, %run_scoped3A_27, %dma_start3A_62, %dma_start3A_63] : memref<32x2x40x128xi32, #tpu.memory_space<hbm>> -> memref<1x1x40x128xi32, #tpu.memory_space<hbm>>
      %dma_start3A_65 = tpu.memref_squeeze %dma_start3A_64 : memref<1x1x40x128xi32, #tpu.memory_space<hbm>> -> memref<40x128xi32, #tpu.memory_space<hbm>>
      %dma_start3A_66 = arith.constant 0 : i32
      %dma_start3A_67 = arith.constant 0 : i32
      %dma_start3A_68 = tpu.memref_slice %arg4[%add3A, %run_scoped3A_27, %dma_start3A_66, %dma_start3A_67] : memref<32x2x40x128xi32, #tpu.memory_space<hbm>> -> memref<1x1x40x128xi32, #tpu.memory_space<hbm>>
      %dma_start3A_69 = tpu.memref_squeeze %dma_start3A_68 : memref<1x1x40x128xi32, #tpu.memory_space<hbm>> -> memref<40x128xi32, #tpu.memory_space<hbm>>
      tpu.enqueue_dma source(%dma_start3A_69 : memref<40x128xi32, #tpu.memory_space<hbm>>) target(%arg9 : memref<40x128xi32, #tpu.memory_space<vmem>>) target_semaphore(%run_scoped3A_61 : memref<!tpu.dma_semaphore, #tpu.memory_space<semaphore_mem>>)
      %dma_wait3A = arith.constant 0 : i32
      %dma_wait3A_70 = arith.constant 0 : i32
      %dma_wait3A_71 = tpu.memref_slice %arg4[%add3A, %run_scoped3A_27, %dma_wait3A, %dma_wait3A_70] : memref<32x2x40x128xi32, #tpu.memory_space<hbm>> -> memref<1x1x40x128xi32, #tpu.memory_space<hbm>>
      %dma_wait3A_72 = tpu.memref_squeeze %dma_wait3A_71 : memref<1x1x40x128xi32, #tpu.memory_space<hbm>> -> memref<40x128xi32, #tpu.memory_space<hbm>>
      %dma_wait3A_73 = arith.constant 0 : i32
      %dma_wait3A_74 = arith.constant 0 : i32
      %dma_wait3A_75 = tpu.memref_slice %arg4[%add3A, %run_scoped3A_27, %dma_wait3A_73, %dma_wait3A_74] : memref<32x2x40x128xi32, #tpu.memory_space<hbm>> -> memref<1x1x40x128xi32, #tpu.memory_space<hbm>>
      %dma_wait3A_76 = tpu.memref_squeeze %dma_wait3A_75 : memref<1x1x40x128xi32, #tpu.memory_space<hbm>> -> memref<40x128xi32, #tpu.memory_space<hbm>>
      tpu.wait_dma2 semaphore(%run_scoped3A_61 : memref<!tpu.dma_semaphore, #tpu.memory_space<semaphore_mem>>) src(%dma_wait3A_76 : memref<40x128xi32, #tpu.memory_space<hbm>>) dst(%arg9 : memref<40x128xi32, #tpu.memory_space<vmem>>)
      tpu.yield
    }) : () -> ()
    %dma_start3A = arith.constant 0 : i32
    %dma_start3A_28 = arith.constant 0 : i32
    %dma_start3A_29 = tpu.memref_slice %arg8[%dma_start3A, %dma_start3A_28] : memref<40x128xi32, #tpu.memory_space<vmem>> -> memref<1x128xi32, #tpu.memory_space<vmem>>
    %dma_start3A_30 = tpu.memref_squeeze %dma_start3A_29 : memref<1x128xi32, #tpu.memory_space<vmem>> -> memref<128xi32, #tpu.memory_space<vmem>>
    %dma_start3A_31 = arith.constant 0 : i32
    %dma_start3A_32 = arith.constant 0 : i32
    %dma_start3A_33 = tpu.memref_slice %arg2[%dma_start3A_31, %dma_start3A_32] : memref<10240x128xf32, #tpu.memory_space<hbm>> -> memref<10240x128xf32, #tpu.memory_space<hbm>>
    tpu.enqueue_indirect_dma source(%dma_start3A_33 : memref<10240x128xf32, #tpu.memory_space<hbm>>) target(%arg10 : memref<128x128xf32, #tpu.memory_space<vmem>>) offsets(%dma_start3A_30 : memref<128xi32, #tpu.memory_space<vmem>>) semaphore(%arg13 : memref<!tpu.dma_semaphore, #tpu.memory_space<semaphore_mem>>)
    %scan3A_34 = arith.constant 0 : i32
    %scan3A_35 = arith.constant 20 : i32
    %scan3A_36 = arith.addi %scan3A_34, %scan3A_35 : i32
    %scan3A_37 = arith.constant 1 : i32
    scf.for %scan3A_61 = %scan3A_34 to %scan3A_36 step %scan3A_37  : i32 {
      %mul3A_62 = arith.constant 2 : i32
      %mul3A_63 = arith.muli %scan3A_61, %mul3A_62 : i32
      %add3A_64 = arith.constant 0 : i32
      %add3A_65 = arith.addi %add3A_64, %mul3A_63 : i32
      %dma_wait3A = arith.constant 0 : i32
      %dma_wait3A_66 = arith.constant 0 : i32
      %dma_wait3A_67 = tpu.memref_slice %arg8[%dma_wait3A, %dma_wait3A_66] : memref<40x128xi32, #tpu.memory_space<vmem>> -> memref<1x128xi32, #tpu.memory_space<vmem>>
      %dma_wait3A_68 = tpu.memref_squeeze %dma_wait3A_67 : memref<1x128xi32, #tpu.memory_space<vmem>> -> memref<128xi32, #tpu.memory_space<vmem>>
      %dma_wait3A_69 = arith.constant 0 : i32
      %dma_wait3A_70 = arith.constant 0 : i32
      %dma_wait3A_71 = tpu.memref_slice %arg2[%dma_wait3A_69, %dma_wait3A_70] : memref<10240x128xf32, #tpu.memory_space<hbm>> -> memref<10240x128xf32, #tpu.memory_space<hbm>>
      tpu.wait_indirect_dma semaphore(%arg13 : memref<!tpu.dma_semaphore, #tpu.memory_space<semaphore_mem>>) src(%dma_wait3A_71 : memref<10240x128xf32, #tpu.memory_space<hbm>>) dst(%arg10 : memref<128x128xf32, #tpu.memory_space<vmem>>)
      %add3A_72 = arith.constant 1 : i32
      %add3A_73 = arith.addi %add3A_65, %add3A_72 : i32
      %dma_start3A_74 = arith.constant 0 : i32
      %dma_start3A_75 = tpu.memref_slice %arg8[%add3A_73, %dma_start3A_74] : memref<40x128xi32, #tpu.memory_space<vmem>> -> memref<1x128xi32, #tpu.memory_space<vmem>>
      %dma_start3A_76 = tpu.memref_squeeze %dma_start3A_75 : memref<1x128xi32, #tpu.memory_space<vmem>> -> memref<128xi32, #tpu.memory_space<vmem>>
      %dma_start3A_77 = arith.constant 0 : i32
      %dma_start3A_78 = arith.constant 0 : i32
      %dma_start3A_79 = tpu.memref_slice %arg2[%dma_start3A_77, %dma_start3A_78] : memref<10240x128xf32, #tpu.memory_space<hbm>> -> memref<10240x128xf32, #tpu.memory_space<hbm>>
      tpu.enqueue_indirect_dma source(%dma_start3A_79 : memref<10240x128xf32, #tpu.memory_space<hbm>>) target(%arg11 : memref<128x128xf32, #tpu.memory_space<vmem>>) offsets(%dma_start3A_76 : memref<128xi32, #tpu.memory_space<vmem>>) semaphore(%arg13 : memref<!tpu.dma_semaphore, #tpu.memory_space<semaphore_mem>>)
      "tpu.region"() ({
        %run_scoped3A_95 = tpu.sem_alloc : memref<!tpu.dma_semaphore, #tpu.memory_space<semaphore_mem>>
        %dma_start3A_96 = arith.constant 0 : i32
        %dma_start3A_97 = tpu.memref_slice %arg9[%add3A_65, %dma_start3A_96] : memref<40x128xi32, #tpu.memory_space<vmem>> -> memref<1x128xi32, #tpu.memory_space<vmem>>
        %dma_start3A_98 = tpu.memref_squeeze %dma_start3A_97 : memref<1x128xi32, #tpu.memory_space<vmem>> -> memref<128xi32, #tpu.memory_space<vmem>>
        %dma_start3A_99 = arith.constant 0 : i32
        %dma_start3A_100 = arith.constant 0 : i32
        %dma_start3A_101 = tpu.memref_slice %arg12[%dma_start3A_99, %dma_start3A_100] : memref<10240x128xf32, #tpu.memory_space<vmem_shared>> -> memref<10240x128xf32, #tpu.memory_space<vmem_shared>>
        tpu.enqueue_indirect_dma source(%arg10 : memref<128x128xf32, #tpu.memory_space<vmem>>) target(%dma_start3A_101 : memref<10240x128xf32, #tpu.memory_space<vmem_shared>>) offsets(%dma_start3A_98 : memref<128xi32, #tpu.memory_space<vmem>>) semaphore(%run_scoped3A_95 : memref<!tpu.dma_semaphore, #tpu.memory_space<semaphore_mem>>) {add = true}
        %dma_wait3A_102 = arith.constant 0 : i32
        %dma_wait3A_103 = tpu.memref_slice %arg9[%add3A_65, %dma_wait3A_102] : memref<40x128xi32, #tpu.memory_space<vmem>> -> memref<1x128xi32, #tpu.memory_space<vmem>>
        %dma_wait3A_104 = tpu.memref_squeeze %dma_wait3A_103 : memref<1x128xi32, #tpu.memory_space<vmem>> -> memref<128xi32, #tpu.memory_space<vmem>>
        %dma_wait3A_105 = arith.constant 0 : i32
        %dma_wait3A_106 = arith.constant 0 : i32
        %dma_wait3A_107 = tpu.memref_slice %arg12[%dma_wait3A_105, %dma_wait3A_106] : memref<10240x128xf32, #tpu.memory_space<vmem_shared>> -> memref<10240x128xf32, #tpu.memory_space<vmem_shared>>
        tpu.wait_indirect_dma semaphore(%run_scoped3A_95 : memref<!tpu.dma_semaphore, #tpu.memory_space<semaphore_mem>>) src(%arg10 : memref<128x128xf32, #tpu.memory_space<vmem>>) dst(%dma_wait3A_107 : memref<10240x128xf32, #tpu.memory_space<vmem_shared>>)
        tpu.yield
      }) : () -> ()
      "tpu.region"() ({
        %run_scoped3A_95 = tpu.sem_alloc : memref<!tpu.dma_semaphore, #tpu.memory_space<semaphore_mem>>
        %dma_start3A_96 = arith.constant 0 : i32
        %dma_start3A_97 = tpu.memref_slice %arg9[%add3A_65, %dma_start3A_96] : memref<40x128xi32, #tpu.memory_space<vmem>> -> memref<1x128xi32, #tpu.memory_space<vmem>>
        %dma_start3A_98 = tpu.memref_squeeze %dma_start3A_97 : memref<1x128xi32, #tpu.memory_space<vmem>> -> memref<128xi32, #tpu.memory_space<vmem>>
        %dma_start3A_99 = arith.constant 0 : i32
        %dma_start3A_100 = tpu.memref_slice %arg16[%dma_start3A_99] : memref<10240xf32, #tpu.memory_space<vmem_shared>> -> memref<10240xf32, #tpu.memory_space<vmem_shared>>
        tpu.enqueue_indirect_dma source(%arg14 : memref<128xf32, #tpu.memory_space<vmem>>) target(%dma_start3A_100 : memref<10240xf32, #tpu.memory_space<vmem_shared>>) offsets(%dma_start3A_98 : memref<128xi32, #tpu.memory_space<vmem>>) semaphore(%run_scoped3A_95 : memref<!tpu.dma_semaphore, #tpu.memory_space<semaphore_mem>>) {add = true}
        %dma_wait3A_101 = arith.constant 0 : i32
        %dma_wait3A_102 = tpu.memref_slice %arg9[%add3A_65, %dma_wait3A_101] : memref<40x128xi32, #tpu.memory_space<vmem>> -> memref<1x128xi32, #tpu.memory_space<vmem>>
        %dma_wait3A_103 = tpu.memref_squeeze %dma_wait3A_102 : memref<1x128xi32, #tpu.memory_space<vmem>> -> memref<128xi32, #tpu.memory_space<vmem>>
        %dma_wait3A_104 = arith.constant 0 : i32
        %dma_wait3A_105 = tpu.memref_slice %arg16[%dma_wait3A_104] : memref<10240xf32, #tpu.memory_space<vmem_shared>> -> memref<10240xf32, #tpu.memory_space<vmem_shared>>
        tpu.wait_indirect_dma semaphore(%run_scoped3A_95 : memref<!tpu.dma_semaphore, #tpu.memory_space<semaphore_mem>>) src(%arg14 : memref<128xf32, #tpu.memory_space<vmem>>) dst(%dma_wait3A_105 : memref<10240xf32, #tpu.memory_space<vmem_shared>>)
        tpu.yield
      }) : () -> ()
      %dma_wait3A_80 = arith.constant 0 : i32
      %dma_wait3A_81 = arith.constant 0 : i32
      %dma_wait3A_82 = tpu.memref_slice %arg8[%dma_wait3A_80, %dma_wait3A_81] : memref<40x128xi32, #tpu.memory_space<vmem>> -> memref<1x128xi32, #tpu.memory_space<vmem>>
      %dma_wait3A_83 = tpu.memref_squeeze %dma_wait3A_82 : memref<1x128xi32, #tpu.memory_space<vmem>> -> memref<128xi32, #tpu.memory_space<vmem>>
      %dma_wait3A_84 = arith.constant 0 : i32
      %dma_wait3A_85 = arith.constant 0 : i32
      %dma_wait3A_86 = tpu.memref_slice %arg2[%dma_wait3A_84, %dma_wait3A_85] : memref<10240x128xf32, #tpu.memory_space<hbm>> -> memref<10240x128xf32, #tpu.memory_space<hbm>>
      tpu.wait_indirect_dma semaphore(%arg13 : memref<!tpu.dma_semaphore, #tpu.memory_space<semaphore_mem>>) src(%dma_wait3A_86 : memref<10240x128xf32, #tpu.memory_space<hbm>>) dst(%arg11 : memref<128x128xf32, #tpu.memory_space<vmem>>)
      %add3A_87 = arith.constant 2 : i32
      %add3A_88 = arith.addi %add3A_65, %add3A_87 : i32
      %lt3A = arith.constant 40 : i32
      %lt3A_89 = arith.cmpi slt, %add3A_88, %lt3A : i32
      %convert_element_type3A_90 = arith.extui %lt3A_89 : i1 to i32
      %cond3A_91 = arith.constant 0 : i32
      %cond3A_92 = arith.cmpi ne, %convert_element_type3A_90, %cond3A_91 : i32
      scf.if %cond3A_92 {
        %add3A_95 = arith.constant 2 : i32
        %add3A_96 = arith.addi %add3A_65, %add3A_95 : i32
        %dma_start3A_97 = arith.constant 0 : i32
        %dma_start3A_98 = tpu.memref_slice %arg8[%add3A_96, %dma_start3A_97] : memref<40x128xi32, #tpu.memory_space<vmem>> -> memref<1x128xi32, #tpu.memory_space<vmem>>
        %dma_start3A_99 = tpu.memref_squeeze %dma_start3A_98 : memref<1x128xi32, #tpu.memory_space<vmem>> -> memref<128xi32, #tpu.memory_space<vmem>>
        %dma_start3A_100 = arith.constant 0 : i32
        %dma_start3A_101 = arith.constant 0 : i32
        %dma_start3A_102 = tpu.memref_slice %arg2[%dma_start3A_100, %dma_start3A_101] : memref<10240x128xf32, #tpu.memory_space<hbm>> -> memref<10240x128xf32, #tpu.memory_space<hbm>>
        tpu.enqueue_indirect_dma source(%dma_start3A_102 : memref<10240x128xf32, #tpu.memory_space<hbm>>) target(%arg10 : memref<128x128xf32, #tpu.memory_space<vmem>>) offsets(%dma_start3A_99 : memref<128xi32, #tpu.memory_space<vmem>>) semaphore(%arg13 : memref<!tpu.dma_semaphore, #tpu.memory_space<semaphore_mem>>)
      } else {
      }
      %add3A_93 = arith.constant 1 : i32
      %add3A_94 = arith.addi %add3A_65, %add3A_93 : i32
      "tpu.region"() ({
        %run_scoped3A_95 = tpu.sem_alloc : memref<!tpu.dma_semaphore, #tpu.memory_space<semaphore_mem>>
        %dma_start3A_96 = arith.constant 0 : i32
        %dma_start3A_97 = tpu.memref_slice %arg9[%add3A_94, %dma_start3A_96] : memref<40x128xi32, #tpu.memory_space<vmem>> -> memref<1x128xi32, #tpu.memory_space<vmem>>
        %dma_start3A_98 = tpu.memref_squeeze %dma_start3A_97 : memref<1x128xi32, #tpu.memory_space<vmem>> -> memref<128xi32, #tpu.memory_space<vmem>>
        %dma_start3A_99 = arith.constant 0 : i32
        %dma_start3A_100 = arith.constant 0 : i32
        %dma_start3A_101 = tpu.memref_slice %arg12[%dma_start3A_99, %dma_start3A_100] : memref<10240x128xf32, #tpu.memory_space<vmem_shared>> -> memref<10240x128xf32, #tpu.memory_space<vmem_shared>>
        tpu.enqueue_indirect_dma source(%arg11 : memref<128x128xf32, #tpu.memory_space<vmem>>) target(%dma_start3A_101 : memref<10240x128xf32, #tpu.memory_space<vmem_shared>>) offsets(%dma_start3A_98 : memref<128xi32, #tpu.memory_space<vmem>>) semaphore(%run_scoped3A_95 : memref<!tpu.dma_semaphore, #tpu.memory_space<semaphore_mem>>) {add = true}
        %dma_wait3A_102 = arith.constant 0 : i32
        %dma_wait3A_103 = tpu.memref_slice %arg9[%add3A_94, %dma_wait3A_102] : memref<40x128xi32, #tpu.memory_space<vmem>> -> memref<1x128xi32, #tpu.memory_space<vmem>>
        %dma_wait3A_104 = tpu.memref_squeeze %dma_wait3A_103 : memref<1x128xi32, #tpu.memory_space<vmem>> -> memref<128xi32, #tpu.memory_space<vmem>>
        %dma_wait3A_105 = arith.constant 0 : i32
        %dma_wait3A_106 = arith.constant 0 : i32
        %dma_wait3A_107 = tpu.memref_slice %arg12[%dma_wait3A_105, %dma_wait3A_106] : memref<10240x128xf32, #tpu.memory_space<vmem_shared>> -> memref<10240x128xf32, #tpu.memory_space<vmem_shared>>
        tpu.wait_indirect_dma semaphore(%run_scoped3A_95 : memref<!tpu.dma_semaphore, #tpu.memory_space<semaphore_mem>>) src(%arg11 : memref<128x128xf32, #tpu.memory_space<vmem>>) dst(%dma_wait3A_107 : memref<10240x128xf32, #tpu.memory_space<vmem_shared>>)
        tpu.yield
      }) : () -> ()
      "tpu.region"() ({
        %run_scoped3A_95 = tpu.sem_alloc : memref<!tpu.dma_semaphore, #tpu.memory_space<semaphore_mem>>
        %dma_start3A_96 = arith.constant 0 : i32
        %dma_start3A_97 = tpu.memref_slice %arg9[%add3A_94, %dma_start3A_96] : memref<40x128xi32, #tpu.memory_space<vmem>> -> memref<1x128xi32, #tpu.memory_space<vmem>>
        %dma_start3A_98 = tpu.memref_squeeze %dma_start3A_97 : memref<1x128xi32, #tpu.memory_space<vmem>> -> memref<128xi32, #tpu.memory_space<vmem>>
        %dma_start3A_99 = arith.constant 0 : i32
        %dma_start3A_100 = tpu.memref_slice %arg16[%dma_start3A_99] : memref<10240xf32, #tpu.memory_space<vmem_shared>> -> memref<10240xf32, #tpu.memory_space<vmem_shared>>
        tpu.enqueue_indirect_dma source(%arg14 : memref<128xf32, #tpu.memory_space<vmem>>) target(%dma_start3A_100 : memref<10240xf32, #tpu.memory_space<vmem_shared>>) offsets(%dma_start3A_98 : memref<128xi32, #tpu.memory_space<vmem>>) semaphore(%run_scoped3A_95 : memref<!tpu.dma_semaphore, #tpu.memory_space<semaphore_mem>>) {add = true}
        %dma_wait3A_101 = arith.constant 0 : i32
        %dma_wait3A_102 = tpu.memref_slice %arg9[%add3A_94, %dma_wait3A_101] : memref<40x128xi32, #tpu.memory_space<vmem>> -> memref<1x128xi32, #tpu.memory_space<vmem>>
        %dma_wait3A_103 = tpu.memref_squeeze %dma_wait3A_102 : memref<1x128xi32, #tpu.memory_space<vmem>> -> memref<128xi32, #tpu.memory_space<vmem>>
        %dma_wait3A_104 = arith.constant 0 : i32
        %dma_wait3A_105 = tpu.memref_slice %arg16[%dma_wait3A_104] : memref<10240xf32, #tpu.memory_space<vmem_shared>> -> memref<10240xf32, #tpu.memory_space<vmem_shared>>
        tpu.wait_indirect_dma semaphore(%run_scoped3A_95 : memref<!tpu.dma_semaphore, #tpu.memory_space<semaphore_mem>>) src(%arg14 : memref<128xf32, #tpu.memory_space<vmem>>) dst(%dma_wait3A_105 : memref<10240xf32, #tpu.memory_space<vmem_shared>>)
        tpu.yield
      }) : () -> ()
    }
    %scan3A_38 = arith.constant 20 : i32
    %run_scoped3A_39 = arith.constant 1 : i32
    "tpu.region"() ({
      %run_scoped3A_61 = tpu.sem_alloc : memref<!tpu.dma_semaphore, #tpu.memory_space<semaphore_mem>>
      %dma_start3A_62 = arith.constant 0 : i32
      %dma_start3A_63 = arith.constant 0 : i32
      %dma_start3A_64 = tpu.memref_slice %arg3[%add3A, %run_scoped3A_39, %dma_start3A_62, %dma_start3A_63] : memref<32x2x40x128xi32, #tpu.memory_space<hbm>> -> memref<1x1x40x128xi32, #tpu.memory_space<hbm>>
      %dma_start3A_65 = tpu.memref_squeeze %dma_start3A_64 : memref<1x1x40x128xi32, #tpu.memory_space<hbm>> -> memref<40x128xi32, #tpu.memory_space<hbm>>
      %dma_start3A_66 = arith.constant 0 : i32
      %dma_start3A_67 = arith.constant 0 : i32
      %dma_start3A_68 = tpu.memref_slice %arg3[%add3A, %run_scoped3A_39, %dma_start3A_66, %dma_start3A_67] : memref<32x2x40x128xi32, #tpu.memory_space<hbm>> -> memref<1x1x40x128xi32, #tpu.memory_space<hbm>>
      %dma_start3A_69 = tpu.memref_squeeze %dma_start3A_68 : memref<1x1x40x128xi32, #tpu.memory_space<hbm>> -> memref<40x128xi32, #tpu.memory_space<hbm>>
      tpu.enqueue_dma source(%dma_start3A_69 : memref<40x128xi32, #tpu.memory_space<hbm>>) target(%arg8 : memref<40x128xi32, #tpu.memory_space<vmem>>) target_semaphore(%run_scoped3A_61 : memref<!tpu.dma_semaphore, #tpu.memory_space<semaphore_mem>>)
      %dma_wait3A = arith.constant 0 : i32
      %dma_wait3A_70 = arith.constant 0 : i32
      %dma_wait3A_71 = tpu.memref_slice %arg3[%add3A, %run_scoped3A_39, %dma_wait3A, %dma_wait3A_70] : memref<32x2x40x128xi32, #tpu.memory_space<hbm>> -> memref<1x1x40x128xi32, #tpu.memory_space<hbm>>
      %dma_wait3A_72 = tpu.memref_squeeze %dma_wait3A_71 : memref<1x1x40x128xi32, #tpu.memory_space<hbm>> -> memref<40x128xi32, #tpu.memory_space<hbm>>
      %dma_wait3A_73 = arith.constant 0 : i32
      %dma_wait3A_74 = arith.constant 0 : i32
      %dma_wait3A_75 = tpu.memref_slice %arg3[%add3A, %run_scoped3A_39, %dma_wait3A_73, %dma_wait3A_74] : memref<32x2x40x128xi32, #tpu.memory_space<hbm>> -> memref<1x1x40x128xi32, #tpu.memory_space<hbm>>
      %dma_wait3A_76 = tpu.memref_squeeze %dma_wait3A_75 : memref<1x1x40x128xi32, #tpu.memory_space<hbm>> -> memref<40x128xi32, #tpu.memory_space<hbm>>
      tpu.wait_dma2 semaphore(%run_scoped3A_61 : memref<!tpu.dma_semaphore, #tpu.memory_space<semaphore_mem>>) src(%dma_wait3A_76 : memref<40x128xi32, #tpu.memory_space<hbm>>) dst(%arg8 : memref<40x128xi32, #tpu.memory_space<vmem>>)
      tpu.yield
    }) : () -> ()
    %run_scoped3A_40 = arith.constant 1 : i32
    "tpu.region"() ({
      %run_scoped3A_61 = tpu.sem_alloc : memref<!tpu.dma_semaphore, #tpu.memory_space<semaphore_mem>>
      %dma_start3A_62 = arith.constant 0 : i32
      %dma_start3A_63 = arith.constant 0 : i32
      %dma_start3A_64 = tpu.memref_slice %arg4[%add3A, %run_scoped3A_40, %dma_start3A_62, %dma_start3A_63] : memref<32x2x40x128xi32, #tpu.memory_space<hbm>> -> memref<1x1x40x128xi32, #tpu.memory_space<hbm>>
      %dma_start3A_65 = tpu.memref_squeeze %dma_start3A_64 : memref<1x1x40x128xi32, #tpu.memory_space<hbm>> -> memref<40x128xi32, #tpu.memory_space<hbm>>
      %dma_start3A_66 = arith.constant 0 : i32
      %dma_start3A_67 = arith.constant 0 : i32
      %dma_start3A_68 = tpu.memref_slice %arg4[%add3A, %run_scoped3A_40, %dma_start3A_66, %dma_start3A_67] : memref<32x2x40x128xi32, #tpu.memory_space<hbm>> -> memref<1x1x40x128xi32, #tpu.memory_space<hbm>>
      %dma_start3A_69 = tpu.memref_squeeze %dma_start3A_68 : memref<1x1x40x128xi32, #tpu.memory_space<hbm>> -> memref<40x128xi32, #tpu.memory_space<hbm>>
      tpu.enqueue_dma source(%dma_start3A_69 : memref<40x128xi32, #tpu.memory_space<hbm>>) target(%arg9 : memref<40x128xi32, #tpu.memory_space<vmem>>) target_semaphore(%run_scoped3A_61 : memref<!tpu.dma_semaphore, #tpu.memory_space<semaphore_mem>>)
      %dma_wait3A = arith.constant 0 : i32
      %dma_wait3A_70 = arith.constant 0 : i32
      %dma_wait3A_71 = tpu.memref_slice %arg4[%add3A, %run_scoped3A_40, %dma_wait3A, %dma_wait3A_70] : memref<32x2x40x128xi32, #tpu.memory_space<hbm>> -> memref<1x1x40x128xi32, #tpu.memory_space<hbm>>
      %dma_wait3A_72 = tpu.memref_squeeze %dma_wait3A_71 : memref<1x1x40x128xi32, #tpu.memory_space<hbm>> -> memref<40x128xi32, #tpu.memory_space<hbm>>
      %dma_wait3A_73 = arith.constant 0 : i32
      %dma_wait3A_74 = arith.constant 0 : i32
      %dma_wait3A_75 = tpu.memref_slice %arg4[%add3A, %run_scoped3A_40, %dma_wait3A_73, %dma_wait3A_74] : memref<32x2x40x128xi32, #tpu.memory_space<hbm>> -> memref<1x1x40x128xi32, #tpu.memory_space<hbm>>
      %dma_wait3A_76 = tpu.memref_squeeze %dma_wait3A_75 : memref<1x1x40x128xi32, #tpu.memory_space<hbm>> -> memref<40x128xi32, #tpu.memory_space<hbm>>
      tpu.wait_dma2 semaphore(%run_scoped3A_61 : memref<!tpu.dma_semaphore, #tpu.memory_space<semaphore_mem>>) src(%dma_wait3A_76 : memref<40x128xi32, #tpu.memory_space<hbm>>) dst(%arg9 : memref<40x128xi32, #tpu.memory_space<vmem>>)
      tpu.yield
    }) : () -> ()
    %dma_start3A_41 = arith.constant 0 : i32
    %dma_start3A_42 = arith.constant 0 : i32
    %dma_start3A_43 = tpu.memref_slice %arg8[%dma_start3A_41, %dma_start3A_42] : memref<40x128xi32, #tpu.memory_space<vmem>> -> memref<1x128xi32, #tpu.memory_space<vmem>>
    %dma_start3A_44 = tpu.memref_squeeze %dma_start3A_43 : memref<1x128xi32, #tpu.memory_space<vmem>> -> memref<128xi32, #tpu.memory_space<vmem>>
    %dma_start3A_45 = arith.constant 0 : i32
    %dma_start3A_46 = arith.constant 0 : i32
    %dma_start3A_47 = tpu.memref_slice %arg2[%dma_start3A_45, %dma_start3A_46] : memref<10240x128xf32, #tpu.memory_space<hbm>> -> memref<10240x128xf32, #tpu.memory_space<hbm>>
    tpu.enqueue_indirect_dma source(%dma_start3A_47 : memref<10240x128xf32, #tpu.memory_space<hbm>>) target(%arg10 : memref<128x128xf32, #tpu.memory_space<vmem>>) offsets(%dma_start3A_44 : memref<128xi32, #tpu.memory_space<vmem>>) semaphore(%arg13 : memref<!tpu.dma_semaphore, #tpu.memory_space<semaphore_mem>>)
    %scan3A_48 = arith.constant 0 : i32
    %scan3A_49 = arith.constant 20 : i32
    %scan3A_50 = arith.addi %scan3A_48, %scan3A_49 : i32
    %scan3A_51 = arith.constant 1 : i32
    scf.for %scan3A_61 = %scan3A_48 to %scan3A_50 step %scan3A_51  : i32 {
      %mul3A_62 = arith.constant 2 : i32
      %mul3A_63 = arith.muli %scan3A_61, %mul3A_62 : i32
      %add3A_64 = arith.constant 0 : i32
      %add3A_65 = arith.addi %add3A_64, %mul3A_63 : i32
      %dma_wait3A = arith.constant 0 : i32
      %dma_wait3A_66 = arith.constant 0 : i32
      %dma_wait3A_67 = tpu.memref_slice %arg8[%dma_wait3A, %dma_wait3A_66] : memref<40x128xi32, #tpu.memory_space<vmem>> -> memref<1x128xi32, #tpu.memory_space<vmem>>
      %dma_wait3A_68 = tpu.memref_squeeze %dma_wait3A_67 : memref<1x128xi32, #tpu.memory_space<vmem>> -> memref<128xi32, #tpu.memory_space<vmem>>
      %dma_wait3A_69 = arith.constant 0 : i32
      %dma_wait3A_70 = arith.constant 0 : i32
      %dma_wait3A_71 = tpu.memref_slice %arg2[%dma_wait3A_69, %dma_wait3A_70] : memref<10240x128xf32, #tpu.memory_space<hbm>> -> memref<10240x128xf32, #tpu.memory_space<hbm>>
      tpu.wait_indirect_dma semaphore(%arg13 : memref<!tpu.dma_semaphore, #tpu.memory_space<semaphore_mem>>) src(%dma_wait3A_71 : memref<10240x128xf32, #tpu.memory_space<hbm>>) dst(%arg10 : memref<128x128xf32, #tpu.memory_space<vmem>>)
      %add3A_72 = arith.constant 1 : i32
      %add3A_73 = arith.addi %add3A_65, %add3A_72 : i32
      %dma_start3A_74 = arith.constant 0 : i32
      %dma_start3A_75 = tpu.memref_slice %arg8[%add3A_73, %dma_start3A_74] : memref<40x128xi32, #tpu.memory_space<vmem>> -> memref<1x128xi32, #tpu.memory_space<vmem>>
      %dma_start3A_76 = tpu.memref_squeeze %dma_start3A_75 : memref<1x128xi32, #tpu.memory_space<vmem>> -> memref<128xi32, #tpu.memory_space<vmem>>
      %dma_start3A_77 = arith.constant 0 : i32
      %dma_start3A_78 = arith.constant 0 : i32
      %dma_start3A_79 = tpu.memref_slice %arg2[%dma_start3A_77, %dma_start3A_78] : memref<10240x128xf32, #tpu.memory_space<hbm>> -> memref<10240x128xf32, #tpu.memory_space<hbm>>
      tpu.enqueue_indirect_dma source(%dma_start3A_79 : memref<10240x128xf32, #tpu.memory_space<hbm>>) target(%arg11 : memref<128x128xf32, #tpu.memory_space<vmem>>) offsets(%dma_start3A_76 : memref<128xi32, #tpu.memory_space<vmem>>) semaphore(%arg13 : memref<!tpu.dma_semaphore, #tpu.memory_space<semaphore_mem>>)
      "tpu.region"() ({
        %run_scoped3A_95 = tpu.sem_alloc : memref<!tpu.dma_semaphore, #tpu.memory_space<semaphore_mem>>
        %dma_start3A_96 = arith.constant 0 : i32
        %dma_start3A_97 = tpu.memref_slice %arg9[%add3A_65, %dma_start3A_96] : memref<40x128xi32, #tpu.memory_space<vmem>> -> memref<1x128xi32, #tpu.memory_space<vmem>>
        %dma_start3A_98 = tpu.memref_squeeze %dma_start3A_97 : memref<1x128xi32, #tpu.memory_space<vmem>> -> memref<128xi32, #tpu.memory_space<vmem>>
        %dma_start3A_99 = arith.constant 0 : i32
        %dma_start3A_100 = arith.constant 0 : i32
        %dma_start3A_101 = tpu.memref_slice %arg12[%dma_start3A_99, %dma_start3A_100] : memref<10240x128xf32, #tpu.memory_space<vmem_shared>> -> memref<10240x128xf32, #tpu.memory_space<vmem_shared>>
        tpu.enqueue_indirect_dma source(%arg10 : memref<128x128xf32, #tpu.memory_space<vmem>>) target(%dma_start3A_101 : memref<10240x128xf32, #tpu.memory_space<vmem_shared>>) offsets(%dma_start3A_98 : memref<128xi32, #tpu.memory_space<vmem>>) semaphore(%run_scoped3A_95 : memref<!tpu.dma_semaphore, #tpu.memory_space<semaphore_mem>>) {add = true}
        %dma_wait3A_102 = arith.constant 0 : i32
        %dma_wait3A_103 = tpu.memref_slice %arg9[%add3A_65, %dma_wait3A_102] : memref<40x128xi32, #tpu.memory_space<vmem>> -> memref<1x128xi32, #tpu.memory_space<vmem>>
        %dma_wait3A_104 = tpu.memref_squeeze %dma_wait3A_103 : memref<1x128xi32, #tpu.memory_space<vmem>> -> memref<128xi32, #tpu.memory_space<vmem>>
        %dma_wait3A_105 = arith.constant 0 : i32
        %dma_wait3A_106 = arith.constant 0 : i32
        %dma_wait3A_107 = tpu.memref_slice %arg12[%dma_wait3A_105, %dma_wait3A_106] : memref<10240x128xf32, #tpu.memory_space<vmem_shared>> -> memref<10240x128xf32, #tpu.memory_space<vmem_shared>>
        tpu.wait_indirect_dma semaphore(%run_scoped3A_95 : memref<!tpu.dma_semaphore, #tpu.memory_space<semaphore_mem>>) src(%arg10 : memref<128x128xf32, #tpu.memory_space<vmem>>) dst(%dma_wait3A_107 : memref<10240x128xf32, #tpu.memory_space<vmem_shared>>)
        tpu.yield
      }) : () -> ()
      "tpu.region"() ({
        %run_scoped3A_95 = tpu.sem_alloc : memref<!tpu.dma_semaphore, #tpu.memory_space<semaphore_mem>>
        %dma_start3A_96 = arith.constant 0 : i32
        %dma_start3A_97 = tpu.memref_slice %arg9[%add3A_65, %dma_start3A_96] : memref<40x128xi32, #tpu.memory_space<vmem>> -> memref<1x128xi32, #tpu.memory_space<vmem>>
        %dma_start3A_98 = tpu.memref_squeeze %dma_start3A_97 : memref<1x128xi32, #tpu.memory_space<vmem>> -> memref<128xi32, #tpu.memory_space<vmem>>
        %dma_start3A_99 = arith.constant 0 : i32
        %dma_start3A_100 = tpu.memref_slice %arg16[%dma_start3A_99] : memref<10240xf32, #tpu.memory_space<vmem_shared>> -> memref<10240xf32, #tpu.memory_space<vmem_shared>>
        tpu.enqueue_indirect_dma source(%arg14 : memref<128xf32, #tpu.memory_space<vmem>>) target(%dma_start3A_100 : memref<10240xf32, #tpu.memory_space<vmem_shared>>) offsets(%dma_start3A_98 : memref<128xi32, #tpu.memory_space<vmem>>) semaphore(%run_scoped3A_95 : memref<!tpu.dma_semaphore, #tpu.memory_space<semaphore_mem>>) {add = true}
        %dma_wait3A_101 = arith.constant 0 : i32
        %dma_wait3A_102 = tpu.memref_slice %arg9[%add3A_65, %dma_wait3A_101] : memref<40x128xi32, #tpu.memory_space<vmem>> -> memref<1x128xi32, #tpu.memory_space<vmem>>
        %dma_wait3A_103 = tpu.memref_squeeze %dma_wait3A_102 : memref<1x128xi32, #tpu.memory_space<vmem>> -> memref<128xi32, #tpu.memory_space<vmem>>
        %dma_wait3A_104 = arith.constant 0 : i32
        %dma_wait3A_105 = tpu.memref_slice %arg16[%dma_wait3A_104] : memref<10240xf32, #tpu.memory_space<vmem_shared>> -> memref<10240xf32, #tpu.memory_space<vmem_shared>>
        tpu.wait_indirect_dma semaphore(%run_scoped3A_95 : memref<!tpu.dma_semaphore, #tpu.memory_space<semaphore_mem>>) src(%arg14 : memref<128xf32, #tpu.memory_space<vmem>>) dst(%dma_wait3A_105 : memref<10240xf32, #tpu.memory_space<vmem_shared>>)
        tpu.yield
      }) : () -> ()
      %dma_wait3A_80 = arith.constant 0 : i32
      %dma_wait3A_81 = arith.constant 0 : i32
      %dma_wait3A_82 = tpu.memref_slice %arg8[%dma_wait3A_80, %dma_wait3A_81] : memref<40x128xi32, #tpu.memory_space<vmem>> -> memref<1x128xi32, #tpu.memory_space<vmem>>
      %dma_wait3A_83 = tpu.memref_squeeze %dma_wait3A_82 : memref<1x128xi32, #tpu.memory_space<vmem>> -> memref<128xi32, #tpu.memory_space<vmem>>
      %dma_wait3A_84 = arith.constant 0 : i32
      %dma_wait3A_85 = arith.constant 0 : i32
      %dma_wait3A_86 = tpu.memref_slice %arg2[%dma_wait3A_84, %dma_wait3A_85] : memref<10240x128xf32, #tpu.memory_space<hbm>> -> memref<10240x128xf32, #tpu.memory_space<hbm>>
      tpu.wait_indirect_dma semaphore(%arg13 : memref<!tpu.dma_semaphore, #tpu.memory_space<semaphore_mem>>) src(%dma_wait3A_86 : memref<10240x128xf32, #tpu.memory_space<hbm>>) dst(%arg11 : memref<128x128xf32, #tpu.memory_space<vmem>>)
      %add3A_87 = arith.constant 2 : i32
      %add3A_88 = arith.addi %add3A_65, %add3A_87 : i32
      %lt3A = arith.constant 40 : i32
      %lt3A_89 = arith.cmpi slt, %add3A_88, %lt3A : i32
      %convert_element_type3A_90 = arith.extui %lt3A_89 : i1 to i32
      %cond3A_91 = arith.constant 0 : i32
      %cond3A_92 = arith.cmpi ne, %convert_element_type3A_90, %cond3A_91 : i32
      scf.if %cond3A_92 {
        %add3A_95 = arith.constant 2 : i32
        %add3A_96 = arith.addi %add3A_65, %add3A_95 : i32
        %dma_start3A_97 = arith.constant 0 : i32
        %dma_start3A_98 = tpu.memref_slice %arg8[%add3A_96, %dma_start3A_97] : memref<40x128xi32, #tpu.memory_space<vmem>> -> memref<1x128xi32, #tpu.memory_space<vmem>>
        %dma_start3A_99 = tpu.memref_squeeze %dma_start3A_98 : memref<1x128xi32, #tpu.memory_space<vmem>> -> memref<128xi32, #tpu.memory_space<vmem>>
        %dma_start3A_100 = arith.constant 0 : i32
        %dma_start3A_101 = arith.constant 0 : i32
        %dma_start3A_102 = tpu.memref_slice %arg2[%dma_start3A_100, %dma_start3A_101] : memref<10240x128xf32, #tpu.memory_space<hbm>> -> memref<10240x128xf32, #tpu.memory_space<hbm>>
        tpu.enqueue_indirect_dma source(%dma_start3A_102 : memref<10240x128xf32, #tpu.memory_space<hbm>>) target(%arg10 : memref<128x128xf32, #tpu.memory_space<vmem>>) offsets(%dma_start3A_99 : memref<128xi32, #tpu.memory_space<vmem>>) semaphore(%arg13 : memref<!tpu.dma_semaphore, #tpu.memory_space<semaphore_mem>>)
      } else {
      }
      %add3A_93 = arith.constant 1 : i32
      %add3A_94 = arith.addi %add3A_65, %add3A_93 : i32
      "tpu.region"() ({
        %run_scoped3A_95 = tpu.sem_alloc : memref<!tpu.dma_semaphore, #tpu.memory_space<semaphore_mem>>
        %dma_start3A_96 = arith.constant 0 : i32
        %dma_start3A_97 = tpu.memref_slice %arg9[%add3A_94, %dma_start3A_96] : memref<40x128xi32, #tpu.memory_space<vmem>> -> memref<1x128xi32, #tpu.memory_space<vmem>>
        %dma_start3A_98 = tpu.memref_squeeze %dma_start3A_97 : memref<1x128xi32, #tpu.memory_space<vmem>> -> memref<128xi32, #tpu.memory_space<vmem>>
        %dma_start3A_99 = arith.constant 0 : i32
        %dma_start3A_100 = arith.constant 0 : i32
        %dma_start3A_101 = tpu.memref_slice %arg12[%dma_start3A_99, %dma_start3A_100] : memref<10240x128xf32, #tpu.memory_space<vmem_shared>> -> memref<10240x128xf32, #tpu.memory_space<vmem_shared>>
        tpu.enqueue_indirect_dma source(%arg11 : memref<128x128xf32, #tpu.memory_space<vmem>>) target(%dma_start3A_101 : memref<10240x128xf32, #tpu.memory_space<vmem_shared>>) offsets(%dma_start3A_98 : memref<128xi32, #tpu.memory_space<vmem>>) semaphore(%run_scoped3A_95 : memref<!tpu.dma_semaphore, #tpu.memory_space<semaphore_mem>>) {add = true}
        %dma_wait3A_102 = arith.constant 0 : i32
        %dma_wait3A_103 = tpu.memref_slice %arg9[%add3A_94, %dma_wait3A_102] : memref<40x128xi32, #tpu.memory_space<vmem>> -> memref<1x128xi32, #tpu.memory_space<vmem>>
        %dma_wait3A_104 = tpu.memref_squeeze %dma_wait3A_103 : memref<1x128xi32, #tpu.memory_space<vmem>> -> memref<128xi32, #tpu.memory_space<vmem>>
        %dma_wait3A_105 = arith.constant 0 : i32
        %dma_wait3A_106 = arith.constant 0 : i32
        %dma_wait3A_107 = tpu.memref_slice %arg12[%dma_wait3A_105, %dma_wait3A_106] : memref<10240x128xf32, #tpu.memory_space<vmem_shared>> -> memref<10240x128xf32, #tpu.memory_space<vmem_shared>>
        tpu.wait_indirect_dma semaphore(%run_scoped3A_95 : memref<!tpu.dma_semaphore, #tpu.memory_space<semaphore_mem>>) src(%arg11 : memref<128x128xf32, #tpu.memory_space<vmem>>) dst(%dma_wait3A_107 : memref<10240x128xf32, #tpu.memory_space<vmem_shared>>)
        tpu.yield
      }) : () -> ()
      "tpu.region"() ({
        %run_scoped3A_95 = tpu.sem_alloc : memref<!tpu.dma_semaphore, #tpu.memory_space<semaphore_mem>>
        %dma_start3A_96 = arith.constant 0 : i32
        %dma_start3A_97 = tpu.memref_slice %arg9[%add3A_94, %dma_start3A_96] : memref<40x128xi32, #tpu.memory_space<vmem>> -> memref<1x128xi32, #tpu.memory_space<vmem>>
        %dma_start3A_98 = tpu.memref_squeeze %dma_start3A_97 : memref<1x128xi32, #tpu.memory_space<vmem>> -> memref<128xi32, #tpu.memory_space<vmem>>
        %dma_start3A_99 = arith.constant 0 : i32
        %dma_start3A_100 = tpu.memref_slice %arg16[%dma_start3A_99] : memref<10240xf32, #tpu.memory_space<vmem_shared>> -> memref<10240xf32, #tpu.memory_space<vmem_shared>>
        tpu.enqueue_indirect_dma source(%arg14 : memref<128xf32, #tpu.memory_space<vmem>>) target(%dma_start3A_100 : memref<10240xf32, #tpu.memory_space<vmem_shared>>) offsets(%dma_start3A_98 : memref<128xi32, #tpu.memory_space<vmem>>) semaphore(%run_scoped3A_95 : memref<!tpu.dma_semaphore, #tpu.memory_space<semaphore_mem>>) {add = true}
        %dma_wait3A_101 = arith.constant 0 : i32
        %dma_wait3A_102 = tpu.memref_slice %arg9[%add3A_94, %dma_wait3A_101] : memref<40x128xi32, #tpu.memory_space<vmem>> -> memref<1x128xi32, #tpu.memory_space<vmem>>
        %dma_wait3A_103 = tpu.memref_squeeze %dma_wait3A_102 : memref<1x128xi32, #tpu.memory_space<vmem>> -> memref<128xi32, #tpu.memory_space<vmem>>
        %dma_wait3A_104 = arith.constant 0 : i32
        %dma_wait3A_105 = tpu.memref_slice %arg16[%dma_wait3A_104] : memref<10240xf32, #tpu.memory_space<vmem_shared>> -> memref<10240xf32, #tpu.memory_space<vmem_shared>>
        tpu.wait_indirect_dma semaphore(%run_scoped3A_95 : memref<!tpu.dma_semaphore, #tpu.memory_space<semaphore_mem>>) src(%arg14 : memref<128xf32, #tpu.memory_space<vmem>>) dst(%dma_wait3A_105 : memref<10240xf32, #tpu.memory_space<vmem_shared>>)
        tpu.yield
      }) : () -> ()
    }
    %scan3A_52 = arith.constant 20 : i32
    %barrier3A_53 = arith.constant 0 : index
    tpu.barrier barrier_id(%barrier3A_53)
    %eq3A = arith.constant 0 : i32
    %eq3A_54 = arith.cmpi eq, %arg0, %eq3A : i32
    %convert_element_type3A = arith.extui %eq3A_54 : i1 to i32
    %cond3A = arith.constant 0 : i32
    %cond3A_55 = arith.cmpi ne, %convert_element_type3A, %cond3A : i32
    scf.if %cond3A_55 {
      "tpu.region"() ({
        %run_scoped3A_61 = tpu.sem_alloc : memref<!tpu.dma_semaphore, #tpu.memory_space<semaphore_mem>>
        %dma_start3A_62 = arith.constant 0 : i32
        %dma_start3A_63 = tpu.memref_slice %arg5[%mul3A_2, %dma_start3A_62] : memref<10240x128xf32, #tpu.memory_space<hbm>> -> memref<640x128xf32, #tpu.memory_space<hbm>>
        %dma_start3A_64 = arith.constant 0 : i32
        %dma_start3A_65 = tpu.memref_slice %arg12[%mul3A_2, %dma_start3A_64] : memref<10240x128xf32, #tpu.memory_space<vmem_shared>> -> memref<640x128xf32, #tpu.memory_space<vmem_shared>>
        tpu.enqueue_dma source(%dma_start3A_65 : memref<640x128xf32, #tpu.memory_space<vmem_shared>>) target(%dma_start3A_63 : memref<640x128xf32, #tpu.memory_space<hbm>>) target_semaphore(%run_scoped3A_61 : memref<!tpu.dma_semaphore, #tpu.memory_space<semaphore_mem>>)
        %dma_wait3A = arith.constant 0 : i32
        %dma_wait3A_66 = tpu.memref_slice %arg5[%mul3A_2, %dma_wait3A] : memref<10240x128xf32, #tpu.memory_space<hbm>> -> memref<640x128xf32, #tpu.memory_space<hbm>>
        %dma_wait3A_67 = arith.constant 0 : i32
        %dma_wait3A_68 = tpu.memref_slice %arg12[%mul3A_2, %dma_wait3A_67] : memref<10240x128xf32, #tpu.memory_space<vmem_shared>> -> memref<640x128xf32, #tpu.memory_space<vmem_shared>>
        tpu.wait_dma2 semaphore(%run_scoped3A_61 : memref<!tpu.dma_semaphore, #tpu.memory_space<semaphore_mem>>) src(%dma_wait3A_68 : memref<640x128xf32, #tpu.memory_space<vmem_shared>>) dst(%dma_wait3A_66 : memref<640x128xf32, #tpu.memory_space<hbm>>)
        tpu.yield
      }) : () -> ()
    } else {
    }
    %eq3A_56 = arith.constant 1 : i32
    %eq3A_57 = arith.cmpi eq, %arg0, %eq3A_56 : i32
    %convert_element_type3A_58 = arith.extui %eq3A_57 : i1 to i32
    %cond3A_59 = arith.constant 0 : i32
    %cond3A_60 = arith.cmpi ne, %convert_element_type3A_58, %cond3A_59 : i32
    scf.if %cond3A_60 {
      "tpu.region"() ({
        %run_scoped3A_61 = tpu.sem_alloc : memref<!tpu.dma_semaphore, #tpu.memory_space<semaphore_mem>>
        %dma_start3A_62 = arith.constant 0 : i32
        %dma_start3A_63 = tpu.memref_slice %arg6[%mul3A_2, %dma_start3A_62] : memref<10240x128xf32, #tpu.memory_space<hbm>> -> memref<640x128xf32, #tpu.memory_space<hbm>>
        %dma_start3A_64 = arith.constant 0 : i32
        %dma_start3A_65 = tpu.memref_slice %arg12[%mul3A_2, %dma_start3A_64] : memref<10240x128xf32, #tpu.memory_space<vmem_shared>> -> memref<640x128xf32, #tpu.memory_space<vmem_shared>>
        tpu.enqueue_dma source(%dma_start3A_65 : memref<640x128xf32, #tpu.memory_space<vmem_shared>>) target(%dma_start3A_63 : memref<640x128xf32, #tpu.memory_space<hbm>>) target_semaphore(%run_scoped3A_61 : memref<!tpu.dma_semaphore, #tpu.memory_space<semaphore_mem>>)
        %dma_wait3A = arith.constant 0 : i32
        %dma_wait3A_66 = tpu.memref_slice %arg6[%mul3A_2, %dma_wait3A] : memref<10240x128xf32, #tpu.memory_space<hbm>> -> memref<640x128xf32, #tpu.memory_space<hbm>>
        %dma_wait3A_67 = arith.constant 0 : i32
        %dma_wait3A_68 = tpu.memref_slice %arg12[%mul3A_2, %dma_wait3A_67] : memref<10240x128xf32, #tpu.memory_space<vmem_shared>> -> memref<640x128xf32, #tpu.memory_space<vmem_shared>>
        tpu.wait_dma2 semaphore(%run_scoped3A_61 : memref<!tpu.dma_semaphore, #tpu.memory_space<semaphore_mem>>) src(%dma_wait3A_68 : memref<640x128xf32, #tpu.memory_space<vmem_shared>>) dst(%dma_wait3A_66 : memref<640x128xf32, #tpu.memory_space<hbm>>)
        tpu.yield
      }) : () -> ()
    } else {
    }
    "tpu.region"() ({
      %run_scoped3A_61 = tpu.sem_alloc : memref<!tpu.dma_semaphore, #tpu.memory_space<semaphore_mem>>
      %dma_start3A_62 = tpu.memref_slice %arg7[%arg0, %mul3A_2] : memref<2x10240xf32, #tpu.memory_space<hbm>> -> memref<1x640xf32, #tpu.memory_space<hbm>>
      %dma_start3A_63 = tpu.memref_squeeze %dma_start3A_62 : memref<1x640xf32, #tpu.memory_space<hbm>> -> memref<640xf32, #tpu.memory_space<hbm>>
      %dma_start3A_64 = tpu.memref_slice %arg16[%mul3A_2] : memref<10240xf32, #tpu.memory_space<vmem_shared>> -> memref<640xf32, #tpu.memory_space<vmem_shared>>
      tpu.enqueue_dma source(%dma_start3A_64 : memref<640xf32, #tpu.memory_space<vmem_shared>>) target(%dma_start3A_63 : memref<640xf32, #tpu.memory_space<hbm>>) target_semaphore(%run_scoped3A_61 : memref<!tpu.dma_semaphore, #tpu.memory_space<semaphore_mem>>)
      %dma_wait3A = tpu.memref_slice %arg7[%arg0, %mul3A_2] : memref<2x10240xf32, #tpu.memory_space<hbm>> -> memref<1x640xf32, #tpu.memory_space<hbm>>
      %dma_wait3A_65 = tpu.memref_squeeze %dma_wait3A : memref<1x640xf32, #tpu.memory_space<hbm>> -> memref<640xf32, #tpu.memory_space<hbm>>
      %dma_wait3A_66 = tpu.memref_slice %arg16[%mul3A_2] : memref<10240xf32, #tpu.memory_space<vmem_shared>> -> memref<640xf32, #tpu.memory_space<vmem_shared>>
      tpu.wait_dma2 semaphore(%run_scoped3A_61 : memref<!tpu.dma_semaphore, #tpu.memory_space<semaphore_mem>>) src(%dma_wait3A_66 : memref<640xf32, #tpu.memory_space<vmem_shared>>) dst(%dma_wait3A_65 : memref<640xf32, #tpu.memory_space<hbm>>)
      tpu.yield
    }) : () -> ()
    return
  }
}

#map = affine_map<(d0, d1) -> (0, 0, 0)>
#map1 = affine_map<(d0, d1) -> (0, 0)>
module attributes {stable_mosaic.version = 14 : i64} {
  func.func @_sc_embed(%arg0: i32, %arg1: i32, %arg2: memref<32x5x64xi32, #tpu.memory_space<hbm>>, %arg3: memref<32x5x64xi32, #tpu.memory_space<hbm>>, %arg4: memref<32x5x64xi32, #tpu.memory_space<hbm>>, %arg5: memref<64x128xf32, #tpu.memory_space<hbm>>, %arg6: memref<32x128xf32, #tpu.memory_space<hbm>>, %arg7: memref<4096x128xf32, #tpu.memory_space<hbm>>, %arg8: memref<10240x128xf32, #tpu.memory_space<hbm>>, %arg9: memref<5x64xi32, #tpu.memory_space<vmem>>, %arg10: memref<5x64xi32, #tpu.memory_space<vmem>>, %arg11: memref<5x64xi32, #tpu.memory_space<vmem>>, %arg12: memref<64x128xf32, #tpu.memory_space<vmem>>, %arg13: memref<64x128xf32, #tpu.memory_space<vmem>>, %arg14: memref<64x128xf32, #tpu.memory_space<vmem>>, %arg15: memref<!tpu.dma_semaphore, #tpu.memory_space<semaphore_mem>>) attributes {dimension_semantics = [#tpu.dimension_semantics<core_parallel>, #tpu.dimension_semantics<subcore_parallel>], iteration_bounds = array<i64: 2, 16>, scalar_prefetch = 0 : i64, scratch_operands = 7 : i64, tpu.core_type = #tpu.core_type<sc_vector_subcore>, window_params = [{transform_indices = #map}, {transform_indices = #map}, {transform_indices = #map}, {transform_indices = #map1}, {transform_indices = #map1}, {transform_indices = #map1}, {transform_indices = #map1}]} {
    %mul3A = arith.constant 2 : i32
    %mul3A_0 = arith.muli %arg1, %mul3A : i32
    %add3A = arith.addi %mul3A_0, %arg0 : i32
    %mul3A_1 = arith.constant 320 : i32
    %mul3A_2 = arith.muli %add3A, %mul3A_1 : i32
    "tpu.region"() ({
      %run_scoped3A = tpu.sem_alloc : memref<!tpu.dma_semaphore, #tpu.memory_space<semaphore_mem>>
      %dma_start3A = arith.constant 0 : i32
      %dma_start3A_7 = arith.constant 0 : i32
      %dma_start3A_8 = tpu.memref_slice %arg2[%add3A, %dma_start3A, %dma_start3A_7] : memref<32x5x64xi32, #tpu.memory_space<hbm>> -> memref<1x5x64xi32, #tpu.memory_space<hbm>>
      %dma_start3A_9 = tpu.memref_squeeze %dma_start3A_8 : memref<1x5x64xi32, #tpu.memory_space<hbm>> -> memref<5x64xi32, #tpu.memory_space<hbm>>
      %dma_start3A_10 = arith.constant 0 : i32
      %dma_start3A_11 = arith.constant 0 : i32
      %dma_start3A_12 = tpu.memref_slice %arg2[%add3A, %dma_start3A_10, %dma_start3A_11] : memref<32x5x64xi32, #tpu.memory_space<hbm>> -> memref<1x5x64xi32, #tpu.memory_space<hbm>>
      %dma_start3A_13 = tpu.memref_squeeze %dma_start3A_12 : memref<1x5x64xi32, #tpu.memory_space<hbm>> -> memref<5x64xi32, #tpu.memory_space<hbm>>
      tpu.enqueue_dma source(%dma_start3A_13 : memref<5x64xi32, #tpu.memory_space<hbm>>) target(%arg9 : memref<5x64xi32, #tpu.memory_space<vmem>>) target_semaphore(%run_scoped3A : memref<!tpu.dma_semaphore, #tpu.memory_space<semaphore_mem>>)
      %dma_wait3A = arith.constant 0 : i32
      %dma_wait3A_14 = arith.constant 0 : i32
      %dma_wait3A_15 = tpu.memref_slice %arg2[%add3A, %dma_wait3A, %dma_wait3A_14] : memref<32x5x64xi32, #tpu.memory_space<hbm>> -> memref<1x5x64xi32, #tpu.memory_space<hbm>>
      %dma_wait3A_16 = tpu.memref_squeeze %dma_wait3A_15 : memref<1x5x64xi32, #tpu.memory_space<hbm>> -> memref<5x64xi32, #tpu.memory_space<hbm>>
      %dma_wait3A_17 = arith.constant 0 : i32
      %dma_wait3A_18 = arith.constant 0 : i32
      %dma_wait3A_19 = tpu.memref_slice %arg2[%add3A, %dma_wait3A_17, %dma_wait3A_18] : memref<32x5x64xi32, #tpu.memory_space<hbm>> -> memref<1x5x64xi32, #tpu.memory_space<hbm>>
      %dma_wait3A_20 = tpu.memref_squeeze %dma_wait3A_19 : memref<1x5x64xi32, #tpu.memory_space<hbm>> -> memref<5x64xi32, #tpu.memory_space<hbm>>
      tpu.wait_dma2 semaphore(%run_scoped3A : memref<!tpu.dma_semaphore, #tpu.memory_space<semaphore_mem>>) src(%dma_wait3A_20 : memref<5x64xi32, #tpu.memory_space<hbm>>) dst(%arg9 : memref<5x64xi32, #tpu.memory_space<vmem>>)
      tpu.yield
    }) : () -> ()
    "tpu.region"() ({
      %run_scoped3A = tpu.sem_alloc : memref<!tpu.dma_semaphore, #tpu.memory_space<semaphore_mem>>
      %dma_start3A = arith.constant 0 : i32
      %dma_start3A_7 = arith.constant 0 : i32
      %dma_start3A_8 = tpu.memref_slice %arg3[%add3A, %dma_start3A, %dma_start3A_7] : memref<32x5x64xi32, #tpu.memory_space<hbm>> -> memref<1x5x64xi32, #tpu.memory_space<hbm>>
      %dma_start3A_9 = tpu.memref_squeeze %dma_start3A_8 : memref<1x5x64xi32, #tpu.memory_space<hbm>> -> memref<5x64xi32, #tpu.memory_space<hbm>>
      %dma_start3A_10 = arith.constant 0 : i32
      %dma_start3A_11 = arith.constant 0 : i32
      %dma_start3A_12 = tpu.memref_slice %arg3[%add3A, %dma_start3A_10, %dma_start3A_11] : memref<32x5x64xi32, #tpu.memory_space<hbm>> -> memref<1x5x64xi32, #tpu.memory_space<hbm>>
      %dma_start3A_13 = tpu.memref_squeeze %dma_start3A_12 : memref<1x5x64xi32, #tpu.memory_space<hbm>> -> memref<5x64xi32, #tpu.memory_space<hbm>>
      tpu.enqueue_dma source(%dma_start3A_13 : memref<5x64xi32, #tpu.memory_space<hbm>>) target(%arg10 : memref<5x64xi32, #tpu.memory_space<vmem>>) target_semaphore(%run_scoped3A : memref<!tpu.dma_semaphore, #tpu.memory_space<semaphore_mem>>)
      %dma_wait3A = arith.constant 0 : i32
      %dma_wait3A_14 = arith.constant 0 : i32
      %dma_wait3A_15 = tpu.memref_slice %arg3[%add3A, %dma_wait3A, %dma_wait3A_14] : memref<32x5x64xi32, #tpu.memory_space<hbm>> -> memref<1x5x64xi32, #tpu.memory_space<hbm>>
      %dma_wait3A_16 = tpu.memref_squeeze %dma_wait3A_15 : memref<1x5x64xi32, #tpu.memory_space<hbm>> -> memref<5x64xi32, #tpu.memory_space<hbm>>
      %dma_wait3A_17 = arith.constant 0 : i32
      %dma_wait3A_18 = arith.constant 0 : i32
      %dma_wait3A_19 = tpu.memref_slice %arg3[%add3A, %dma_wait3A_17, %dma_wait3A_18] : memref<32x5x64xi32, #tpu.memory_space<hbm>> -> memref<1x5x64xi32, #tpu.memory_space<hbm>>
      %dma_wait3A_20 = tpu.memref_squeeze %dma_wait3A_19 : memref<1x5x64xi32, #tpu.memory_space<hbm>> -> memref<5x64xi32, #tpu.memory_space<hbm>>
      tpu.wait_dma2 semaphore(%run_scoped3A : memref<!tpu.dma_semaphore, #tpu.memory_space<semaphore_mem>>) src(%dma_wait3A_20 : memref<5x64xi32, #tpu.memory_space<hbm>>) dst(%arg10 : memref<5x64xi32, #tpu.memory_space<vmem>>)
      tpu.yield
    }) : () -> ()
    "tpu.region"() ({
      %run_scoped3A = tpu.sem_alloc : memref<!tpu.dma_semaphore, #tpu.memory_space<semaphore_mem>>
      %dma_start3A = arith.constant 0 : i32
      %dma_start3A_7 = arith.constant 0 : i32
      %dma_start3A_8 = tpu.memref_slice %arg4[%add3A, %dma_start3A, %dma_start3A_7] : memref<32x5x64xi32, #tpu.memory_space<hbm>> -> memref<1x5x64xi32, #tpu.memory_space<hbm>>
      %dma_start3A_9 = tpu.memref_squeeze %dma_start3A_8 : memref<1x5x64xi32, #tpu.memory_space<hbm>> -> memref<5x64xi32, #tpu.memory_space<hbm>>
      %dma_start3A_10 = arith.constant 0 : i32
      %dma_start3A_11 = arith.constant 0 : i32
      %dma_start3A_12 = tpu.memref_slice %arg4[%add3A, %dma_start3A_10, %dma_start3A_11] : memref<32x5x64xi32, #tpu.memory_space<hbm>> -> memref<1x5x64xi32, #tpu.memory_space<hbm>>
      %dma_start3A_13 = tpu.memref_squeeze %dma_start3A_12 : memref<1x5x64xi32, #tpu.memory_space<hbm>> -> memref<5x64xi32, #tpu.memory_space<hbm>>
      tpu.enqueue_dma source(%dma_start3A_13 : memref<5x64xi32, #tpu.memory_space<hbm>>) target(%arg11 : memref<5x64xi32, #tpu.memory_space<vmem>>) target_semaphore(%run_scoped3A : memref<!tpu.dma_semaphore, #tpu.memory_space<semaphore_mem>>)
      %dma_wait3A = arith.constant 0 : i32
      %dma_wait3A_14 = arith.constant 0 : i32
      %dma_wait3A_15 = tpu.memref_slice %arg4[%add3A, %dma_wait3A, %dma_wait3A_14] : memref<32x5x64xi32, #tpu.memory_space<hbm>> -> memref<1x5x64xi32, #tpu.memory_space<hbm>>
      %dma_wait3A_16 = tpu.memref_squeeze %dma_wait3A_15 : memref<1x5x64xi32, #tpu.memory_space<hbm>> -> memref<5x64xi32, #tpu.memory_space<hbm>>
      %dma_wait3A_17 = arith.constant 0 : i32
      %dma_wait3A_18 = arith.constant 0 : i32
      %dma_wait3A_19 = tpu.memref_slice %arg4[%add3A, %dma_wait3A_17, %dma_wait3A_18] : memref<32x5x64xi32, #tpu.memory_space<hbm>> -> memref<1x5x64xi32, #tpu.memory_space<hbm>>
      %dma_wait3A_20 = tpu.memref_squeeze %dma_wait3A_19 : memref<1x5x64xi32, #tpu.memory_space<hbm>> -> memref<5x64xi32, #tpu.memory_space<hbm>>
      tpu.wait_dma2 semaphore(%run_scoped3A : memref<!tpu.dma_semaphore, #tpu.memory_space<semaphore_mem>>) src(%dma_wait3A_20 : memref<5x64xi32, #tpu.memory_space<hbm>>) dst(%arg11 : memref<5x64xi32, #tpu.memory_space<vmem>>)
      tpu.yield
    }) : () -> ()
    %scan3A = arith.constant 0 : i32
    %scan3A_3 = arith.constant 5 : i32
    %scan3A_4 = arith.addi %scan3A, %scan3A_3 : i32
    %scan3A_5 = arith.constant 1 : i32
    scf.for %scan3A_7 = %scan3A to %scan3A_4 step %scan3A_5  : i32 {
      %mul3A_8 = arith.constant 1 : i32
      %mul3A_9 = arith.muli %scan3A_7, %mul3A_8 : i32
      %add3A_10 = arith.constant 0 : i32
      %add3A_11 = arith.addi %add3A_10, %mul3A_9 : i32
      %dma_start3A = arith.constant 0 : i32
      %dma_start3A_12 = tpu.memref_slice %arg9[%add3A_11, %dma_start3A] : memref<5x64xi32, #tpu.memory_space<vmem>> -> memref<1x64xi32, #tpu.memory_space<vmem>>
      %dma_start3A_13 = tpu.memref_squeeze %dma_start3A_12 : memref<1x64xi32, #tpu.memory_space<vmem>> -> memref<64xi32, #tpu.memory_space<vmem>>
      %dma_start3A_14 = arith.constant 0 : i32
      %dma_start3A_15 = arith.constant 0 : i32
      %dma_start3A_16 = tpu.memref_slice %arg5[%dma_start3A_14, %dma_start3A_15] : memref<64x128xf32, #tpu.memory_space<hbm>> -> memref<64x128xf32, #tpu.memory_space<hbm>>
      tpu.enqueue_indirect_dma source(%dma_start3A_16 : memref<64x128xf32, #tpu.memory_space<hbm>>) target(%arg12 : memref<64x128xf32, #tpu.memory_space<vmem>>) offsets(%dma_start3A_13 : memref<64xi32, #tpu.memory_space<vmem>>) semaphore(%arg15 : memref<!tpu.dma_semaphore, #tpu.memory_space<semaphore_mem>>)
      %dma_start3A_17 = arith.constant 0 : i32
      %dma_start3A_18 = tpu.memref_slice %arg10[%add3A_11, %dma_start3A_17] : memref<5x64xi32, #tpu.memory_space<vmem>> -> memref<1x64xi32, #tpu.memory_space<vmem>>
      %dma_start3A_19 = tpu.memref_squeeze %dma_start3A_18 : memref<1x64xi32, #tpu.memory_space<vmem>> -> memref<64xi32, #tpu.memory_space<vmem>>
      %dma_start3A_20 = arith.constant 0 : i32
      %dma_start3A_21 = arith.constant 0 : i32
      %dma_start3A_22 = tpu.memref_slice %arg6[%dma_start3A_20, %dma_start3A_21] : memref<32x128xf32, #tpu.memory_space<hbm>> -> memref<32x128xf32, #tpu.memory_space<hbm>>
      tpu.enqueue_indirect_dma source(%dma_start3A_22 : memref<32x128xf32, #tpu.memory_space<hbm>>) target(%arg13 : memref<64x128xf32, #tpu.memory_space<vmem>>) offsets(%dma_start3A_19 : memref<64xi32, #tpu.memory_space<vmem>>) semaphore(%arg15 : memref<!tpu.dma_semaphore, #tpu.memory_space<semaphore_mem>>)
      %dma_start3A_23 = arith.constant 0 : i32
      %dma_start3A_24 = tpu.memref_slice %arg11[%add3A_11, %dma_start3A_23] : memref<5x64xi32, #tpu.memory_space<vmem>> -> memref<1x64xi32, #tpu.memory_space<vmem>>
      %dma_start3A_25 = tpu.memref_squeeze %dma_start3A_24 : memref<1x64xi32, #tpu.memory_space<vmem>> -> memref<64xi32, #tpu.memory_space<vmem>>
      %dma_start3A_26 = arith.constant 0 : i32
      %dma_start3A_27 = arith.constant 0 : i32
      %dma_start3A_28 = tpu.memref_slice %arg7[%dma_start3A_26, %dma_start3A_27] : memref<4096x128xf32, #tpu.memory_space<hbm>> -> memref<4096x128xf32, #tpu.memory_space<hbm>>
      tpu.enqueue_indirect_dma source(%dma_start3A_28 : memref<4096x128xf32, #tpu.memory_space<hbm>>) target(%arg14 : memref<64x128xf32, #tpu.memory_space<vmem>>) offsets(%dma_start3A_25 : memref<64xi32, #tpu.memory_space<vmem>>) semaphore(%arg15 : memref<!tpu.dma_semaphore, #tpu.memory_space<semaphore_mem>>)
      %dma_wait3A = arith.constant 0 : i32
      %dma_wait3A_29 = tpu.memref_slice %arg9[%add3A_11, %dma_wait3A] : memref<5x64xi32, #tpu.memory_space<vmem>> -> memref<1x64xi32, #tpu.memory_space<vmem>>
      %dma_wait3A_30 = tpu.memref_squeeze %dma_wait3A_29 : memref<1x64xi32, #tpu.memory_space<vmem>> -> memref<64xi32, #tpu.memory_space<vmem>>
      %dma_wait3A_31 = arith.constant 0 : i32
      %dma_wait3A_32 = arith.constant 0 : i32
      %dma_wait3A_33 = tpu.memref_slice %arg5[%dma_wait3A_31, %dma_wait3A_32] : memref<64x128xf32, #tpu.memory_space<hbm>> -> memref<64x128xf32, #tpu.memory_space<hbm>>
      tpu.wait_indirect_dma semaphore(%arg15 : memref<!tpu.dma_semaphore, #tpu.memory_space<semaphore_mem>>) src(%dma_wait3A_33 : memref<64x128xf32, #tpu.memory_space<hbm>>) dst(%arg12 : memref<64x128xf32, #tpu.memory_space<vmem>>)
      %dma_wait3A_34 = arith.constant 0 : i32
      %dma_wait3A_35 = tpu.memref_slice %arg10[%add3A_11, %dma_wait3A_34] : memref<5x64xi32, #tpu.memory_space<vmem>> -> memref<1x64xi32, #tpu.memory_space<vmem>>
      %dma_wait3A_36 = tpu.memref_squeeze %dma_wait3A_35 : memref<1x64xi32, #tpu.memory_space<vmem>> -> memref<64xi32, #tpu.memory_space<vmem>>
      %dma_wait3A_37 = arith.constant 0 : i32
      %dma_wait3A_38 = arith.constant 0 : i32
      %dma_wait3A_39 = tpu.memref_slice %arg6[%dma_wait3A_37, %dma_wait3A_38] : memref<32x128xf32, #tpu.memory_space<hbm>> -> memref<32x128xf32, #tpu.memory_space<hbm>>
      tpu.wait_indirect_dma semaphore(%arg15 : memref<!tpu.dma_semaphore, #tpu.memory_space<semaphore_mem>>) src(%dma_wait3A_39 : memref<32x128xf32, #tpu.memory_space<hbm>>) dst(%arg13 : memref<64x128xf32, #tpu.memory_space<vmem>>)
      %dma_wait3A_40 = arith.constant 0 : i32
      %dma_wait3A_41 = tpu.memref_slice %arg11[%add3A_11, %dma_wait3A_40] : memref<5x64xi32, #tpu.memory_space<vmem>> -> memref<1x64xi32, #tpu.memory_space<vmem>>
      %dma_wait3A_42 = tpu.memref_squeeze %dma_wait3A_41 : memref<1x64xi32, #tpu.memory_space<vmem>> -> memref<64xi32, #tpu.memory_space<vmem>>
      %dma_wait3A_43 = arith.constant 0 : i32
      %dma_wait3A_44 = arith.constant 0 : i32
      %dma_wait3A_45 = tpu.memref_slice %arg7[%dma_wait3A_43, %dma_wait3A_44] : memref<4096x128xf32, #tpu.memory_space<hbm>> -> memref<4096x128xf32, #tpu.memory_space<hbm>>
      tpu.wait_indirect_dma semaphore(%arg15 : memref<!tpu.dma_semaphore, #tpu.memory_space<semaphore_mem>>) src(%dma_wait3A_45 : memref<4096x128xf32, #tpu.memory_space<hbm>>) dst(%arg14 : memref<64x128xf32, #tpu.memory_space<vmem>>)
      %scan3A_46 = arith.constant 0 : i32
      %scan3A_47 = arith.constant 64 : i32
      %scan3A_48 = arith.addi %scan3A_46, %scan3A_47 : i32
      %scan3A_49 = arith.constant 1 : i32
      scf.for %scan3A_54 = %scan3A_46 to %scan3A_48 step %scan3A_49  : i32 {
        %mul3A_55 = arith.constant 1 : i32
        %mul3A_56 = arith.muli %scan3A_54, %mul3A_55 : i32
        %add3A_57 = arith.constant 0 : i32
        %add3A_58 = arith.addi %add3A_57, %mul3A_56 : i32
        %get3A = arith.index_cast %add3A_58 : i32 to index
        %get3A_59 = arith.constant 0 : index
        %get3A_60 = tpu.vector_load %arg12[%get3A, %get3A_59] {strides = array<i32>} : memref<64x128xf32, #tpu.memory_space<vmem>>, vector<1x16xf32>,
        %get3A_61 = vector.shape_cast %get3A_60 : vector<1x16xf32> to vector<16xf32>
        %get3A_62 = arith.index_cast %add3A_58 : i32 to index
        %get3A_63 = arith.constant 0 : index
        %get3A_64 = tpu.vector_load %arg13[%get3A_62, %get3A_63] {strides = array<i32>} : memref<64x128xf32, #tpu.memory_space<vmem>>, vector<1x16xf32>,
        %get3A_65 = vector.shape_cast %get3A_64 : vector<1x16xf32> to vector<16xf32>
        %add3A_66 = arith.addf %get3A_61, %get3A_65 : vector<16xf32>
        %get3A_67 = arith.index_cast %add3A_58 : i32 to index
        %get3A_68 = arith.constant 0 : index
        %get3A_69 = tpu.vector_load %arg14[%get3A_67, %get3A_68] {strides = array<i32>} : memref<64x128xf32, #tpu.memory_space<vmem>>, vector<1x16xf32>,
        %get3A_70 = vector.shape_cast %get3A_69 : vector<1x16xf32> to vector<16xf32>
        %add3A_71 = arith.addf %add3A_66, %get3A_70 : vector<16xf32>
        %swap3A = arith.index_cast %add3A_58 : i32 to index
        %swap3A_72 = arith.constant 0 : index
        %swap3A_73 = tpu.vector_load %arg12[%swap3A, %swap3A_72] {strides = array<i32>} : memref<64x128xf32, #tpu.memory_space<vmem>>, vector<1x16xf32>,
        %swap3A_74 = vector.shape_cast %swap3A_73 : vector<1x16xf32> to vector<16xf32>
        %swap3A_75 = vector.shape_cast %add3A_71 : vector<16xf32> to vector<1x16xf32>
        tpu.vector_store %arg12[%swap3A, %swap3A_72], %swap3A_75 {strides = array<i32>} : memref<64x128xf32, #tpu.memory_space<vmem>>, vector<1x16xf32>,
        %get3A_76 = arith.index_cast %add3A_58 : i32 to index
        %get3A_77 = arith.constant 16 : index
        %get3A_78 = tpu.vector_load %arg12[%get3A_76, %get3A_77] {strides = array<i32>} : memref<64x128xf32, #tpu.memory_space<vmem>>, vector<1x16xf32>,
        %get3A_79 = vector.shape_cast %get3A_78 : vector<1x16xf32> to vector<16xf32>
        %get3A_80 = arith.index_cast %add3A_58 : i32 to index
        %get3A_81 = arith.constant 16 : index
        %get3A_82 = tpu.vector_load %arg13[%get3A_80, %get3A_81] {strides = array<i32>} : memref<64x128xf32, #tpu.memory_space<vmem>>, vector<1x16xf32>,
        %get3A_83 = vector.shape_cast %get3A_82 : vector<1x16xf32> to vector<16xf32>
        %add3A_84 = arith.addf %get3A_79, %get3A_83 : vector<16xf32>
        %get3A_85 = arith.index_cast %add3A_58 : i32 to index
        %get3A_86 = arith.constant 16 : index
        %get3A_87 = tpu.vector_load %arg14[%get3A_85, %get3A_86] {strides = array<i32>} : memref<64x128xf32, #tpu.memory_space<vmem>>, vector<1x16xf32>,
        %get3A_88 = vector.shape_cast %get3A_87 : vector<1x16xf32> to vector<16xf32>
        %add3A_89 = arith.addf %add3A_84, %get3A_88 : vector<16xf32>
        %swap3A_90 = arith.index_cast %add3A_58 : i32 to index
        %swap3A_91 = arith.constant 16 : index
        %swap3A_92 = tpu.vector_load %arg12[%swap3A_90, %swap3A_91] {strides = array<i32>} : memref<64x128xf32, #tpu.memory_space<vmem>>, vector<1x16xf32>,
        %swap3A_93 = vector.shape_cast %swap3A_92 : vector<1x16xf32> to vector<16xf32>
        %swap3A_94 = vector.shape_cast %add3A_89 : vector<16xf32> to vector<1x16xf32>
        tpu.vector_store %arg12[%swap3A_90, %swap3A_91], %swap3A_94 {strides = array<i32>} : memref<64x128xf32, #tpu.memory_space<vmem>>, vector<1x16xf32>,
        %get3A_95 = arith.index_cast %add3A_58 : i32 to index
        %get3A_96 = arith.constant 32 : index
        %get3A_97 = tpu.vector_load %arg12[%get3A_95, %get3A_96] {strides = array<i32>} : memref<64x128xf32, #tpu.memory_space<vmem>>, vector<1x16xf32>,
        %get3A_98 = vector.shape_cast %get3A_97 : vector<1x16xf32> to vector<16xf32>
        %get3A_99 = arith.index_cast %add3A_58 : i32 to index
        %get3A_100 = arith.constant 32 : index
        %get3A_101 = tpu.vector_load %arg13[%get3A_99, %get3A_100] {strides = array<i32>} : memref<64x128xf32, #tpu.memory_space<vmem>>, vector<1x16xf32>,
        %get3A_102 = vector.shape_cast %get3A_101 : vector<1x16xf32> to vector<16xf32>
        %add3A_103 = arith.addf %get3A_98, %get3A_102 : vector<16xf32>
        %get3A_104 = arith.index_cast %add3A_58 : i32 to index
        %get3A_105 = arith.constant 32 : index
        %get3A_106 = tpu.vector_load %arg14[%get3A_104, %get3A_105] {strides = array<i32>} : memref<64x128xf32, #tpu.memory_space<vmem>>, vector<1x16xf32>,
        %get3A_107 = vector.shape_cast %get3A_106 : vector<1x16xf32> to vector<16xf32>
        %add3A_108 = arith.addf %add3A_103, %get3A_107 : vector<16xf32>
        %swap3A_109 = arith.index_cast %add3A_58 : i32 to index
        %swap3A_110 = arith.constant 32 : index
        %swap3A_111 = tpu.vector_load %arg12[%swap3A_109, %swap3A_110] {strides = array<i32>} : memref<64x128xf32, #tpu.memory_space<vmem>>, vector<1x16xf32>,
        %swap3A_112 = vector.shape_cast %swap3A_111 : vector<1x16xf32> to vector<16xf32>
        %swap3A_113 = vector.shape_cast %add3A_108 : vector<16xf32> to vector<1x16xf32>
        tpu.vector_store %arg12[%swap3A_109, %swap3A_110], %swap3A_113 {strides = array<i32>} : memref<64x128xf32, #tpu.memory_space<vmem>>, vector<1x16xf32>,
        %get3A_114 = arith.index_cast %add3A_58 : i32 to index
        %get3A_115 = arith.constant 48 : index
        %get3A_116 = tpu.vector_load %arg12[%get3A_114, %get3A_115] {strides = array<i32>} : memref<64x128xf32, #tpu.memory_space<vmem>>, vector<1x16xf32>,
        %get3A_117 = vector.shape_cast %get3A_116 : vector<1x16xf32> to vector<16xf32>
        %get3A_118 = arith.index_cast %add3A_58 : i32 to index
        %get3A_119 = arith.constant 48 : index
        %get3A_120 = tpu.vector_load %arg13[%get3A_118, %get3A_119] {strides = array<i32>} : memref<64x128xf32, #tpu.memory_space<vmem>>, vector<1x16xf32>,
        %get3A_121 = vector.shape_cast %get3A_120 : vector<1x16xf32> to vector<16xf32>
        %add3A_122 = arith.addf %get3A_117, %get3A_121 : vector<16xf32>
        %get3A_123 = arith.index_cast %add3A_58 : i32 to index
        %get3A_124 = arith.constant 48 : index
        %get3A_125 = tpu.vector_load %arg14[%get3A_123, %get3A_124] {strides = array<i32>} : memref<64x128xf32, #tpu.memory_space<vmem>>, vector<1x16xf32>,
        %get3A_126 = vector.shape_cast %get3A_125 : vector<1x16xf32> to vector<16xf32>
        %add3A_127 = arith.addf %add3A_122, %get3A_126 : vector<16xf32>
        %swap3A_128 = arith.index_cast %add3A_58 : i32 to index
        %swap3A_129 = arith.constant 48 : index
        %swap3A_130 = tpu.vector_load %arg12[%swap3A_128, %swap3A_129] {strides = array<i32>} : memref<64x128xf32, #tpu.memory_space<vmem>>, vector<1x16xf32>,
        %swap3A_131 = vector.shape_cast %swap3A_130 : vector<1x16xf32> to vector<16xf32>
        %swap3A_132 = vector.shape_cast %add3A_127 : vector<16xf32> to vector<1x16xf32>
        tpu.vector_store %arg12[%swap3A_128, %swap3A_129], %swap3A_132 {strides = array<i32>} : memref<64x128xf32, #tpu.memory_space<vmem>>, vector<1x16xf32>,
        %get3A_133 = arith.index_cast %add3A_58 : i32 to index
        %get3A_134 = arith.constant 64 : index
        %get3A_135 = tpu.vector_load %arg12[%get3A_133, %get3A_134] {strides = array<i32>} : memref<64x128xf32, #tpu.memory_space<vmem>>, vector<1x16xf32>,
        %get3A_136 = vector.shape_cast %get3A_135 : vector<1x16xf32> to vector<16xf32>
        %get3A_137 = arith.index_cast %add3A_58 : i32 to index
        %get3A_138 = arith.constant 64 : index
        %get3A_139 = tpu.vector_load %arg13[%get3A_137, %get3A_138] {strides = array<i32>} : memref<64x128xf32, #tpu.memory_space<vmem>>, vector<1x16xf32>,
        %get3A_140 = vector.shape_cast %get3A_139 : vector<1x16xf32> to vector<16xf32>
        %add3A_141 = arith.addf %get3A_136, %get3A_140 : vector<16xf32>
        %get3A_142 = arith.index_cast %add3A_58 : i32 to index
        %get3A_143 = arith.constant 64 : index
        %get3A_144 = tpu.vector_load %arg14[%get3A_142, %get3A_143] {strides = array<i32>} : memref<64x128xf32, #tpu.memory_space<vmem>>, vector<1x16xf32>,
        %get3A_145 = vector.shape_cast %get3A_144 : vector<1x16xf32> to vector<16xf32>
        %add3A_146 = arith.addf %add3A_141, %get3A_145 : vector<16xf32>
        %swap3A_147 = arith.index_cast %add3A_58 : i32 to index
        %swap3A_148 = arith.constant 64 : index
        %swap3A_149 = tpu.vector_load %arg12[%swap3A_147, %swap3A_148] {strides = array<i32>} : memref<64x128xf32, #tpu.memory_space<vmem>>, vector<1x16xf32>,
        %swap3A_150 = vector.shape_cast %swap3A_149 : vector<1x16xf32> to vector<16xf32>
        %swap3A_151 = vector.shape_cast %add3A_146 : vector<16xf32> to vector<1x16xf32>
        tpu.vector_store %arg12[%swap3A_147, %swap3A_148], %swap3A_151 {strides = array<i32>} : memref<64x128xf32, #tpu.memory_space<vmem>>, vector<1x16xf32>,
        %get3A_152 = arith.index_cast %add3A_58 : i32 to index
        %get3A_153 = arith.constant 80 : index
        %get3A_154 = tpu.vector_load %arg12[%get3A_152, %get3A_153] {strides = array<i32>} : memref<64x128xf32, #tpu.memory_space<vmem>>, vector<1x16xf32>,
        %get3A_155 = vector.shape_cast %get3A_154 : vector<1x16xf32> to vector<16xf32>
        %get3A_156 = arith.index_cast %add3A_58 : i32 to index
        %get3A_157 = arith.constant 80 : index
        %get3A_158 = tpu.vector_load %arg13[%get3A_156, %get3A_157] {strides = array<i32>} : memref<64x128xf32, #tpu.memory_space<vmem>>, vector<1x16xf32>,
        %get3A_159 = vector.shape_cast %get3A_158 : vector<1x16xf32> to vector<16xf32>
        %add3A_160 = arith.addf %get3A_155, %get3A_159 : vector<16xf32>
        %get3A_161 = arith.index_cast %add3A_58 : i32 to index
        %get3A_162 = arith.constant 80 : index
        %get3A_163 = tpu.vector_load %arg14[%get3A_161, %get3A_162] {strides = array<i32>} : memref<64x128xf32, #tpu.memory_space<vmem>>, vector<1x16xf32>,
        %get3A_164 = vector.shape_cast %get3A_163 : vector<1x16xf32> to vector<16xf32>
        %add3A_165 = arith.addf %add3A_160, %get3A_164 : vector<16xf32>
        %swap3A_166 = arith.index_cast %add3A_58 : i32 to index
        %swap3A_167 = arith.constant 80 : index
        %swap3A_168 = tpu.vector_load %arg12[%swap3A_166, %swap3A_167] {strides = array<i32>} : memref<64x128xf32, #tpu.memory_space<vmem>>, vector<1x16xf32>,
        %swap3A_169 = vector.shape_cast %swap3A_168 : vector<1x16xf32> to vector<16xf32>
        %swap3A_170 = vector.shape_cast %add3A_165 : vector<16xf32> to vector<1x16xf32>
        tpu.vector_store %arg12[%swap3A_166, %swap3A_167], %swap3A_170 {strides = array<i32>} : memref<64x128xf32, #tpu.memory_space<vmem>>, vector<1x16xf32>,
        %get3A_171 = arith.index_cast %add3A_58 : i32 to index
        %get3A_172 = arith.constant 96 : index
        %get3A_173 = tpu.vector_load %arg12[%get3A_171, %get3A_172] {strides = array<i32>} : memref<64x128xf32, #tpu.memory_space<vmem>>, vector<1x16xf32>,
        %get3A_174 = vector.shape_cast %get3A_173 : vector<1x16xf32> to vector<16xf32>
        %get3A_175 = arith.index_cast %add3A_58 : i32 to index
        %get3A_176 = arith.constant 96 : index
        %get3A_177 = tpu.vector_load %arg13[%get3A_175, %get3A_176] {strides = array<i32>} : memref<64x128xf32, #tpu.memory_space<vmem>>, vector<1x16xf32>,
        %get3A_178 = vector.shape_cast %get3A_177 : vector<1x16xf32> to vector<16xf32>
        %add3A_179 = arith.addf %get3A_174, %get3A_178 : vector<16xf32>
        %get3A_180 = arith.index_cast %add3A_58 : i32 to index
        %get3A_181 = arith.constant 96 : index
        %get3A_182 = tpu.vector_load %arg14[%get3A_180, %get3A_181] {strides = array<i32>} : memref<64x128xf32, #tpu.memory_space<vmem>>, vector<1x16xf32>,
        %get3A_183 = vector.shape_cast %get3A_182 : vector<1x16xf32> to vector<16xf32>
        %add3A_184 = arith.addf %add3A_179, %get3A_183 : vector<16xf32>
        %swap3A_185 = arith.index_cast %add3A_58 : i32 to index
        %swap3A_186 = arith.constant 96 : index
        %swap3A_187 = tpu.vector_load %arg12[%swap3A_185, %swap3A_186] {strides = array<i32>} : memref<64x128xf32, #tpu.memory_space<vmem>>, vector<1x16xf32>,
        %swap3A_188 = vector.shape_cast %swap3A_187 : vector<1x16xf32> to vector<16xf32>
        %swap3A_189 = vector.shape_cast %add3A_184 : vector<16xf32> to vector<1x16xf32>
        tpu.vector_store %arg12[%swap3A_185, %swap3A_186], %swap3A_189 {strides = array<i32>} : memref<64x128xf32, #tpu.memory_space<vmem>>, vector<1x16xf32>,
        %get3A_190 = arith.index_cast %add3A_58 : i32 to index
        %get3A_191 = arith.constant 112 : index
        %get3A_192 = tpu.vector_load %arg12[%get3A_190, %get3A_191] {strides = array<i32>} : memref<64x128xf32, #tpu.memory_space<vmem>>, vector<1x16xf32>,
        %get3A_193 = vector.shape_cast %get3A_192 : vector<1x16xf32> to vector<16xf32>
        %get3A_194 = arith.index_cast %add3A_58 : i32 to index
        %get3A_195 = arith.constant 112 : index
        %get3A_196 = tpu.vector_load %arg13[%get3A_194, %get3A_195] {strides = array<i32>} : memref<64x128xf32, #tpu.memory_space<vmem>>, vector<1x16xf32>,
        %get3A_197 = vector.shape_cast %get3A_196 : vector<1x16xf32> to vector<16xf32>
        %add3A_198 = arith.addf %get3A_193, %get3A_197 : vector<16xf32>
        %get3A_199 = arith.index_cast %add3A_58 : i32 to index
        %get3A_200 = arith.constant 112 : index
        %get3A_201 = tpu.vector_load %arg14[%get3A_199, %get3A_200] {strides = array<i32>} : memref<64x128xf32, #tpu.memory_space<vmem>>, vector<1x16xf32>,
        %get3A_202 = vector.shape_cast %get3A_201 : vector<1x16xf32> to vector<16xf32>
        %add3A_203 = arith.addf %add3A_198, %get3A_202 : vector<16xf32>
        %swap3A_204 = arith.index_cast %add3A_58 : i32 to index
        %swap3A_205 = arith.constant 112 : index
        %swap3A_206 = tpu.vector_load %arg12[%swap3A_204, %swap3A_205] {strides = array<i32>} : memref<64x128xf32, #tpu.memory_space<vmem>>, vector<1x16xf32>,
        %swap3A_207 = vector.shape_cast %swap3A_206 : vector<1x16xf32> to vector<16xf32>
        %swap3A_208 = vector.shape_cast %add3A_203 : vector<16xf32> to vector<1x16xf32>
        tpu.vector_store %arg12[%swap3A_204, %swap3A_205], %swap3A_208 {strides = array<i32>} : memref<64x128xf32, #tpu.memory_space<vmem>>, vector<1x16xf32>,
      }
      %scan3A_50 = arith.constant 64 : i32
      %mul3A_51 = arith.constant 64 : i32
      %mul3A_52 = arith.muli %add3A_11, %mul3A_51 : i32
      %add3A_53 = arith.addi %mul3A_2, %mul3A_52 : i32
      "tpu.region"() ({
        %run_scoped3A = tpu.sem_alloc : memref<!tpu.dma_semaphore, #tpu.memory_space<semaphore_mem>>
        %dma_start3A_54 = arith.constant 0 : i32
        %dma_start3A_55 = tpu.memref_slice %arg8[%add3A_53, %dma_start3A_54] : memref<10240x128xf32, #tpu.memory_space<hbm>> -> memref<64x128xf32, #tpu.memory_space<hbm>>
        %dma_start3A_56 = arith.constant 0 : i32
        %dma_start3A_57 = tpu.memref_slice %arg8[%add3A_53, %dma_start3A_56] : memref<10240x128xf32, #tpu.memory_space<hbm>> -> memref<64x128xf32, #tpu.memory_space<hbm>>
        tpu.enqueue_dma source(%arg12 : memref<64x128xf32, #tpu.memory_space<vmem>>) target(%dma_start3A_57 : memref<64x128xf32, #tpu.memory_space<hbm>>) target_semaphore(%run_scoped3A : memref<!tpu.dma_semaphore, #tpu.memory_space<semaphore_mem>>)
        %dma_wait3A_58 = arith.constant 0 : i32
        %dma_wait3A_59 = tpu.memref_slice %arg8[%add3A_53, %dma_wait3A_58] : memref<10240x128xf32, #tpu.memory_space<hbm>> -> memref<64x128xf32, #tpu.memory_space<hbm>>
        %dma_wait3A_60 = arith.constant 0 : i32
        %dma_wait3A_61 = tpu.memref_slice %arg8[%add3A_53, %dma_wait3A_60] : memref<10240x128xf32, #tpu.memory_space<hbm>> -> memref<64x128xf32, #tpu.memory_space<hbm>>
        tpu.wait_dma2 semaphore(%run_scoped3A : memref<!tpu.dma_semaphore, #tpu.memory_space<semaphore_mem>>) src(%arg12 : memref<64x128xf32, #tpu.memory_space<vmem>>) dst(%dma_wait3A_61 : memref<64x128xf32, #tpu.memory_space<hbm>>)
        tpu.yield
      }) : () -> ()
    }
    %scan3A_6 = arith.constant 5 : i32
    return
  }
}

module attributes {stable_mosaic.version = 14 : i64} {
  func.func @_tc_sage_body(%arg0: i32, %arg1: memref<512x128xf32, #tpu.memory_space<vmem>>, %arg2: memref<512x128xf32, #tpu.memory_space<vmem>>, %arg3: memref<512x1xf32, #tpu.memory_space<vmem>>, %arg4: memref<512x1xf32, #tpu.memory_space<vmem>>, %arg5: memref<512x128xf32, #tpu.memory_space<vmem>>, %arg6: memref<128x128xf32, #tpu.memory_space<vmem>>, %arg7: memref<128x128xf32, #tpu.memory_space<vmem>>, %arg8: memref<1x128xf32, #tpu.memory_space<vmem>>, %arg9: memref<512x128xf32, #tpu.memory_space<vmem>>) attributes {dimension_semantics = [#tpu.dimension_semantics<arbitrary>], iteration_bounds = array<i64: 20>, scalar_prefetch = 0 : i64, scratch_operands = 0 : i64, tpu.core_type = #tpu.core_type<tc>, window_params = [{transform_indices = @transform_0, window_bounds = array<i64: 512, 128>}, {transform_indices = @transform_1, window_bounds = array<i64: 512, 128>}, {transform_indices = @transform_2, window_bounds = array<i64: 512, 1>}, {transform_indices = @transform_3, window_bounds = array<i64: 512, 1>}, {transform_indices = @transform_4, window_bounds = array<i64: 512, 128>}, {pipeline_mode = #tpu.pipeline_mode<synchronous>, transform_indices = @transform_5, window_bounds = array<i64: 128, 128>}, {pipeline_mode = #tpu.pipeline_mode<synchronous>, transform_indices = @transform_6, window_bounds = array<i64: 128, 128>}, {pipeline_mode = #tpu.pipeline_mode<synchronous>, transform_indices = @transform_7, window_bounds = array<i64: 1, 128>}, {transform_indices = @transform_8, window_bounds = array<i64: 512, 128>}]} {
    %get3A = arith.constant 0 : index
    %get3A_0 = arith.constant 0 : index
    %get3A_1 = vector.load %arg3[%get3A, %get3A_0] : memref<512x1xf32, #tpu.memory_space<vmem>>, vector<512x1xf32>
    %get3A_2 = arith.constant 0 : index
    %get3A_3 = arith.constant 0 : index
    %get3A_4 = vector.load %arg4[%get3A_2, %get3A_3] : memref<512x1xf32, #tpu.memory_space<vmem>>, vector<512x1xf32>
    %add3A = arith.addf %get3A_1, %get3A_4 : vector<512x1xf32>
    %max3A = arith.constant 1.000000e+00 : f32
    %max3A_5 = vector.broadcast %max3A : f32 to vector<512x1xf32>
    %max3A_6 = arith.maximumf %add3A, %max3A_5 : vector<512x1xf32>
    %div3A = arith.constant 1.000000e+00 : f32
    %div3A_7 = vector.broadcast %div3A : f32 to vector<512x1xf32>
    %div3A_8 = arith.divf %div3A_7, %max3A_6 : vector<512x1xf32>
    %get3A_9 = arith.constant 0 : index
    %get3A_10 = arith.constant 0 : index
    %get3A_11 = vector.load %arg1[%get3A_9, %get3A_10] : memref<512x128xf32, #tpu.memory_space<vmem>>, vector<512x128xf32>
    %get3A_12 = arith.constant 0 : index
    %get3A_13 = arith.constant 0 : index
    %get3A_14 = vector.load %arg2[%get3A_12, %get3A_13] : memref<512x128xf32, #tpu.memory_space<vmem>>, vector<512x128xf32>
    %add3A_15 = arith.addf %get3A_11, %get3A_14 : vector<512x128xf32>
    %mul3A = vector.broadcast %div3A_8 : vector<512x1xf32> to vector<512x128xf32>
    %mul3A_16 = arith.mulf %add3A_15, %mul3A : vector<512x128xf32>
    %get3A_17 = arith.constant 0 : index
    %get3A_18 = arith.constant 0 : index
    %get3A_19 = vector.load %arg6[%get3A_17, %get3A_18] : memref<128x128xf32, #tpu.memory_space<vmem>>, vector<128x128xf32>
    %dot_general3A = arith.constant dense<0.000000e+00> : vector<512x128xf32>
    %dot_general3A_20 = tpu.matmul %mul3A_16, %get3A_19, %dot_general3A {dimension_numbers = #tpu.dot_dimension_numbers<[1], [0], [0], [1], [0, 0, 1, 1], [], []>, transpose_lhs_hint = false} : vector<512x128xf32>, vector<128x128xf32>, vector<512x128xf32> -> vector<512x128xf32>
    %get3A_21 = arith.constant 0 : index
    %get3A_22 = arith.constant 0 : index
    %get3A_23 = vector.load %arg5[%get3A_21, %get3A_22] : memref<512x128xf32, #tpu.memory_space<vmem>>, vector<512x128xf32>
    %get3A_24 = arith.constant 0 : index
    %get3A_25 = arith.constant 0 : index
    %get3A_26 = vector.load %arg7[%get3A_24, %get3A_25] : memref<128x128xf32, #tpu.memory_space<vmem>>, vector<128x128xf32>
    %dot_general3A_27 = arith.constant dense<0.000000e+00> : vector<512x128xf32>
    %dot_general3A_28 = tpu.matmul %get3A_23, %get3A_26, %dot_general3A_27 {dimension_numbers = #tpu.dot_dimension_numbers<[1], [0], [0], [1], [0, 0, 1, 1], [], []>, transpose_lhs_hint = false} : vector<512x128xf32>, vector<128x128xf32>, vector<512x128xf32> -> vector<512x128xf32>
    %add3A_29 = arith.addf %dot_general3A_20, %dot_general3A_28 : vector<512x128xf32>
    %get3A_30 = arith.constant 0 : index
    %get3A_31 = arith.constant 0 : index
    %get3A_32 = vector.load %arg8[%get3A_30, %get3A_31] : memref<1x128xf32, #tpu.memory_space<vmem>>, vector<1x128xf32>
    %add3A_33 = vector.broadcast %get3A_32 : vector<1x128xf32> to vector<512x128xf32>
    %add3A_34 = arith.addf %add3A_29, %add3A_33 : vector<512x128xf32>
    %max3A_35 = arith.constant 0.000000e+00 : f32
    %max3A_36 = vector.broadcast %max3A_35 : f32 to vector<512x128xf32>
    %max3A_37 = arith.maximumf %add3A_34, %max3A_36 : vector<512x128xf32>
    %swap3A = arith.constant 0 : index
    %swap3A_38 = arith.constant 0 : index
    %swap3A_39 = vector.load %arg9[%swap3A, %swap3A_38] : memref<512x128xf32, #tpu.memory_space<vmem>>, vector<512x128xf32>
    tpu.vector_store %arg9[%swap3A, %swap3A_38], %max3A_37 {strides = array<i32>} : memref<512x128xf32, #tpu.memory_space<vmem>>, vector<512x128xf32>,
    return
  }
  func.func @transform_0(%arg0: i32) -> (i32, i32) {
    %c0_i32 = arith.constant 0 : i32
    %c0_i32_0 = arith.constant 0 : i32
    return %arg0, %c0_i32 : i32, i32
  }
  func.func @transform_1(%arg0: i32) -> (i32, i32) {
    %c0_i32 = arith.constant 0 : i32
    %c0_i32_0 = arith.constant 0 : i32
    return %arg0, %c0_i32 : i32, i32
  }
  func.func @transform_2(%arg0: i32) -> (i32, i32) {
    %c0_i32 = arith.constant 0 : i32
    %c0_i32_0 = arith.constant 0 : i32
    return %arg0, %c0_i32 : i32, i32
  }
  func.func @transform_3(%arg0: i32) -> (i32, i32) {
    %c0_i32 = arith.constant 0 : i32
    %c0_i32_0 = arith.constant 0 : i32
    return %arg0, %c0_i32 : i32, i32
  }
  func.func @transform_4(%arg0: i32) -> (i32, i32) {
    %c0_i32 = arith.constant 0 : i32
    %c0_i32_0 = arith.constant 0 : i32
    return %arg0, %c0_i32 : i32, i32
  }
  func.func @transform_5(%arg0: i32) -> (i32, i32) {
    %c0_i32 = arith.constant 0 : i32
    %c0_i32_0 = arith.constant 0 : i32
    %c0_i32_1 = arith.constant 0 : i32
    return %c0_i32, %c0_i32_0 : i32, i32
  }
  func.func @transform_6(%arg0: i32) -> (i32, i32) {
    %c0_i32 = arith.constant 0 : i32
    %c0_i32_0 = arith.constant 0 : i32
    %c0_i32_1 = arith.constant 0 : i32
    return %c0_i32, %c0_i32_0 : i32, i32
  }
  func.func @transform_7(%arg0: i32) -> (i32, i32) {
    %c0_i32 = arith.constant 0 : i32
    %c0_i32_0 = arith.constant 0 : i32
    %c0_i32_1 = arith.constant 0 : i32
    return %c0_i32, %c0_i32_0 : i32, i32
  }
  func.func @transform_8(%arg0: i32) -> (i32, i32) {
    %c0_i32 = arith.constant 0 : i32
    %c0_i32_0 = arith.constant 0 : i32
    return %arg0, %c0_i32 : i32, i32
  }
}

module attributes {stable_mosaic.version = 14 : i64} {
  func.func @_tc_pool_body(%arg0: i32, %arg1: memref<512x128xf32, #tpu.memory_space<vmem>>, %arg2: memref<512x1xi32, #tpu.memory_space<vmem>>, %arg3: memref<128x8xf32, #tpu.memory_space<vmem>>, %arg4: memref<1x8xf32, #tpu.memory_space<vmem>>, %arg5: memref<64x8xf32, #tpu.memory_space<vmem>>, %arg6: memref<64x128xf32, #tpu.memory_space<vmem>>) attributes {dimension_semantics = [#tpu.dimension_semantics<arbitrary>], iteration_bounds = array<i64: 20>, scalar_prefetch = 0 : i64, scratch_operands = 1 : i64, tpu.core_type = #tpu.core_type<tc>, window_params = [{transform_indices = @transform_0, window_bounds = array<i64: 512, 128>}, {transform_indices = @transform_1, window_bounds = array<i64: 512, 1>}, {pipeline_mode = #tpu.pipeline_mode<synchronous>, transform_indices = @transform_2, window_bounds = array<i64: 128, 8>}, {pipeline_mode = #tpu.pipeline_mode<synchronous>, transform_indices = @transform_3, window_bounds = array<i64: 1, 8>}, {pipeline_mode = #tpu.pipeline_mode<synchronous>, transform_indices = @transform_4, window_bounds = array<i64: 64, 8>}]} {
    %eq3A = arith.constant 0 : i32
    %eq3A_0 = arith.cmpi eq, %arg0, %eq3A : i32
    %convert_element_type3A = arith.extui %eq3A_0 : i1 to i32
    %cond3A = arith.constant 0 : i32
    %cond3A_1 = arith.cmpi ne, %convert_element_type3A, %cond3A : i32
    scf.if %cond3A_1 {
      %broadcast_in_dim3A = arith.constant 0.000000e+00 : f32
      %broadcast_in_dim3A_22 = vector.broadcast %broadcast_in_dim3A : f32 to vector<64x128xf32>
      %swap3A_23 = arith.constant 0 : index
      %swap3A_24 = arith.constant 0 : index
      %swap3A_25 = vector.load %arg6[%swap3A_23, %swap3A_24] : memref<64x128xf32, #tpu.memory_space<vmem>>, vector<64x128xf32>
      tpu.vector_store %arg6[%swap3A_23, %swap3A_24], %broadcast_in_dim3A_22 {strides = array<i32>} : memref<64x128xf32, #tpu.memory_space<vmem>>, vector<64x128xf32>,
    } else {
    }
    %get3A = arith.constant 0 : index
    %get3A_2 = arith.constant 0 : index
    %get3A_3 = vector.load %arg2[%get3A, %get3A_2] : memref<512x1xi32, #tpu.memory_space<vmem>>, vector<512x1xi32>
    %iota3A = tpu.iota {dimensions = array<i32: 1>} : vector<512x64xi32>
    %eq3A_4 = vector.broadcast %get3A_3 : vector<512x1xi32> to vector<512x64xi32>
    %eq3A_5 = arith.cmpi eq, %iota3A, %eq3A_4 : vector<512x64xi32>
    %convert_element_type3A_6 = arith.extui %eq3A_5 : vector<512x64xi1> to vector<512x64xi32>
    %convert_element_type3A_7 = arith.sitofp %convert_element_type3A_6 : vector<512x64xi32> to vector<512x64xf32>
    %get3A_8 = arith.constant 0 : index
    %get3A_9 = arith.constant 0 : index
    %get3A_10 = vector.load %arg6[%get3A_8, %get3A_9] : memref<64x128xf32, #tpu.memory_space<vmem>>, vector<64x128xf32>
    %get3A_11 = arith.constant 0 : index
    %get3A_12 = arith.constant 0 : index
    %get3A_13 = vector.load %arg1[%get3A_11, %get3A_12] : memref<512x128xf32, #tpu.memory_space<vmem>>, vector<512x128xf32>
    %dot_general3A = arith.constant dense<0.000000e+00> : vector<64x128xf32>
    %dot_general3A_14 = tpu.matmul %convert_element_type3A_7, %get3A_13, %dot_general3A {dimension_numbers = #tpu.dot_dimension_numbers<[0], [0], [1], [1], [0, 1, 1, 1], [], []>, transpose_lhs_hint = false} : vector<512x64xf32>, vector<512x128xf32>, vector<64x128xf32> -> vector<64x128xf32>
    %add3A = arith.addf %get3A_10, %dot_general3A_14 : vector<64x128xf32>
    %swap3A = arith.constant 0 : index
    %swap3A_15 = arith.constant 0 : index
    %swap3A_16 = vector.load %arg6[%swap3A, %swap3A_15] : memref<64x128xf32, #tpu.memory_space<vmem>>, vector<64x128xf32>
    tpu.vector_store %arg6[%swap3A, %swap3A_15], %add3A {strides = array<i32>} : memref<64x128xf32, #tpu.memory_space<vmem>>, vector<64x128xf32>,
    %eq3A_17 = arith.constant 19 : i32
    %eq3A_18 = arith.cmpi eq, %arg0, %eq3A_17 : i32
    %convert_element_type3A_19 = arith.extui %eq3A_18 : i1 to i32
    %cond3A_20 = arith.constant 0 : i32
    %cond3A_21 = arith.cmpi ne, %convert_element_type3A_19, %cond3A_20 : i32
    scf.if %cond3A_21 {
      %get3A_22 = arith.constant 0 : index
      %get3A_23 = arith.constant 0 : index
      %get3A_24 = vector.load %arg6[%get3A_22, %get3A_23] : memref<64x128xf32, #tpu.memory_space<vmem>>, vector<64x128xf32>
      %get3A_25 = arith.constant 0 : index
      %get3A_26 = arith.constant 0 : index
      %get3A_27 = vector.load %arg3[%get3A_25, %get3A_26] : memref<128x8xf32, #tpu.memory_space<vmem>>, vector<128x8xf32>
      %dot_general3A_28 = arith.constant dense<0.000000e+00> : vector<64x8xf32>
      %dot_general3A_29 = tpu.matmul %get3A_24, %get3A_27, %dot_general3A_28 {dimension_numbers = #tpu.dot_dimension_numbers<[1], [0], [0], [1], [0, 0, 1, 1], [], []>, transpose_lhs_hint = false} : vector<64x128xf32>, vector<128x8xf32>, vector<64x8xf32> -> vector<64x8xf32>
      %get3A_30 = arith.constant 0 : index
      %get3A_31 = arith.constant 0 : index
      %get3A_32 = vector.load %arg4[%get3A_30, %get3A_31] : memref<1x8xf32, #tpu.memory_space<vmem>>, vector<1x8xf32>
      %add3A_33 = vector.broadcast %get3A_32 : vector<1x8xf32> to vector<64x8xf32>
      %add3A_34 = arith.addf %dot_general3A_29, %add3A_33 : vector<64x8xf32>
      %swap3A_35 = arith.constant 0 : index
      %swap3A_36 = arith.constant 0 : index
      %swap3A_37 = vector.load %arg5[%swap3A_35, %swap3A_36] : memref<64x8xf32, #tpu.memory_space<vmem>>, vector<64x8xf32>
      tpu.vector_store %arg5[%swap3A_35, %swap3A_36], %add3A_34 {strides = array<i32>} : memref<64x8xf32, #tpu.memory_space<vmem>>, vector<64x8xf32>,
    } else {
    }
    return
  }
  func.func @transform_0(%arg0: i32) -> (i32, i32) {
    %c0_i32 = arith.constant 0 : i32
    %c0_i32_0 = arith.constant 0 : i32
    return %arg0, %c0_i32 : i32, i32
  }
  func.func @transform_1(%arg0: i32) -> (i32, i32) {
    %c0_i32 = arith.constant 0 : i32
    %c0_i32_0 = arith.constant 0 : i32
    return %arg0, %c0_i32 : i32, i32
  }
  func.func @transform_2(%arg0: i32) -> (i32, i32) {
    %c0_i32 = arith.constant 0 : i32
    %c0_i32_0 = arith.constant 0 : i32
    %c0_i32_1 = arith.constant 0 : i32
    return %c0_i32, %c0_i32_0 : i32, i32
  }
  func.func @transform_3(%arg0: i32) -> (i32, i32) {
    %c0_i32 = arith.constant 0 : i32
    %c0_i32_0 = arith.constant 0 : i32
    %c0_i32_1 = arith.constant 0 : i32
    return %c0_i32, %c0_i32_0 : i32, i32
  }
  func.func @transform_4(%arg0: i32) -> (i32, i32) {
    %c0_i32 = arith.constant 0 : i32
    %c0_i32_0 = arith.constant 0 : i32
    %c0_i32_1 = arith.constant 0 : i32
    return %c0_i32, %c0_i32_0 : i32, i32
  }
}

</mosaic_0001>

<sc_bundles>
// kernel: kernel.11.cloned.1.call-start
scs
__scs_entry_jumppad:
0x0: {  	(pc) =	sbr.rel $0x88, $3  }
0x1: {  	(tag) =	ssettag $0x0;
	lr =	simm.s32 $0x1  }
0x2: {  	[smem:$0x3F91] =	sst lr;
	_ =	strace $0xD0000000  }
0x3: {  	_ = 	snop  }
0x4: {  	_ = 	snop  }
0x5: {  	_ = 	snop  }
0x6: {  	_ = 	snop  }
0x7: {  	_ = 	snop  }
__scs_overlays_trampoline_lowered:
0x8: {  	[smem:$0x3FA0] =	sst s0  }
0x9: {  	[smem:$0x3FA1] =	sst s1  }
0xa: {  	[smem:$0x3FA2] =	sst s2  }
0xb: {  	[smem:$0x3FA3] =	sst s3  }
0xc: {  	[smem:$0x3FA4] =	sst s4  }
0xd: {  	[smem:$0x3FA5] =	sst s5  }
0xe: {  	[smem:$0x3FA6] =	sst s6  }
0xf: {  	[smem:$0x3FA7] =	sst s7  }
0x10: {  	[smem:$0x3FA8] =	sst s8  }
0x11: {  	[smem:$0x3FA9] =	sst s9;
	s0 =	simm.s32 @!p0 $0x0  }
0x12: {  	s1 =	sld [smem:$0x3F8F];
	s0 =	simm.s32 @p0 $0x1  }
0x13: {  	[smem:$0x3FAA] =	sst s0;
	s0 =	simm.s32 @!p1 $0x0  }
0x14: {  	s2 =	sld [smem:$0x3F8E];
	s0 =	simm.s32 @p1 $0x1  }
0x15: {  	[smem:$0x3FAB] =	sst s0;
	s0 =	simm.s32 @!p2 $0x0  }
0x16: {  	s3 =	sld [smem:$0x3FDB];
	s0 =	simm.s32 @p2 $0x1  }
0x17: {  	s4 =	simm.s32 $0x1BF5;
	[smem:$0x3FAD] =	sst s0  }
0x18: {  	s0 =	sld [smem:$0x3F90];
	_ =	swait.ge [sflag:s4], $0x0  }
0x19: {  	s7 =	sld [smem:$0x3F91]  }
0x1a: {  	s8 =	sadd.s32 $0xFFFFE003, lr  }
0x1b: {  	s9 =	sadd.s32 $0xFFFFFEF7, lr;
	s5 =	simm.s32 $0xFFFFFFFF;
	p2 =	slt.u32 s8, $0xFFFFF086  }
0x1c: {  	p1 =	slt.u32 s9, $0xF7A;
	s5 =	simm.s32 @!p2 $0x0  }
0x1d: {  	s5 =	simm.s32 @p1 $0x1;
	p0 =	seq.s32 s7, s2  }
0x1e: {  	s7 =	smul.u32 @!p0 $0xF7A, s2;
	p2 =	seq.s32 @!p0 s5, $0x0  }
0x1f: {  	s9 =	smul.u32 $0xF7A, s1;
	s8 =	simm.s32 @!p0 $0x1BF5;
	p2 =	por !p2, p0  }
0x20: {  	[sflag:s8] =	ssyncset.s32 @!p0 $0xFFFFF086;
	s6 =	sadd.s32 @!p0 s3, s7;
	s7 =	simm.s32 @!p0 $0x108  }
0x21: {  	s3 =	sadd.s32 s3, s9;
	s6 =	sadd.s32 @!p0 $0x88, s6;
	s7 =	simm.s32 @p2 $0x1082  }
0x22: {  	[simem:s7], [sflag:s8] =	dma.local @!p0 [hbm:s6], $0xF7A  }
0x23: {  	s9 =	sor.u32 $0xD0000000, s2;
	s6 =	simm.s32 $0x108;
	_ =	swait.ge @!p0 [sflag:s8], $0x0  }
0x24: {  	s3 =	sadd.s32 $0x88, s3;
	s6 =	simm.s32 @!p1 $0x1082;
	[sflag:s4] =	ssyncset.s32 $0xFFFFF086  }
0x25: {  	[simem:s6], [sflag:s4] =	dma.local [hbm:s3], $0xF7A  }
0x26: {  	[smem:$0x3F91] =	sst s1;
	(tag) =	ssettag s2;
	_ =	strace s9  }
0x27: {  	s1 =	sld [smem:$0x3FA1]  }
0x28: {  	s2 =	sld [smem:$0x3FA2]  }
0x29: {  	s4 =	sld [smem:$0x3FA4]  }
0x2a: {  	p0 =	seq.s32 s5, $0x0;
	s5 =	sld [smem:$0x3FA5]  }
0x2b: {  	s6 =	sld [smem:$0x3FA6]  }
0x2c: {  	s7 =	sld [smem:$0x3FA7]  }
0x2d: {  	s3 =	simm.s32 $0x108;
	s8 =	sld [smem:$0x3FA8]  }
0x2e: {  	s3 =	simm.s32 @!p0 $0x1082;
	s9 =	sld [smem:$0x3FA9]  }
0x2f: {  	lr =	sadd.s32 s0, s3;
	s0 =	sld [smem:$0x3FA0]  }
0x30: {  	s3 =	sld [smem:$0x3FA3]  }
0x31: {  	[smem:$0x3FAC] =	sst s10  }
0x32: {  	s10 =	sld [smem:$0x3FAA];
	_ =	sdelay $0x3  }
0x33: {  	p0 =	seq.s32 s10, $0x1;
	s10 =	sld [smem:$0x3FAC];
	_ =	sdelay $0x3  }
0x34: {  	[smem:$0x3FAC] =	sst s10  }
0x35: {  	s10 =	sld [smem:$0x3FAB];
	_ =	sdelay $0x3  }
0x36: {  	p1 =	seq.s32 s10, $0x1;
	s10 =	sld [smem:$0x3FAC];
	_ =	sdelay $0x3  }
0x37: {  	[smem:$0x3FAC] =	sst s10  }
0x38: {  	s10 =	sld [smem:$0x3FAD]  }
0x39: {  	_ = 	snop;
	(pc) =	sbr.ind lr, $3  }
0x3a: {  	_ = 	snop  }
0x3b: {  	_ = 	snop  }
0x3c: {  	p2 =	seq.s32 s10, $0x1;
	s10 =	sld [smem:$0x3FAC]  }
0x3d: {  	_ =	shalt  }
0x3e: {  	_ =	shalt  }
0x3f: {  	_ =	shalt  }
0x40: {  	_ =	shalt  }
0x41: {  	_ =	shalt  }
0x42: {  	_ =	shalt  }
0x43: {  	_ =	shalt  }
0x44: {  	_ =	shalt  }
0x45: {  	_ =	shalt  }
0x46: {  	_ =	shalt  }
0x47: {  	_ =	shalt  }
0x48: {  	_ =	shalt  }
0x49: {  	_ =	shalt  }
0x4a: {  	_ =	shalt  }
0x4b: {  	_ =	shalt  }
0x4c: {  	_ =	shalt  }
0x4d: {  	_ =	shalt  }
0x4e: {  	_ =	shalt  }
0x4f: {  	_ =	shalt  }
0x50: {  	_ =	shalt  }
0x51: {  	_ =	shalt  }
0x52: {  	_ =	shalt  }
0x53: {  	_ =	shalt  }
0x54: {  	_ =	shalt  }
0x55: {  	_ =	shalt  }
0x56: {  	_ =	shalt  }
0x57: {  	_ =	shalt  }
0x58: {  	_ =	shalt  }
0x59: {  	_ =	shalt  }
0x5a: {  	_ =	shalt  }
0x5b: {  	_ =	shalt  }
0x5c: {  	_ =	shalt  }
0x5d: {  	_ =	shalt  }
0x5e: {  	_ =	shalt  }
0x5f: {  	_ =	shalt  }
0x60: {  	_ =	shalt  }
0x61: {  	_ =	shalt  }
0x62: {  	_ =	shalt  }
0x63: {  	_ =	shalt  }
0x64: {  	_ =	shalt  }
0x65: {  	_ =	shalt  }
0x66: {  	_ =	shalt  }
0x67: {  	_ =	shalt  }
0x68: {  	_ =	shalt  }
0x69: {  	_ =	shalt  }
0x6a: {  	_ =	shalt  }
0x6b: {  	_ =	shalt  }
0x6c: {  	_ =	shalt  }
0x6d: {  	_ =	shalt  }
0x6e: {  	_ =	shalt  }
0x6f: {  	_ =	shalt  }
0x70: {  	_ =	shalt  }
0x71: {  	_ =	shalt  }
0x72: {  	_ =	shalt  }
0x73: {  	_ =	shalt  }
0x74: {  	_ =	shalt  }
0x75: {  	_ =	shalt  }
0x76: {  	_ =	shalt  }
0x77: {  	_ =	shalt  }
0x78: {  	_ =	shalt  }
0x79: {  	_ =	shalt  }
0x7a: {  	_ =	shalt  }
0x7b: {  	_ =	shalt  }
0x7c: {  	_ =	shalt  }
0x7d: {  	_ =	shalt  }
0x7e: {  	_ =	shalt  }
0x7f: {  	_ =	shalt  }
0x80: {  	_ =	shalt  }
0x81: {  	_ =	shalt  }
0x82: {  	_ =	shalt  }
0x83: {  	_ =	shalt  }
0x84: {  	_ =	shalt  }
0x85: {  	_ =	shalt  }
0x86: {  	_ =	shalt  }
0x87: {  	_ =	shalt  }
.Lfunc_end0:
.L_simem_size_0:
called_computation.1_lowered:
.L_overlay_start_0:
0x88: {  	s2 =	sld [smem:$0x3FD9]  }
0x89: {  	s3 =	sld [smem:$0x3FFE];
	_ =	sdelay $0x1  }
0x8a: {  	s1 =	srdreg.scid  }
0x8b: {  	s0 =	sand.u32 $0x1, s1  }
0x8c: {  	s16 =	sshll.u32 s0, $0xA;
	s2 =	sadd.s32 s3, s2  }
0x8d: {  	s2 =	sadd.s32 s2, s16  }
0x8e: {  	[smem:$0x3FB8] =	sst s2  }
0x8f: {  	_ = 	snop  }
0x90: {  	(tm) =	ssettm $0x1  }
0x91: {  	s17 =	sld [smem:$0x3FFB];
	_ =	sdelay $0x3  }
0x92: {  	_ =	strace s17  }
0x93: {  	s2 =	sld [smem:$0x3FFC];
	_ =	sdelay $0x3  }
0x94: {  	_ =	strace s2  }
0x95: {  	s2 =	sld [smem:$0x3FFD];
	_ =	sdelay $0x3  }
0x96: {  	_ =	strace s2  }
0x97: {  	_ =	strace $0x8FFFFFFF  }
0x98: {  	s18 =	sld [smem:$0x3FDB];
	_ =	sdelay $0x1  }
0x99: {  	s19 =	simm.s32 $_scs_section_size  }
0x9a: {  	s4 =	simm.s32 $_size__tile_overlayer_lowered;
	s5 =	simm.s32 $_tile_overlayer_lowered  }
0x9b: {  	s22 =	simm.s32 $0x1BFF;
	s21 =	sshll.u32 s5, $0x1;
	s2 =	sadd.s32 s19, s18  }
0x9c: {  	s6 =	simm.s32 $0x0;
	s20 =	sshll.u32 s4, $0x1;
	s4 =	sadd.s32 s21, s2  }
0x9d: {  	[timem:s6], [sflag:s22] =	dma.local [hbm:s4], s20  }
0x9e: {  	_ =	swait.ge [sflag:s22], s20  }
0x9f: {  	s3 =	ssub.s32 $0x0, s20;
	[sflag:s22] =	ssyncset.done $0x0  }
0xa0: {  	[sflag:s22] =	ssyncadd.s32 s3;
	_ =	sdelay $0x1  }
0xa1: {  	s23 =	simm.s32 $0x1B8B  }
0xa2: {  	_ =	swait.ge [sflag:s23], $0x1  }
0xa3: {  	[sflag:s23] =	ssyncset.done $0x0  }
0xa4: {  	s25 =	simm.s32 $0x1B8E;
	s24 =	sld [smem:$0x3FFE];
	[sflag:s23] =	ssyncadd.s32 $0xFFFFFFFF  }
0xa5: {  	s26 =	simm.s32 $execute0_lowered;
	[smem:$0x3FD2] =	sst s25  }
0xa6: {  	s4 =	sshll.u32 s26, $0x1;
	_ =	strace $0x80000049;
	[dreg:$0x1] =	wrdreg $0xFFFFFFFF  }
0xa7: {  	s28 =	simm.s32 $_size_execute0_lowered;
	s2 =	sadd.s32 s2, s4;
	[dreg:$0x0] =	wrdreg $0x0  }
0xa8: {  	s4 =	sshll.u32 s28, $0x1;
	[dreg:$0x2] =	wrdreg s2  }
0xa9: {  	[dreg:$0x3] =	wrdreg s4  }
0xaa: {  	[dreg:$0x4] =	wrdreg $0xC0  }
0xab: {  	_ =	task [dreg:s6], $0x5FFFF  }
0xac: {  	[dreg:$0x1] =	wrdreg $0xFFFFFFFF  }
0xad: {  	[dreg:$0x0] =	wrdreg $0x60  }
0xae: {  	[dreg:$0x2] =	wrdreg s24  }
0xaf: {  	[dreg:$0x3] =	wrdreg $0xA8000  }
0xb0: {  	[dreg:$0x4] =	wrdreg $0x1EB000  }
0xb1: {  	[dreg:$0x5] =	wrdreg $0x9  }
0xb2: {  	_ =	task.clear_ibuf [dreg:s6], $0x6FFFF;
	_ =	strace $0x90000049  }
0xb3: {  	s29 =	simm.s32 $0x9;
	_ =	strace $0x8000004B  }
0xb4: {  	_ =	swait.ge [sflag:s29], $0x1  }
0xb5: {  	[sflag:s29] =	ssyncadd.s32 $0xFFFFFFFF  }
0xb6: {  	_ =	strace $0x9000004B  }
0xb7: {  	_ =	sfence  }
0xb8: {  	s30 =	sld [smem:$0x0];
	_ =	sdelay $0x2  }
0xb9: {  	s31 =	sshll.u32 s1, $0xD;
	s1 =	sshrl.u32 s1, $0x2  }
0xba: {  	s3 =	sand.u32 $0x4000, s31;
	s1 =	sadd.s32 s1, s30  }
0xbb: {  	s0 =	sor.u32 s3, s0;
	s1 =	sshll.u32 s1, $0x11  }
0xbc: {  	s0 =	sor.u32 s1, s0  }
0xbd: {  	s0 =	sadd.s32 $0x8F2B, s0  }
0xbe: {  	[sflag:s0] =	ssyncadd.remote.s32 $0x1  }
0xbf: {  	_ =	sfence.sel $0xFFFF  }
0xc0: {  	[dreg:$0x0] =	wrdreg $0xFFFFFFFF;
	(pc) =	sbr.abs _section_cstart, $3  }
0xc1: {  	[dreg:$0x1] =	wrdreg $0xFFFFFFFF  }
0xc2: {  	_ =	task.clear_ibuf [dreg:s6], $0x2FFFF;
	_ =	strace $0x9FFFFFFF  }
0xc3: {  	(tm) =	ssettm $0x7FFFFFFF  }
tec
execute0_lowered:
.L_overlay_start_1:
0x0: {  	(tag) =	ssettag $0x1  }
0x1: {  	s0 =	rddreg [dreg:$0x0]  }
0x2: {  	s1 =	rddreg [dreg:$0x1]  }
0x3: {  	s3 =	rddreg [dreg:$0x2];
	s4 =	simm.s32 $0x0  }
0x4: {  	s5 =	srdreg.scid;
	s2 =	stileid.u32;
	s20 =	simm.s32 $0x69C00  }
0x5: {  	s22 =	simm.s32 $0x1400;
	s23 =	simm.s32 $0x80;
	s24 =	simm.s32 $0x1  }
0x6: {  	s25 =	simm.s32 $0x6800;
	s28 =	simm.s32 $0x1380;
	s29 =	simm.s32 $0x2700  }
0x7: {  	s30 =	simm.s32 $0x2780;
	[smem:$0x7FF] =	sst s4;
	s6 =	smul.u32 $0x500, s2  }
0x8: {  	s14 =	sand.u32 $0x1, s5;
	s5 =	sadd.s32 $0x5C00, s0;
	s8 =	smul.u32 $0x50000, s2  }
0x9: {  	s15 =	sadd.s32 $0x2DC00, s0;
	s16 =	sadd.s32 $0x37C00, s0;
	s11 =	smul.u32 $0xA00, s2  }
0xa: {  	s9 =	sshll.u32 s2, $0x1;
	s21 =	smul.u32 $0x2800, s2;
	s2 =	simm.s32 $0x10  }
0xb: {  	_ =	strace $0x8000004A;
	s7 =	sshll.u32 s14, $0x7;
	s26 =	ssub.s32 $0x2, s14  }
0xc: {  	s9 =	sor.u32 s14, s9;
	p0 =	seq.s32 s14, $0x1;
	s6 =	sor.u32 s7, s6  }
0xd: {  	s31 =	sshrl.u32 s26, $0x1;
	s8 =	sshrl.u32 s8, $0x2;
	s12 =	smul.u32 $0x2800, s9  }
0xe: {  	s11 =	sshrl.u32 s11, $0x2;
	s20 =	simm.s32 @!p0 $0x41C00;
	s6 =	sshrl.u32 s6, $0x3  }
0xf: {  	s18 =	ssub.s32 s26, s31;
	s11 =	sadd.s32 s11, s3;
	s26 =	simm.s32 $0x1E800  }
0x10: {  	s17 =	sadd.s32 s6, s0;
	s6 =	sadd.s32 s8, s1;
	s19 =	sshrl.u32 s12, $0x3  }
0x11: {  	s0 =	sadd.s32 s20, s0;
	s20 =	simm.s32 $0x2;
	s7 =	sadd.s32 $0x4000, s6  }
0x12: {  	s8 =	sadd.s32 $0x8000, s6;
	s9 =	sadd.s32 $0xC000, s6;
	s10 =	sadd.s32 $0x10000, s6  }
0x13: {  	s12 =	sadd.s32 s15, s19;
	s13 =	sadd.s32 s16, s19;
	s19 =	sadd.s32 $0x280, s19  }
0x14: {  	s14 =	sadd.s32 s15, s19;
	s15 =	sadd.s32 s16, s19;
	s16 =	sadd.s32 $0x2C00, s17  }
0x15: {  	v0 =	vimm.f32 $0.0e+00;
	v1 =	vimm.f32 $1.000000000e+00;
	s17 =	smax.u32 s18, $0x1;
	s18 =	sadd.s32 s0, s21;
	s19 =	simm.s32 $0x2800  }
.LBB2_1:
0x16: {  	s21 =	simm.s32 $0x0;
	s31 =	simm.s32 $0x200  }
.LBB2_2:
0x17: {  	p0 =	sne.s32 s31, $0xFE00;
	[tilespmem:s21+$0x2870] =	vst v0  }
0x18: {  	[tilespmem:s21+$0x2800] =	vst v0  }
0x19: {  	[tilespmem:s21+$0x2810] =	vst v0  }
.Ltmp0:
0x1a: {  	[tilespmem:s21+$0x2820] =	vst v0;
	(pc) =	sbr.rel @p0 .LBB2_2-.Ltmp0, $4  }
0x1b: {  	[tilespmem:s21+$0x2830] =	vst v0  }
0x1c: {  	[tilespmem:s21+$0x2840] =	vst v0  }
0x1d: {  	[tilespmem:s21+$0x2850] =	vst v0  }
0x1e: {  	[tilespmem:s21+$0x2860] =	vst v0;
	s21 =	sshra.s32 s31, $0x2;
	s31 =	sadd.s32 $0x200, s31  }
0x1f: {  	[tilespmem:s21+$0x2870] =	vst v0  }
0x20: {  	[tilespmem:s21+$0x2800] =	vst v0  }
0x21: {  	[tilespmem:s21+$0x2810] =	vst v0  }
0x22: {  	[tilespmem:s21+$0x2820] =	vst v0  }
0x23: {  	[tilespmem:s21+$0x2830] =	vst v0  }
0x24: {  	[tilespmem:s21+$0x2840] =	vst v0  }
0x25: {  	[tilespmem:s21+$0x2850] =	vst v0  }
0x26: {  	[tilespmem:s21+$0x2860] =	vst v0  }
0x27: {  	[spmem:s6] =	stream.linear.scatter [tilespmem:s19], [sflag:$0x2], $0x4000, $0x38;
	[tilespmem:$0x1ED80] =	vst v63  }
0x28: {  	_ =	swait.ge [sflag:s20], $0x4000  }
0x29: {  	[sflag:s20] =	ssyncset.done $0x0  }
0x2a: {  	[sflag:s20] =	ssyncadd.s32 $0xFFFFC000  }
0x2b: {  	[spmem:s7] =	stream.linear.scatter [tilespmem:s19], [sflag:$0x2], $0x4000, $0x38;
	[tilespmem:$0x1ED80] =	vst v63  }
0x2c: {  	_ =	swait.ge [sflag:s20], $0x4000  }
0x2d: {  	[sflag:s20] =	ssyncset.done $0x0  }
0x2e: {  	[sflag:s20] =	ssyncadd.s32 $0xFFFFC000  }
0x2f: {  	[spmem:s8] =	stream.linear.scatter [tilespmem:s19], [sflag:$0x2], $0x4000, $0x38;
	[tilespmem:$0x1ED80] =	vst v63  }
0x30: {  	_ =	swait.ge [sflag:s20], $0x4000  }
0x31: {  	[sflag:s20] =	ssyncset.done $0x0  }
0x32: {  	[sflag:s20] =	ssyncadd.s32 $0xFFFFC000  }
0x33: {  	[spmem:s9] =	stream.linear.scatter [tilespmem:s19], [sflag:$0x2], $0x4000, $0x38;
	[tilespmem:$0x1ED80] =	vst v63  }
0x34: {  	_ =	swait.ge [sflag:s20], $0x4000  }
0x35: {  	[sflag:s20] =	ssyncset.done $0x0  }
0x36: {  	[sflag:s20] =	ssyncadd.s32 $0xFFFFC000  }
0x37: {  	[spmem:s10] =	stream.linear.scatter [tilespmem:s19], [sflag:$0x2], $0x4000, $0x38;
	[tilespmem:$0x1ED80] =	vst v63  }
0x38: {  	_ =	swait.ge [sflag:s20], $0x4000  }
0x39: {  	[sflag:s20] =	ssyncset.done $0x0  }
0x3a: {  	[sflag:s20] =	ssyncadd.s32 $0xFFFFC000  }
0x3b: {  	[tilespmem:$0x1E880] =	vst v0  }
0x3c: {  	[tilespmem:$0x1E890] =	vst v0  }
0x3d: {  	[tilespmem:$0x1E8A0] =	vst v0  }
0x3e: {  	[tilespmem:$0x1E8B0] =	vst v0  }
0x3f: {  	[tilespmem:$0x1E8C0] =	vst v0  }
0x40: {  	[tilespmem:$0x1E8D0] =	vst v0  }
0x41: {  	[tilespmem:$0x1E8E0] =	vst v0  }
0x42: {  	[tilespmem:$0x1E8F0] =	vst v0  }
0x43: {  	[tilespmem:$0x1E900] =	vst v0  }
0x44: {  	[tilespmem:$0x1E910] =	vst v0  }
0x45: {  	[tilespmem:$0x1E920] =	vst v0  }
0x46: {  	[tilespmem:$0x1E930] =	vst v0  }
0x47: {  	[tilespmem:$0x1E940] =	vst v0  }
0x48: {  	[tilespmem:$0x1E950] =	vst v0  }
0x49: {  	[tilespmem:$0x1E960] =	vst v0  }
0x4a: {  	[tilespmem:$0x1E970] =	vst v0  }
0x4b: {  	[tilespmem:$0x1E980] =	vst v0  }
0x4c: {  	[tilespmem:$0x1E990] =	vst v0  }
0x4d: {  	[tilespmem:$0x1E9A0] =	vst v0  }
0x4e: {  	[tilespmem:$0x1E9B0] =	vst v0  }
0x4f: {  	[tilespmem:$0x1E9C0] =	vst v0  }
0x50: {  	[tilespmem:$0x1E9D0] =	vst v0  }
0x51: {  	[tilespmem:$0x1E9E0] =	vst v0  }
0x52: {  	[tilespmem:$0x1E9F0] =	vst v0  }
0x53: {  	[tilespmem:$0x1EA00] =	vst v0  }
0x54: {  	[tilespmem:$0x1EA10] =	vst v0  }
0x55: {  	[tilespmem:$0x1EA20] =	vst v0  }
0x56: {  	[tilespmem:$0x1EA30] =	vst v0  }
0x57: {  	[tilespmem:$0x1EA40] =	vst v0  }
0x58: {  	[tilespmem:$0x1EA50] =	vst v0  }
0x59: {  	[tilespmem:$0x1EA60] =	vst v0  }
0x5a: {  	[tilespmem:$0x1EA70] =	vst v0  }
0x5b: {  	[tilespmem:$0x1EA80] =	vst v0  }
0x5c: {  	[tilespmem:$0x1EA90] =	vst v0  }
0x5d: {  	[tilespmem:$0x1EAA0] =	vst v0  }
0x5e: {  	[tilespmem:$0x1EAB0] =	vst v0  }
0x5f: {  	[tilespmem:$0x1EAC0] =	vst v0  }
0x60: {  	[tilespmem:$0x1EAD0] =	vst v0  }
0x61: {  	[tilespmem:$0x1EAE0] =	vst v0  }
0x62: {  	s0 =	simm.s32 $0x1E880;
	[tilespmem:$0x1EAF0] =	vst v0  }
0x63: {  	[spmem:s11] =	stream.linear.scatter [tilespmem:s0], [sflag:$0x2], $0x280, $0x38;
	[tilespmem:$0x1ED80] =	vst v63  }
0x64: {  	_ =	swait.ge [sflag:s20], $0x280  }
0x65: {  	[sflag:s20] =	ssyncset.done $0x0  }
0x66: {  	[sflag:s20] =	ssyncadd.s32 $0xFFFFFD80  }
0x67: {  	[tilespmem:$0x1E800] =	vst v1  }
0x68: {  	[tilespmem:$0x1E810] =	vst v1  }
0x69: {  	[tilespmem:$0x1E820] =	vst v1  }
0x6a: {  	[tilespmem:$0x1E830] =	vst v1  }
0x6b: {  	[tilespmem:$0x1E840] =	vst v1  }
0x6c: {  	[tilespmem:$0x1E850] =	vst v1  }
0x6d: {  	[tilespmem:$0x1E860] =	vst v1  }
0x6e: {  	[tilespmem:$0x1E870] =	vst v1  }
0x6f: {  	s31 =	simm.s32 $0x0;
	[bflag:$0x0] =	sbarrier.arrive $0xFFFF  }
0x70: {  	[tilespmem:s31], [sflag:$0x2] =	stream.linear.gather [hbm4b:s12+s31], $0x1400, $0x38;
	[tilespmem:$0x1ED80] =	vst v63  }
0x71: {  	_ =	swait.ge [sflag:s20], $0x1400  }
0x72: {  	[sflag:s20] =	ssyncset.done $0x0  }
0x73: {  	[sflag:s20] =	ssyncadd.s32 $0xFFFFEC00  }
0x74: {  	[tilespmem:s22], [sflag:$0x2] =	stream.linear.gather [hbm4b:s13+s31], $0x1400, $0x38;
	[tilespmem:$0x1ED80] =	vst v63  }
0x75: {  	_ =	swait.ge [sflag:s20], $0x1400  }
0x76: {  	[sflag:s20] =	ssyncset.done $0x0  }
0x77: {  	[sflag:s20] =	ssyncadd.s32 $0xFFFFEC00  }
0x78: {  	[tilespmem:s19], [sflag:$0x1] =	stream.indirect.gather [hbm4b:s5+s23], $0x80, s31, s23, $0xb8;
	[tilespmem:$0x1ED80] =	vst v63  }
0x79: {  	_ =	swait.ge [sflag:s24], $0x4000  }
0x7a: {  	[sflag:s24] =	ssyncset.done $0x0  }
0x7b: {  	s0 =	simm.s32 $0x80;
	[sflag:s24] =	ssyncadd.s32 $0xFFFFC000  }
0x7c: {  	[tilespmem:s25], [sflag:$0x1] =	stream.indirect.gather [hbm4b:s5+s23], $0x80, s0, s23, $0xb8;
	[tilespmem:$0x1ED80] =	vst v63  }
0x7d: {  	s31 =	simm.s32 $0x1400  }
0x7e: {  	[spmem:s1] =	stream.indirect.scatter.add.f32 [tilespmem:s19], [sflag:$0x2], $0x80, s31, s23, $0xb8;
	[tilespmem:$0x1ED80] =	vst v63  }
0x7f: {  	_ =	swait.ge [sflag:s20], $0x4000  }
0x80: {  	[sflag:s20] =	ssyncset.done $0x0  }
0x81: {  	[sflag:s20] =	ssyncadd.s32 $0xFFFFC000  }
0x82: {  	[spmem:s3] =	stream.indirect.scatter.add.f32 [tilespmem:s26], [sflag:$0x2], $0x1, s31, s23, $0xb8;
	[tilespmem:$0x1ED80] =	vst v63  }
0x83: {  	_ =	swait.ge [sflag:s20], $0x80  }
0x84: {  	[sflag:s20] =	ssyncset.done $0x0  }
0x85: {  	[sflag:s20] =	ssyncadd.s32 $0xFFFFFF80  }
0x86: {  	_ =	swait.ge [sflag:s24], $0x4000  }
0x87: {  	[sflag:s24] =	ssyncset.done $0x0  }
0x88: {  	s0 =	simm.s32 $0x100;
	[sflag:s24] =	ssyncadd.s32 $0xFFFFC000  }
0x89: {  	[tilespmem:s19], [sflag:$0x1] =	stream.indirect.gather [hbm4b:s5+s23], $0x80, s0, s23, $0xb8;
	[tilespmem:$0x1ED80] =	vst v63  }
0x8a: {  	s31 =	simm.s32 $0x1480  }
0x8b: {  	[spmem:s1] =	stream.indirect.scatter.add.f32 [tilespmem:s25], [sflag:$0x2], $0x80, s31, s23, $0xb8;
	[tilespmem:$0x1ED80] =	vst v63  }
0x8c: {  	_ =	swait.ge [sflag:s20], $0x4000  }
0x8d: {  	[sflag:s20] =	ssyncset.done $0x0  }
0x8e: {  	[sflag:s20] =	ssyncadd.s32 $0xFFFFC000  }
0x8f: {  	[spmem:s3] =	stream.indirect.scatter.add.f32 [tilespmem:s26], [sflag:$0x2], $0x1, s31, s23, $0xb8;
	[tilespmem:$0x1ED80] =	vst v63  }
0x90: {  	_ =	swait.ge [sflag:s20], $0x80  }
0x91: {  	s21 =	simm.s32 $0x400;
	[sflag:s20] =	ssyncset.done $0x0  }
.LBB2_4:
0x92: {  	p0 =	sne.s32 s21, $0x4800  }
0x93: {  	[sflag:s20] =	ssyncadd.s32 $0xFFFFFF80;
	s31 =	smov.u32 s21;
	s21 =	sadd.s32 $0x400, s21  }
0x94: {  	_ =	swait.ge [sflag:s24], $0x4000  }
0x95: {  	s31 =	sshra.s32 s31, $0x2;
	[sflag:s24] =	ssyncset.done $0x0  }
0x96: {  	s0 =	sadd.s32 $0x80, s31;
	[sflag:s24] =	ssyncadd.s32 $0xFFFFC000  }
0x97: {  	[tilespmem:s25], [sflag:$0x1] =	stream.indirect.gather [hbm4b:s5+s23], $0x80, s0, s23, $0xb8;
	[tilespmem:$0x1ED80] =	vst v63  }
0x98: {  	s0 =	sadd.s32 $0x1400, s31  }
0x99: {  	[spmem:s1] =	stream.indirect.scatter.add.f32 [tilespmem:s19], [sflag:$0x2], $0x80, s0, s23, $0xb8;
	[tilespmem:$0x1ED80] =	vst v63  }
0x9a: {  	_ =	swait.ge [sflag:s20], $0x4000  }
0x9b: {  	[sflag:s20] =	ssyncset.done $0x0  }
0x9c: {  	[sflag:s20] =	ssyncadd.s32 $0xFFFFC000  }
0x9d: {  	[spmem:s3] =	stream.indirect.scatter.add.f32 [tilespmem:s26], [sflag:$0x2], $0x1, s0, s23, $0xb8;
	[tilespmem:$0x1ED80] =	vst v63  }
0x9e: {  	_ =	swait.ge [sflag:s20], $0x80  }
0x9f: {  	[sflag:s20] =	ssyncset.done $0x0  }
0xa0: {  	[sflag:s20] =	ssyncadd.s32 $0xFFFFFF80  }
0xa1: {  	_ =	swait.ge [sflag:s24], $0x4000  }
0xa2: {  	[sflag:s24] =	ssyncset.done $0x0  }
0xa3: {  	s0 =	sadd.s32 $0x100, s31;
	[sflag:s24] =	ssyncadd.s32 $0xFFFFC000  }
0xa4: {  	[tilespmem:s19], [sflag:$0x1] =	stream.indirect.gather [hbm4b:s5+s23], $0x80, s0, s23, $0xb8;
	[tilespmem:$0x1ED80] =	vst v63  }
0xa5: {  	s0 =	sadd.s32 $0x1480, s31  }
0xa6: {  	[spmem:s1] =	stream.indirect.scatter.add.f32 [tilespmem:s25], [sflag:$0x2], $0x80, s0, s23, $0xb8;
	[tilespmem:$0x1ED80] =	vst v63  }
0xa7: {  	_ =	swait.ge [sflag:s20], $0x4000  }
.Ltmp1:
0xa8: {  	[sflag:s20] =	ssyncset.done $0x0;
	(pc) =	sbr.rel @p0 .LBB2_4-.Ltmp1, $4  }
0xa9: {  	[sflag:s20] =	ssyncadd.s32 $0xFFFFC000  }
0xaa: {  	[spmem:s3] =	stream.indirect.scatter.add.f32 [tilespmem:s26], [sflag:$0x2], $0x1, s0, s23, $0xb8;
	[tilespmem:$0x1ED80] =	vst v63  }
0xab: {  	_ =	swait.ge [sflag:s20], $0x80  }
0xac: {  	[sflag:s20] =	ssyncset.done $0x0  }
0xad: {  	[sflag:s20] =	ssyncadd.s32 $0xFFFFFF80  }
0xae: {  	_ =	swait.ge [sflag:s24], $0x4000  }
0xaf: {  	[sflag:s24] =	ssyncset.done $0x0  }
0xb0: {  	[sflag:s24] =	ssyncadd.s32 $0xFFFFC000  }
0xb1: {  	[tilespmem:s25], [sflag:$0x1] =	stream.indirect.gather [hbm4b:s5+s23], $0x80, s28, s23, $0xb8;
	[tilespmem:$0x1ED80] =	vst v63  }
0xb2: {  	_ = 	snop  }
0xb3: {  	[spmem:s1] =	stream.indirect.scatter.add.f32 [tilespmem:s19], [sflag:$0x2], $0x80, s29, s23, $0xb8;
	[tilespmem:$0x1ED80] =	vst v63  }
0xb4: {  	_ =	swait.ge [sflag:s20], $0x4000  }
0xb5: {  	[sflag:s20] =	ssyncset.done $0x0  }
0xb6: {  	[sflag:s20] =	ssyncadd.s32 $0xFFFFC000  }
0xb7: {  	[spmem:s3] =	stream.indirect.scatter.add.f32 [tilespmem:s26], [sflag:$0x2], $0x1, s29, s23, $0xb8;
	[tilespmem:$0x1ED80] =	vst v63  }
0xb8: {  	_ =	swait.ge [sflag:s20], $0x80  }
0xb9: {  	[sflag:s20] =	ssyncset.done $0x0  }
0xba: {  	[sflag:s20] =	ssyncadd.s32 $0xFFFFFF80  }
0xbb: {  	_ =	swait.ge [sflag:s24], $0x4000  }
0xbc: {  	[sflag:s24] =	ssyncset.done $0x0  }
0xbd: {  	[sflag:s24] =	ssyncadd.s32 $0xFFFFC000  }
0xbe: {  	[spmem:s1] =	stream.indirect.scatter.add.f32 [tilespmem:s25], [sflag:$0x2], $0x80, s30, s23, $0xb8;
	[tilespmem:$0x1ED80] =	vst v63  }
0xbf: {  	_ =	swait.ge [sflag:s20], $0x4000  }
0xc0: {  	[sflag:s20] =	ssyncset.done $0x0  }
0xc1: {  	[sflag:s20] =	ssyncadd.s32 $0xFFFFC000  }
0xc2: {  	[spmem:s3] =	stream.indirect.scatter.add.f32 [tilespmem:s26], [sflag:$0x2], $0x1, s30, s23, $0xb8;
	[tilespmem:$0x1ED80] =	vst v63  }
0xc3: {  	_ =	swait.ge [sflag:s20], $0x80  }
0xc4: {  	[sflag:s20] =	ssyncset.done $0x0  }
0xc5: {  	s0 =	simm.s32 $0x0;
	[sflag:s20] =	ssyncadd.s32 $0xFFFFFF80  }
0xc6: {  	[tilespmem:s0], [sflag:$0x2] =	stream.linear.gather [hbm4b:s14+s0], $0x1400, $0x38;
	[tilespmem:$0x1ED80] =	vst v63  }
0xc7: {  	_ =	swait.ge [sflag:s20], $0x1400  }
0xc8: {  	[sflag:s20] =	ssyncset.done $0x0  }
0xc9: {  	[sflag:s20] =	ssyncadd.s32 $0xFFFFEC00  }
0xca: {  	[tilespmem:s22], [sflag:$0x2] =	stream.linear.gather [hbm4b:s15+s0], $0x1400, $0x38;
	[tilespmem:$0x1ED80] =	vst v63  }
0xcb: {  	_ =	swait.ge [sflag:s20], $0x1400  }
0xcc: {  	[sflag:s20] =	ssyncset.done $0x0  }
0xcd: {  	[sflag:s20] =	ssyncadd.s32 $0xFFFFEC00  }
0xce: {  	[tilespmem:s19], [sflag:$0x1] =	stream.indirect.gather [hbm4b:s5+s23], $0x80, s0, s23, $0xb8;
	[tilespmem:$0x1ED80] =	vst v63  }
0xcf: {  	_ =	swait.ge [sflag:s24], $0x4000  }
0xd0: {  	[sflag:s24] =	ssyncset.done $0x0  }
0xd1: {  	s21 =	simm.s32 $0x80;
	[sflag:s24] =	ssyncadd.s32 $0xFFFFC000  }
0xd2: {  	[tilespmem:s25], [sflag:$0x1] =	stream.indirect.gather [hbm4b:s5+s23], $0x80, s21, s23, $0xb8;
	[tilespmem:$0x1ED80] =	vst v63  }
0xd3: {  	s31 =	simm.s32 $0x1400  }
0xd4: {  	[spmem:s1] =	stream.indirect.scatter.add.f32 [tilespmem:s19], [sflag:$0x2], $0x80, s31, s23, $0xb8;
	[tilespmem:$0x1ED80] =	vst v63  }
0xd5: {  	_ =	swait.ge [sflag:s20], $0x4000  }
0xd6: {  	[sflag:s20] =	ssyncset.done $0x0  }
0xd7: {  	[sflag:s20] =	ssyncadd.s32 $0xFFFFC000  }
0xd8: {  	[spmem:s3] =	stream.indirect.scatter.add.f32 [tilespmem:s26], [sflag:$0x2], $0x1, s31, s23, $0xb8;
	[tilespmem:$0x1ED80] =	vst v63  }
0xd9: {  	_ =	swait.ge [sflag:s20], $0x80  }
0xda: {  	[sflag:s20] =	ssyncset.done $0x0  }
0xdb: {  	[sflag:s20] =	ssyncadd.s32 $0xFFFFFF80  }
0xdc: {  	_ =	swait.ge [sflag:s24], $0x4000  }
0xdd: {  	[sflag:s24] =	ssyncset.done $0x0  }
0xde: {  	s21 =	simm.s32 $0x100;
	[sflag:s24] =	ssyncadd.s32 $0xFFFFC000  }
0xdf: {  	[tilespmem:s19], [sflag:$0x1] =	stream.indirect.gather [hbm4b:s5+s23], $0x80, s21, s23, $0xb8;
	[tilespmem:$0x1ED80] =	vst v63  }
0xe0: {  	s31 =	simm.s32 $0x1480  }
0xe1: {  	[spmem:s1] =	stream.indirect.scatter.add.f32 [tilespmem:s25], [sflag:$0x2], $0x80, s31, s23, $0xb8;
	[tilespmem:$0x1ED80] =	vst v63  }
0xe2: {  	_ =	swait.ge [sflag:s20], $0x4000  }
0xe3: {  	[sflag:s20] =	ssyncset.done $0x0  }
0xe4: {  	[sflag:s20] =	ssyncadd.s32 $0xFFFFC000  }
0xe5: {  	[spmem:s3] =	stream.indirect.scatter.add.f32 [tilespmem:s26], [sflag:$0x2], $0x1, s31, s23, $0xb8;
	[tilespmem:$0x1ED80] =	vst v63  }
0xe6: {  	_ =	swait.ge [sflag:s20], $0x80  }
0xe7: {  	s21 =	simm.s32 $0x400;
	[sflag:s20] =	ssyncset.done $0x0  }
.LBB2_6:
0xe8: {  	p0 =	sne.s32 s21, $0x4800  }
0xe9: {  	[sflag:s20] =	ssyncadd.s32 $0xFFFFFF80;
	s0 =	smov.u32 s21;
	s21 =	sadd.s32 $0x400, s21  }
0xea: {  	_ =	swait.ge [sflag:s24], $0x4000  }
0xeb: {  	s0 =	sshra.s32 s0, $0x2;
	[sflag:s24] =	ssyncset.done $0x0  }
0xec: {  	s31 =	sadd.s32 $0x80, s0;
	[sflag:s24] =	ssyncadd.s32 $0xFFFFC000  }
0xed: {  	[tilespmem:s25], [sflag:$0x1] =	stream.indirect.gather [hbm4b:s5+s23], $0x80, s31, s23, $0xb8;
	[tilespmem:$0x1ED80] =	vst v63  }
0xee: {  	s31 =	sadd.s32 $0x1400, s0  }
0xef: {  	[spmem:s1] =	stream.indirect.scatter.add.f32 [tilespmem:s19], [sflag:$0x2], $0x80, s31, s23, $0xb8;
	[tilespmem:$0x1ED80] =	vst v63  }
0xf0: {  	_ =	swait.ge [sflag:s20], $0x4000  }
0xf1: {  	[sflag:s20] =	ssyncset.done $0x0  }
0xf2: {  	[sflag:s20] =	ssyncadd.s32 $0xFFFFC000  }
0xf3: {  	[spmem:s3] =	stream.indirect.scatter.add.f32 [tilespmem:s26], [sflag:$0x2], $0x1, s31, s23, $0xb8;
	[tilespmem:$0x1ED80] =	vst v63  }
0xf4: {  	_ =	swait.ge [sflag:s20], $0x80  }
0xf5: {  	[sflag:s20] =	ssyncset.done $0x0  }
0xf6: {  	[sflag:s20] =	ssyncadd.s32 $0xFFFFFF80  }
0xf7: {  	_ =	swait.ge [sflag:s24], $0x4000  }
0xf8: {  	[sflag:s24] =	ssyncset.done $0x0  }
0xf9: {  	s31 =	sadd.s32 $0x100, s0;
	[sflag:s24] =	ssyncadd.s32 $0xFFFFC000  }
0xfa: {  	[tilespmem:s19], [sflag:$0x1] =	stream.indirect.gather [hbm4b:s5+s23], $0x80, s31, s23, $0xb8;
	[tilespmem:$0x1ED80] =	vst v63  }
0xfb: {  	s0 =	sadd.s32 $0x1480, s0  }
0xfc: {  	[spmem:s1] =	stream.indirect.scatter.add.f32 [tilespmem:s25], [sflag:$0x2], $0x80, s0, s23, $0xb8;
	[tilespmem:$0x1ED80] =	vst v63  }
0xfd: {  	_ =	swait.ge [sflag:s20], $0x4000  }
.Ltmp2:
0xfe: {  	[sflag:s20] =	ssyncset.done $0x0;
	(pc) =	sbr.rel @p0 .LBB2_6-.Ltmp2, $4  }
0xff: {  	[sflag:s20] =	ssyncadd.s32 $0xFFFFC000  }
0x100: {  	[spmem:s3] =	stream.indirect.scatter.add.f32 [tilespmem:s26], [sflag:$0x2], $0x1, s0, s23, $0xb8;
	[tilespmem:$0x1ED80] =	vst v63  }
0x101: {  	_ =	swait.ge [sflag:s20], $0x80  }
0x102: {  	[sflag:s20] =	ssyncset.done $0x0  }
0x103: {  	[sflag:s20] =	ssyncadd.s32 $0xFFFFFF80  }
0x104: {  	_ =	swait.ge [sflag:s24], $0x4000  }
0x105: {  	[sflag:s24] =	ssyncset.done $0x0  }
0x106: {  	[sflag:s24] =	ssyncadd.s32 $0xFFFFC000  }
0x107: {  	[tilespmem:s25], [sflag:$0x1] =	stream.indirect.gather [hbm4b:s5+s23], $0x80, s28, s23, $0xb8;
	[tilespmem:$0x1ED80] =	vst v63  }
0x108: {  	_ = 	snop  }
0x109: {  	[spmem:s1] =	stream.indirect.scatter.add.f32 [tilespmem:s19], [sflag:$0x2], $0x80, s29, s23, $0xb8;
	[tilespmem:$0x1ED80] =	vst v63  }
0x10a: {  	_ =	swait.ge [sflag:s20], $0x4000  }
0x10b: {  	[sflag:s20] =	ssyncset.done $0x0  }
0x10c: {  	[sflag:s20] =	ssyncadd.s32 $0xFFFFC000  }
0x10d: {  	[spmem:s3] =	stream.indirect.scatter.add.f32 [tilespmem:s26], [sflag:$0x2], $0x1, s29, s23, $0xb8;
	[tilespmem:$0x1ED80] =	vst v63  }
0x10e: {  	_ =	swait.ge [sflag:s20], $0x80  }
0x10f: {  	[sflag:s20] =	ssyncset.done $0x0  }
0x110: {  	[sflag:s20] =	ssyncadd.s32 $0xFFFFFF80  }
0x111: {  	_ =	swait.ge [sflag:s24], $0x4000  }
0x112: {  	[sflag:s24] =	ssyncset.done $0x0  }
0x113: {  	[sflag:s24] =	ssyncadd.s32 $0xFFFFC000  }
0x114: {  	[spmem:s1] =	stream.indirect.scatter.add.f32 [tilespmem:s25], [sflag:$0x2], $0x80, s30, s23, $0xb8;
	[tilespmem:$0x1ED80] =	vst v63  }
0x115: {  	_ =	swait.ge [sflag:s20], $0x4000  }
0x116: {  	[sflag:s20] =	ssyncset.done $0x0  }
0x117: {  	[sflag:s20] =	ssyncadd.s32 $0xFFFFC000  }
0x118: {  	[spmem:s3] =	stream.indirect.scatter.add.f32 [tilespmem:s26], [sflag:$0x2], $0x1, s30, s23, $0xb8;
	[tilespmem:$0x1ED80] =	vst v63  }
0x119: {  	_ =	swait.ge [sflag:s20], $0x80  }
0x11a: {  	s0 =	stileid.u32;
	[sflag:s20] =	ssyncset.done $0x0  }
0x11b: {  	s0 =	sshll.u32 s0, $0x6;
	[sflag:s20] =	ssyncadd.s32 $0xFFFFFF80  }
0x11c: {  	s21 =	sshrl.u32 s6, $0x3;
	s0 =	sor.u32 $0x1C02, s0;
	[bflag:$0x0] =	sbarrier.arrive $0xFFFF  }
0x11d: {  	[hbm:s18], [sflag:s0] =	dma.local [spmem:s21], $0x2800  }
0x11e: {  	s4 =	sadd.s32 $0x1, s4;
	_ =	swait.ge [sflag:s20], $0x2800  }
0x11f: {  	s31 =	simm.s32 $0x20;
	p0 =	sne.s32 s4, s17;
	[sflag:s20] =	ssyncset.done $0x0  }
.Ltmp3:
0x120: {  	s21 =	sshrl.u32 s11, $0x3;
	[sflag:s20] =	ssyncadd.s32 $0xFFFFD800;
	(pc) =	sbr.rel @p0 .LBB2_1-.Ltmp3, $4  }
0x121: {  	[hbm:s16@s31], [sflag:s0] =	dma.strided [spmem:s21@s2], $0x50, s24, $0x10   }
0x122: {  	_ =	swait.ge [sflag:s20], $0x50  }
0x123: {  	[sflag:s20] =	ssyncset.done $0x0  }
0x124: {  	[sflag:s20] =	ssyncadd.s32 $0xFFFFFFB0  }
0x125: {  	_ =	sfence.sel $0x180000  }
0x126: {  	[bflag:$0x0] =	sbarrier.arrive $0xFFFF  }
0x127: {  	_ =	strace $0x9000004A  }
0x128: {  	s0 =	stileid.u32;
	[bflag:$0x2] =	sbarrier.arrive $0xFFFF  }
0x129: {  	p0 =	sne.s32 s0, $0x0;
	s0 =	rddreg [dreg:$0x3]  }
0x12a: {  	s0 =	sadd.s32 @!p0 $0x100000, s0  }
0x12b: {  	[sflag:s0] =	ssyncadd.tile.s32 @!p0 $0x1;
	_ =	shalt  }
.Lfunc_end2:
_tile_overlayer_lowered:
.L_overlay_start_2:
0x12c: {  	(tag) =	ssettag $0x2  }
0x12d: {  	s0 =	rddreg [dreg:$0x0];
	s2 =	stileid.u32  }
0x12e: {  	s1 =	rddreg [dreg:$0x1];
	p0 =	sne.s32 s2, $0x0  }
0x12f: {  	s3 =	rddreg [dreg:$0x2];
	[bflag:$0x3] =	sbarrier.arrive $0xFFFF;
	s2 =	simm.s32 @!p0 $0x1C02  }
0x130: {  	[timem:s3], [sflag:s2] =	dma.local @!p0 [hbm:s0], s1  }
0x131: {  	s0 =	simm.s32 @!p0 $0x2  }
0x132: {  	_ =	swait.ge @!p0 [sflag:s0], s1  }
0x133: {  	s1 =	ssub.s32 @!p0 $0x0, s1;
	[sflag:s0] =	ssyncset.done @!p0 $0x0  }
0x134: {  	[sflag:s0] =	ssyncadd.s32 @!p0 s1  }
0x135: {  	[bflag:$0x3] =	sbarrier.arrive $0xFFFF  }
0x136: {  	_ =	shalt  }

// kernel: kernel.14.cloned.1.call-start
scs
__scs_entry_jumppad:
0x0: {  	(pc) =	sbr.rel $0x88, $3  }
0x1: {  	(tag) =	ssettag $0x0;
	lr =	simm.s32 $0x1  }
0x2: {  	[smem:$0x3F91] =	sst lr;
	_ =	strace $0xD0000000  }
0x3: {  	_ = 	snop  }
0x4: {  	_ = 	snop  }
0x5: {  	_ = 	snop  }
0x6: {  	_ = 	snop  }
0x7: {  	_ = 	snop  }
__scs_overlays_trampoline_lowered:
0x8: {  	[smem:$0x3FA0] =	sst s0  }
0x9: {  	[smem:$0x3FA1] =	sst s1  }
0xa: {  	[smem:$0x3FA2] =	sst s2  }
0xb: {  	[smem:$0x3FA3] =	sst s3  }
0xc: {  	[smem:$0x3FA4] =	sst s4  }
0xd: {  	[smem:$0x3FA5] =	sst s5  }
0xe: {  	[smem:$0x3FA6] =	sst s6  }
0xf: {  	[smem:$0x3FA7] =	sst s7  }
0x10: {  	[smem:$0x3FA8] =	sst s8  }
0x11: {  	[smem:$0x3FA9] =	sst s9;
	s0 =	simm.s32 @!p0 $0x0  }
0x12: {  	s1 =	sld [smem:$0x3F8F];
	s0 =	simm.s32 @p0 $0x1  }
0x13: {  	[smem:$0x3FAA] =	sst s0;
	s0 =	simm.s32 @!p1 $0x0  }
0x14: {  	s2 =	sld [smem:$0x3F8E];
	s0 =	simm.s32 @p1 $0x1  }
0x15: {  	[smem:$0x3FAB] =	sst s0;
	s0 =	simm.s32 @!p2 $0x0  }
0x16: {  	s3 =	sld [smem:$0x3FDB];
	s0 =	simm.s32 @p2 $0x1  }
0x17: {  	s4 =	simm.s32 $0x1BF5;
	[smem:$0x3FAD] =	sst s0  }
0x18: {  	s0 =	sld [smem:$0x3F90];
	_ =	swait.ge [sflag:s4], $0x0  }
0x19: {  	s7 =	sld [smem:$0x3F91]  }
0x1a: {  	s8 =	sadd.s32 $0xFFFFE003, lr  }
0x1b: {  	s9 =	sadd.s32 $0xFFFFFEF7, lr;
	s5 =	simm.s32 $0xFFFFFFFF;
	p2 =	slt.u32 s8, $0xFFFFF086  }
0x1c: {  	p1 =	slt.u32 s9, $0xF7A;
	s5 =	simm.s32 @!p2 $0x0  }
0x1d: {  	s5 =	simm.s32 @p1 $0x1;
	p0 =	seq.s32 s7, s2  }
0x1e: {  	s7 =	smul.u32 @!p0 $0xF7A, s2;
	p2 =	seq.s32 @!p0 s5, $0x0  }
0x1f: {  	s9 =	smul.u32 $0xF7A, s1;
	s8 =	simm.s32 @!p0 $0x1BF5;
	p2 =	por !p2, p0  }
0x20: {  	[sflag:s8] =	ssyncset.s32 @!p0 $0xFFFFF086;
	s6 =	sadd.s32 @!p0 s3, s7;
	s7 =	simm.s32 @!p0 $0x108  }
0x21: {  	s3 =	sadd.s32 s3, s9;
	s6 =	sadd.s32 @!p0 $0x88, s6;
	s7 =	simm.s32 @p2 $0x1082  }
0x22: {  	[simem:s7], [sflag:s8] =	dma.local @!p0 [hbm:s6], $0xF7A  }
0x23: {  	s9 =	sor.u32 $0xD0000000, s2;
	s6 =	simm.s32 $0x108;
	_ =	swait.ge @!p0 [sflag:s8], $0x0  }
0x24: {  	s3 =	sadd.s32 $0x88, s3;
	s6 =	simm.s32 @!p1 $0x1082;
	[sflag:s4] =	ssyncset.s32 $0xFFFFF086  }
0x25: {  	[simem:s6], [sflag:s4] =	dma.local [hbm:s3], $0xF7A  }
0x26: {  	[smem:$0x3F91] =	sst s1;
	(tag) =	ssettag s2;
	_ =	strace s9  }
0x27: {  	s1 =	sld [smem:$0x3FA1]  }
0x28: {  	s2 =	sld [smem:$0x3FA2]  }
0x29: {  	s4 =	sld [smem:$0x3FA4]  }
0x2a: {  	p0 =	seq.s32 s5, $0x0;
	s5 =	sld [smem:$0x3FA5]  }
0x2b: {  	s6 =	sld [smem:$0x3FA6]  }
0x2c: {  	s7 =	sld [smem:$0x3FA7]  }
0x2d: {  	s3 =	simm.s32 $0x108;
	s8 =	sld [smem:$0x3FA8]  }
0x2e: {  	s3 =	simm.s32 @!p0 $0x1082;
	s9 =	sld [smem:$0x3FA9]  }
0x2f: {  	lr =	sadd.s32 s0, s3;
	s0 =	sld [smem:$0x3FA0]  }
0x30: {  	s3 =	sld [smem:$0x3FA3]  }
0x31: {  	[smem:$0x3FAC] =	sst s10  }
0x32: {  	s10 =	sld [smem:$0x3FAA];
	_ =	sdelay $0x3  }
0x33: {  	p0 =	seq.s32 s10, $0x1;
	s10 =	sld [smem:$0x3FAC];
	_ =	sdelay $0x3  }
0x34: {  	[smem:$0x3FAC] =	sst s10  }
0x35: {  	s10 =	sld [smem:$0x3FAB];
	_ =	sdelay $0x3  }
0x36: {  	p1 =	seq.s32 s10, $0x1;
	s10 =	sld [smem:$0x3FAC];
	_ =	sdelay $0x3  }
0x37: {  	[smem:$0x3FAC] =	sst s10  }
0x38: {  	s10 =	sld [smem:$0x3FAD]  }
0x39: {  	_ = 	snop;
	(pc) =	sbr.ind lr, $3  }
0x3a: {  	_ = 	snop  }
0x3b: {  	_ = 	snop  }
0x3c: {  	p2 =	seq.s32 s10, $0x1;
	s10 =	sld [smem:$0x3FAC]  }
0x3d: {  	_ =	shalt  }
0x3e: {  	_ =	shalt  }
0x3f: {  	_ =	shalt  }
0x40: {  	_ =	shalt  }
0x41: {  	_ =	shalt  }
0x42: {  	_ =	shalt  }
0x43: {  	_ =	shalt  }
0x44: {  	_ =	shalt  }
0x45: {  	_ =	shalt  }
0x46: {  	_ =	shalt  }
0x47: {  	_ =	shalt  }
0x48: {  	_ =	shalt  }
0x49: {  	_ =	shalt  }
0x4a: {  	_ =	shalt  }
0x4b: {  	_ =	shalt  }
0x4c: {  	_ =	shalt  }
0x4d: {  	_ =	shalt  }
0x4e: {  	_ =	shalt  }
0x4f: {  	_ =	shalt  }
0x50: {  	_ =	shalt  }
0x51: {  	_ =	shalt  }
0x52: {  	_ =	shalt  }
0x53: {  	_ =	shalt  }
0x54: {  	_ =	shalt  }
0x55: {  	_ =	shalt  }
0x56: {  	_ =	shalt  }
0x57: {  	_ =	shalt  }
0x58: {  	_ =	shalt  }
0x59: {  	_ =	shalt  }
0x5a: {  	_ =	shalt  }
0x5b: {  	_ =	shalt  }
0x5c: {  	_ =	shalt  }
0x5d: {  	_ =	shalt  }
0x5e: {  	_ =	shalt  }
0x5f: {  	_ =	shalt  }
0x60: {  	_ =	shalt  }
0x61: {  	_ =	shalt  }
0x62: {  	_ =	shalt  }
0x63: {  	_ =	shalt  }
0x64: {  	_ =	shalt  }
0x65: {  	_ =	shalt  }
0x66: {  	_ =	shalt  }
0x67: {  	_ =	shalt  }
0x68: {  	_ =	shalt  }
0x69: {  	_ =	shalt  }
0x6a: {  	_ =	shalt  }
0x6b: {  	_ =	shalt  }
0x6c: {  	_ =	shalt  }
0x6d: {  	_ =	shalt  }
0x6e: {  	_ =	shalt  }
0x6f: {  	_ =	shalt  }
0x70: {  	_ =	shalt  }
0x71: {  	_ =	shalt  }
0x72: {  	_ =	shalt  }
0x73: {  	_ =	shalt  }
0x74: {  	_ =	shalt  }
0x75: {  	_ =	shalt  }
0x76: {  	_ =	shalt  }
0x77: {  	_ =	shalt  }
0x78: {  	_ =	shalt  }
0x79: {  	_ =	shalt  }
0x7a: {  	_ =	shalt  }
0x7b: {  	_ =	shalt  }
0x7c: {  	_ =	shalt  }
0x7d: {  	_ =	shalt  }
0x7e: {  	_ =	shalt  }
0x7f: {  	_ =	shalt  }
0x80: {  	_ =	shalt  }
0x81: {  	_ =	shalt  }
0x82: {  	_ =	shalt  }
0x83: {  	_ =	shalt  }
0x84: {  	_ =	shalt  }
0x85: {  	_ =	shalt  }
0x86: {  	_ =	shalt  }
0x87: {  	_ =	shalt  }
.Lfunc_end0:
.L_simem_size_0:
called_computation.2_lowered:
.L_overlay_start_0:
0x88: {  	s2 =	sld [smem:$0x3FD9]  }
0x89: {  	s3 =	sld [smem:$0x3FFE];
	_ =	sdelay $0x1  }
0x8a: {  	s1 =	srdreg.scid  }
0x8b: {  	s0 =	sand.u32 $0x1, s1  }
0x8c: {  	s16 =	sshll.u32 s0, $0xA;
	s2 =	sadd.s32 s3, s2  }
0x8d: {  	s2 =	sadd.s32 s2, s16  }
0x8e: {  	[smem:$0x3FB8] =	sst s2  }
0x8f: {  	_ = 	snop  }
0x90: {  	(tm) =	ssettm $0x1  }
0x91: {  	s17 =	sld [smem:$0x3FFB];
	_ =	sdelay $0x3  }
0x92: {  	_ =	strace s17  }
0x93: {  	s2 =	sld [smem:$0x3FFC];
	_ =	sdelay $0x3  }
0x94: {  	_ =	strace s2  }
0x95: {  	s2 =	sld [smem:$0x3FFD];
	_ =	sdelay $0x3  }
0x96: {  	_ =	strace s2  }
0x97: {  	_ =	strace $0x8FFFFFFF  }
0x98: {  	s18 =	sld [smem:$0x3FDB];
	_ =	sdelay $0x1  }
0x99: {  	s19 =	simm.s32 $_scs_section_size  }
0x9a: {  	s4 =	simm.s32 $_size__tile_overlayer_lowered;
	s5 =	simm.s32 $_tile_overlayer_lowered  }
0x9b: {  	s22 =	simm.s32 $0x1BFF;
	s21 =	sshll.u32 s5, $0x1;
	s2 =	sadd.s32 s19, s18  }
0x9c: {  	s6 =	simm.s32 $0x0;
	s20 =	sshll.u32 s4, $0x1;
	s4 =	sadd.s32 s21, s2  }
0x9d: {  	[timem:s6], [sflag:s22] =	dma.local [hbm:s4], s20  }
0x9e: {  	_ =	swait.ge [sflag:s22], s20  }
0x9f: {  	s3 =	ssub.s32 $0x0, s20;
	[sflag:s22] =	ssyncset.done $0x0  }
0xa0: {  	[sflag:s22] =	ssyncadd.s32 s3;
	_ =	sdelay $0x1  }
0xa1: {  	s23 =	simm.s32 $0x1B8B  }
0xa2: {  	_ =	swait.ge [sflag:s23], $0x1  }
0xa3: {  	[sflag:s23] =	ssyncset.done $0x0  }
0xa4: {  	s25 =	simm.s32 $0x1B8E;
	s24 =	sld [smem:$0x3FFE];
	[sflag:s23] =	ssyncadd.s32 $0xFFFFFFFF  }
0xa5: {  	s26 =	simm.s32 $execute0_lowered;
	[smem:$0x3FD2] =	sst s25  }
0xa6: {  	s4 =	sshll.u32 s26, $0x1;
	_ =	strace $0x8000004C;
	[dreg:$0x1] =	wrdreg $0xFFFFFFFF  }
0xa7: {  	s28 =	simm.s32 $_size_execute0_lowered;
	s2 =	sadd.s32 s2, s4;
	[dreg:$0x0] =	wrdreg $0x0  }
0xa8: {  	s4 =	sshll.u32 s28, $0x1;
	[dreg:$0x2] =	wrdreg s2  }
0xa9: {  	[dreg:$0x3] =	wrdreg s4  }
0xaa: {  	[dreg:$0x4] =	wrdreg $0xC0  }
0xab: {  	_ =	task [dreg:s6], $0x5FFFF  }
0xac: {  	[dreg:$0x1] =	wrdreg $0xFFFFFFFF  }
0xad: {  	[dreg:$0x0] =	wrdreg $0x60  }
0xae: {  	[dreg:$0x2] =	wrdreg s24  }
0xaf: {  	[dreg:$0x3] =	wrdreg $0xA8000  }
0xb0: {  	[dreg:$0x4] =	wrdreg $0x9  }
0xb1: {  	_ =	task.clear_ibuf [dreg:s6], $0x5FFFF;
	_ =	strace $0x9000004C  }
0xb2: {  	s29 =	simm.s32 $0x9;
	_ =	strace $0x8000004E  }
0xb3: {  	_ =	swait.ge [sflag:s29], $0x1  }
0xb4: {  	[sflag:s29] =	ssyncadd.s32 $0xFFFFFFFF  }
0xb5: {  	_ =	strace $0x9000004E  }
0xb6: {  	_ =	sfence  }
0xb7: {  	s30 =	sld [smem:$0x0];
	_ =	sdelay $0x2  }
0xb8: {  	s31 =	sshll.u32 s1, $0xD;
	s1 =	sshrl.u32 s1, $0x2  }
0xb9: {  	s3 =	sand.u32 $0x4000, s31;
	s1 =	sadd.s32 s1, s30  }
0xba: {  	s0 =	sor.u32 s3, s0;
	s1 =	sshll.u32 s1, $0x11  }
0xbb: {  	s0 =	sor.u32 s1, s0  }
0xbc: {  	s0 =	sadd.s32 $0x8F2B, s0  }
0xbd: {  	[sflag:s0] =	ssyncadd.remote.s32 $0x1  }
0xbe: {  	_ =	sfence.sel $0xFFFF  }
0xbf: {  	[dreg:$0x0] =	wrdreg $0xFFFFFFFF;
	(pc) =	sbr.abs _section_cstart, $3  }
0xc0: {  	[dreg:$0x1] =	wrdreg $0xFFFFFFFF  }
0xc1: {  	_ =	task.clear_ibuf [dreg:s6], $0x2FFFF;
	_ =	strace $0x9FFFFFFF  }
0xc2: {  	(tm) =	ssettm $0x7FFFFFFF  }
0xc3: {  	_ =	shalt  }
tec
execute0_lowered:
.L_overlay_start_1:
0x0: {  	(tag) =	ssettag $0x1  }
0x1: {  	s13 =	rddreg [dreg:$0x0]  }
0x2: {  	s1 =	rddreg [dreg:$0x1]  }
0x3: {  	s0 =	rddreg [dreg:$0x2];
	s3 =	simm.s32 $0x0;
	s2 =	stileid.u32  }
0x4: {  	s5 =	srdreg.scid;
	s17 =	simm.s32 $0x69C00;
	s20 =	simm.s32 $0x1  }
0x5: {  	s21 =	simm.s32 $0x6800;
	s22 =	simm.s32 $0x1380;
	s23 =	simm.s32 $0x2700  }
0x6: {  	s24 =	simm.s32 $0x2780;
	[smem:$0x7FF] =	sst s3;
	s4 =	sadd.s32 $0x2C00, s13  }
0x7: {  	s12 =	sadd.s32 $0x2DC00, s13;
	s6 =	smul.u32 $0x50000, s2;
	s14 =	sadd.s32 $0x37C00, s13  }
0x8: {  	s11 =	sand.u32 $0x1, s5;
	s28 =	sshll.u32 s2, $0x1;
	s19 =	smul.u32 $0x2800, s2  }
0x9: {  	_ =	strace $0x8000004D;
	s7 =	ssub.s32 $0x2, s11;
	s8 =	sor.u32 s11, s28  }
0xa: {  	p0 =	seq.s32 s11, $0x1;
	s29 =	sshrl.u32 s6, $0x2;
	s30 =	sshrl.u32 s7, $0x1  }
0xb: {  	s10 =	smul.u32 $0x2800, s8;
	s17 =	simm.s32 @!p0 $0x41C00;
	s5 =	sadd.s32 s29, s1  }
0xc: {  	s15 =	ssub.s32 s7, s30;
	s31 =	sadd.s32 s17, s13;
	s17 =	simm.s32 $0x2  }
0xd: {  	s6 =	sadd.s32 $0x4000, s5;
	s7 =	sadd.s32 $0x8000, s5;
	s16 =	sshrl.u32 s10, $0x3  }
0xe: {  	s8 =	sadd.s32 $0xC000, s5;
	s9 =	sadd.s32 $0x10000, s5;
	s10 =	sadd.s32 s12, s16  }
0xf: {  	s18 =	sadd.s32 $0x280, s16;
	s11 =	sadd.s32 s14, s16;
	s16 =	simm.s32 $0x2800  }
0x10: {  	s12 =	sadd.s32 s12, s18;
	s13 =	sadd.s32 s14, s18;
	s14 =	smax.u32 s15, $0x1  }
0x11: {  	v0 =	vimm.f32 $0.0e+00;
	s15 =	sadd.s32 s31, s19;
	s18 =	simm.s32 $0x1400;
	s19 =	simm.s32 $0x80  }
.LBB2_1:
0x12: {  	s25 =	simm.s32 $0x0;
	s26 =	simm.s32 $0x200  }
.LBB2_2:
0x13: {  	p0 =	sne.s32 s26, $0xFE00;
	[tilespmem:s25+$0x2870] =	vst v0  }
0x14: {  	[tilespmem:s25+$0x2800] =	vst v0  }
0x15: {  	[tilespmem:s25+$0x2810] =	vst v0  }
.Ltmp0:
0x16: {  	[tilespmem:s25+$0x2820] =	vst v0;
	(pc) =	sbr.rel @p0 .LBB2_2-.Ltmp0, $4  }
0x17: {  	[tilespmem:s25+$0x2830] =	vst v0  }
0x18: {  	[tilespmem:s25+$0x2840] =	vst v0  }
0x19: {  	[tilespmem:s25+$0x2850] =	vst v0  }
0x1a: {  	[tilespmem:s25+$0x2860] =	vst v0;
	s25 =	sshra.s32 s26, $0x2;
	s26 =	sadd.s32 $0x200, s26  }
0x1b: {  	[tilespmem:s25+$0x2870] =	vst v0  }
0x1c: {  	[tilespmem:s25+$0x2800] =	vst v0  }
0x1d: {  	[tilespmem:s25+$0x2810] =	vst v0  }
0x1e: {  	[tilespmem:s25+$0x2820] =	vst v0  }
0x1f: {  	[tilespmem:s25+$0x2830] =	vst v0  }
0x20: {  	[tilespmem:s25+$0x2840] =	vst v0  }
0x21: {  	[tilespmem:s25+$0x2850] =	vst v0  }
0x22: {  	[tilespmem:s25+$0x2860] =	vst v0  }
0x23: {  	[spmem:s5] =	stream.linear.scatter [tilespmem:s16], [sflag:$0x2], $0x4000, $0x38;
	[tilespmem:$0x1E800] =	vst v63  }
0x24: {  	_ =	swait.ge [sflag:s17], $0x4000  }
0x25: {  	[sflag:s17] =	ssyncset.done $0x0  }
0x26: {  	[sflag:s17] =	ssyncadd.s32 $0xFFFFC000  }
0x27: {  	[spmem:s6] =	stream.linear.scatter [tilespmem:s16], [sflag:$0x2], $0x4000, $0x38;
	[tilespmem:$0x1E800] =	vst v63  }
0x28: {  	_ =	swait.ge [sflag:s17], $0x4000  }
0x29: {  	[sflag:s17] =	ssyncset.done $0x0  }
0x2a: {  	[sflag:s17] =	ssyncadd.s32 $0xFFFFC000  }
0x2b: {  	[spmem:s7] =	stream.linear.scatter [tilespmem:s16], [sflag:$0x2], $0x4000, $0x38;
	[tilespmem:$0x1E800] =	vst v63  }
0x2c: {  	_ =	swait.ge [sflag:s17], $0x4000  }
0x2d: {  	[sflag:s17] =	ssyncset.done $0x0  }
0x2e: {  	[sflag:s17] =	ssyncadd.s32 $0xFFFFC000  }
0x2f: {  	[spmem:s8] =	stream.linear.scatter [tilespmem:s16], [sflag:$0x2], $0x4000, $0x38;
	[tilespmem:$0x1E800] =	vst v63  }
0x30: {  	_ =	swait.ge [sflag:s17], $0x4000  }
0x31: {  	[sflag:s17] =	ssyncset.done $0x0  }
0x32: {  	[sflag:s17] =	ssyncadd.s32 $0xFFFFC000  }
0x33: {  	[spmem:s9] =	stream.linear.scatter [tilespmem:s16], [sflag:$0x2], $0x4000, $0x38;
	[tilespmem:$0x1E800] =	vst v63  }
0x34: {  	_ =	swait.ge [sflag:s17], $0x4000  }
0x35: {  	[sflag:s17] =	ssyncset.done $0x0  }
0x36: {  	[sflag:s17] =	ssyncadd.s32 $0xFFFFC000  }
0x37: {  	s26 =	simm.s32 $0x0;
	[bflag:$0x0] =	sbarrier.arrive $0xFFFF  }
0x38: {  	[tilespmem:s26], [sflag:$0x2] =	stream.linear.gather [hbm4b:s10+s26], $0x1400, $0x38;
	[tilespmem:$0x1E800] =	vst v63  }
0x39: {  	_ =	swait.ge [sflag:s17], $0x1400  }
0x3a: {  	[sflag:s17] =	ssyncset.done $0x0  }
0x3b: {  	[sflag:s17] =	ssyncadd.s32 $0xFFFFEC00  }
0x3c: {  	[tilespmem:s18], [sflag:$0x2] =	stream.linear.gather [hbm4b:s11+s26], $0x1400, $0x38;
	[tilespmem:$0x1E800] =	vst v63  }
0x3d: {  	_ =	swait.ge [sflag:s17], $0x1400  }
0x3e: {  	[sflag:s17] =	ssyncset.done $0x0  }
0x3f: {  	[sflag:s17] =	ssyncadd.s32 $0xFFFFEC00  }
0x40: {  	[tilespmem:s16], [sflag:$0x1] =	stream.indirect.gather [hbm4b:s4+s19], $0x80, s26, s19, $0xb8;
	[tilespmem:$0x1E800] =	vst v63  }
0x41: {  	_ =	swait.ge [sflag:s20], $0x4000  }
0x42: {  	[sflag:s20] =	ssyncset.done $0x0  }
0x43: {  	s28 =	simm.s32 $0x80;
	[sflag:s20] =	ssyncadd.s32 $0xFFFFC000  }
0x44: {  	[tilespmem:s21], [sflag:$0x1] =	stream.indirect.gather [hbm4b:s4+s19], $0x80, s28, s19, $0xb8;
	[tilespmem:$0x1E800] =	vst v63  }
0x45: {  	s29 =	simm.s32 $0x1400  }
0x46: {  	[spmem:s1] =	stream.indirect.scatter.add.f32 [tilespmem:s16], [sflag:$0x2], $0x80, s29, s19, $0xb8;
	[tilespmem:$0x1E800] =	vst v63  }
0x47: {  	_ =	swait.ge [sflag:s17], $0x4000  }
0x48: {  	[sflag:s17] =	ssyncset.done $0x0  }
0x49: {  	[sflag:s17] =	ssyncadd.s32 $0xFFFFC000  }
0x4a: {  	_ =	swait.ge [sflag:s20], $0x4000  }
0x4b: {  	[sflag:s20] =	ssyncset.done $0x0  }
0x4c: {  	s30 =	simm.s32 $0x100;
	[sflag:s20] =	ssyncadd.s32 $0xFFFFC000  }
0x4d: {  	[tilespmem:s16], [sflag:$0x1] =	stream.indirect.gather [hbm4b:s4+s19], $0x80, s30, s19, $0xb8;
	[tilespmem:$0x1E800] =	vst v63  }
0x4e: {  	s31 =	simm.s32 $0x1480  }
0x4f: {  	[spmem:s1] =	stream.indirect.scatter.add.f32 [tilespmem:s21], [sflag:$0x2], $0x80, s31, s19, $0xb8;
	[tilespmem:$0x1E800] =	vst v63  }
0x50: {  	_ =	swait.ge [sflag:s17], $0x4000  }
0x51: {  	s25 =	simm.s32 $0x400;
	[sflag:s17] =	ssyncset.done $0x0  }
.LBB2_4:
0x52: {  	p0 =	sne.s32 s25, $0x4800  }
0x53: {  	[sflag:s17] =	ssyncadd.s32 $0xFFFFC000;
	s26 =	smov.u32 s25;
	s25 =	sadd.s32 $0x400, s25  }
0x54: {  	_ = 	snop  }
0x55: {  	_ =	swait.ge [sflag:s20], $0x4000  }
0x56: {  	s26 =	sshra.s32 s26, $0x2;
	[sflag:s20] =	ssyncset.done $0x0  }
0x57: {  	s28 =	sadd.s32 $0x80, s26;
	[sflag:s20] =	ssyncadd.s32 $0xFFFFC000  }
0x58: {  	[tilespmem:s21], [sflag:$0x1] =	stream.indirect.gather [hbm4b:s4+s19], $0x80, s28, s19, $0xb8;
	[tilespmem:$0x1E800] =	vst v63  }
0x59: {  	s28 =	sadd.s32 $0x1400, s26  }
0x5a: {  	[spmem:s1] =	stream.indirect.scatter.add.f32 [tilespmem:s16], [sflag:$0x2], $0x80, s28, s19, $0xb8;
	[tilespmem:$0x1E800] =	vst v63  }
0x5b: {  	_ =	swait.ge [sflag:s17], $0x4000  }
0x5c: {  	[sflag:s17] =	ssyncset.done $0x0  }
0x5d: {  	[sflag:s17] =	ssyncadd.s32 $0xFFFFC000  }
0x5e: {  	_ =	swait.ge [sflag:s20], $0x4000  }
0x5f: {  	[sflag:s20] =	ssyncset.done $0x0  }
0x60: {  	s28 =	sadd.s32 $0x100, s26;
	[sflag:s20] =	ssyncadd.s32 $0xFFFFC000  }
0x61: {  	[tilespmem:s16], [sflag:$0x1] =	stream.indirect.gather [hbm4b:s4+s19], $0x80, s28, s19, $0xb8;
	[tilespmem:$0x1E800] =	vst v63  }
.Ltmp1:
0x62: {  	_ = 	snop;
	(pc) =	sbr.rel @p0 .LBB2_4-.Ltmp1, $4  }
0x63: {  	s26 =	sadd.s32 $0x1480, s26  }
0x64: {  	[spmem:s1] =	stream.indirect.scatter.add.f32 [tilespmem:s21], [sflag:$0x2], $0x80, s26, s19, $0xb8;
	[tilespmem:$0x1E800] =	vst v63  }
0x65: {  	_ =	swait.ge [sflag:s17], $0x4000  }
0x66: {  	[sflag:s17] =	ssyncset.done $0x0  }
0x67: {  	[sflag:s17] =	ssyncadd.s32 $0xFFFFC000  }
0x68: {  	_ =	swait.ge [sflag:s20], $0x4000  }
0x69: {  	[sflag:s20] =	ssyncset.done $0x0  }
0x6a: {  	[sflag:s20] =	ssyncadd.s32 $0xFFFFC000  }
0x6b: {  	[tilespmem:s21], [sflag:$0x1] =	stream.indirect.gather [hbm4b:s4+s19], $0x80, s22, s19, $0xb8;
	[tilespmem:$0x1E800] =	vst v63  }
0x6c: {  	_ = 	snop  }
0x6d: {  	[spmem:s1] =	stream.indirect.scatter.add.f32 [tilespmem:s16], [sflag:$0x2], $0x80, s23, s19, $0xb8;
	[tilespmem:$0x1E800] =	vst v63  }
0x6e: {  	_ =	swait.ge [sflag:s17], $0x4000  }
0x6f: {  	[sflag:s17] =	ssyncset.done $0x0  }
0x70: {  	[sflag:s17] =	ssyncadd.s32 $0xFFFFC000  }
0x71: {  	_ =	swait.ge [sflag:s20], $0x4000  }
0x72: {  	[sflag:s20] =	ssyncset.done $0x0  }
0x73: {  	[sflag:s20] =	ssyncadd.s32 $0xFFFFC000  }
0x74: {  	[spmem:s1] =	stream.indirect.scatter.add.f32 [tilespmem:s21], [sflag:$0x2], $0x80, s24, s19, $0xb8;
	[tilespmem:$0x1E800] =	vst v63  }
0x75: {  	_ =	swait.ge [sflag:s17], $0x4000  }
0x76: {  	[sflag:s17] =	ssyncset.done $0x0  }
0x77: {  	s25 =	simm.s32 $0x0;
	[sflag:s17] =	ssyncadd.s32 $0xFFFFC000  }
0x78: {  	[tilespmem:s25], [sflag:$0x2] =	stream.linear.gather [hbm4b:s12+s25], $0x1400, $0x38;
	[tilespmem:$0x1E800] =	vst v63  }
0x79: {  	_ =	swait.ge [sflag:s17], $0x1400  }
0x7a: {  	[sflag:s17] =	ssyncset.done $0x0  }
0x7b: {  	[sflag:s17] =	ssyncadd.s32 $0xFFFFEC00  }
0x7c: {  	[tilespmem:s18], [sflag:$0x2] =	stream.linear.gather [hbm4b:s13+s25], $0x1400, $0x38;
	[tilespmem:$0x1E800] =	vst v63  }
0x7d: {  	_ =	swait.ge [sflag:s17], $0x1400  }
0x7e: {  	[sflag:s17] =	ssyncset.done $0x0  }
0x7f: {  	[sflag:s17] =	ssyncadd.s32 $0xFFFFEC00  }
0x80: {  	[tilespmem:s16], [sflag:$0x1] =	stream.indirect.gather [hbm4b:s4+s19], $0x80, s25, s19, $0xb8;
	[tilespmem:$0x1E800] =	vst v63  }
0x81: {  	_ =	swait.ge [sflag:s20], $0x4000  }
0x82: {  	[sflag:s20] =	ssyncset.done $0x0  }
0x83: {  	s28 =	simm.s32 $0x80;
	[sflag:s20] =	ssyncadd.s32 $0xFFFFC000  }
0x84: {  	[tilespmem:s21], [sflag:$0x1] =	stream.indirect.gather [hbm4b:s4+s19], $0x80, s28, s19, $0xb8;
	[tilespmem:$0x1E800] =	vst v63  }
0x85: {  	s29 =	simm.s32 $0x1400  }
0x86: {  	[spmem:s1] =	stream.indirect.scatter.add.f32 [tilespmem:s16], [sflag:$0x2], $0x80, s29, s19, $0xb8;
	[tilespmem:$0x1E800] =	vst v63  }
0x87: {  	_ =	swait.ge [sflag:s17], $0x4000  }
0x88: {  	[sflag:s17] =	ssyncset.done $0x0  }
0x89: {  	[sflag:s17] =	ssyncadd.s32 $0xFFFFC000  }
0x8a: {  	_ =	swait.ge [sflag:s20], $0x4000  }
0x8b: {  	[sflag:s20] =	ssyncset.done $0x0  }
0x8c: {  	s30 =	simm.s32 $0x100;
	[sflag:s20] =	ssyncadd.s32 $0xFFFFC000  }
0x8d: {  	[tilespmem:s16], [sflag:$0x1] =	stream.indirect.gather [hbm4b:s4+s19], $0x80, s30, s19, $0xb8;
	[tilespmem:$0x1E800] =	vst v63  }
0x8e: {  	s31 =	simm.s32 $0x1480  }
0x8f: {  	[spmem:s1] =	stream.indirect.scatter.add.f32 [tilespmem:s21], [sflag:$0x2], $0x80, s31, s19, $0xb8;
	[tilespmem:$0x1E800] =	vst v63  }
0x90: {  	_ =	swait.ge [sflag:s17], $0x4000  }
0x91: {  	s25 =	simm.s32 $0x400;
	[sflag:s17] =	ssyncset.done $0x0  }
.LBB2_6:
0x92: {  	p0 =	sne.s32 s25, $0x4800  }
0x93: {  	[sflag:s17] =	ssyncadd.s32 $0xFFFFC000;
	s26 =	smov.u32 s25;
	s25 =	sadd.s32 $0x400, s25  }
0x94: {  	_ = 	snop  }
0x95: {  	_ =	swait.ge [sflag:s20], $0x4000  }
0x96: {  	s26 =	sshra.s32 s26, $0x2;
	[sflag:s20] =	ssyncset.done $0x0  }
0x97: {  	s28 =	sadd.s32 $0x80, s26;
	[sflag:s20] =	ssyncadd.s32 $0xFFFFC000  }
0x98: {  	[tilespmem:s21], [sflag:$0x1] =	stream.indirect.gather [hbm4b:s4+s19], $0x80, s28, s19, $0xb8;
	[tilespmem:$0x1E800] =	vst v63  }
0x99: {  	s28 =	sadd.s32 $0x1400, s26  }
0x9a: {  	[spmem:s1] =	stream.indirect.scatter.add.f32 [tilespmem:s16], [sflag:$0x2], $0x80, s28, s19, $0xb8;
	[tilespmem:$0x1E800] =	vst v63  }
0x9b: {  	_ =	swait.ge [sflag:s17], $0x4000  }
0x9c: {  	[sflag:s17] =	ssyncset.done $0x0  }
0x9d: {  	[sflag:s17] =	ssyncadd.s32 $0xFFFFC000  }
0x9e: {  	_ =	swait.ge [sflag:s20], $0x4000  }
0x9f: {  	[sflag:s20] =	ssyncset.done $0x0  }
0xa0: {  	s28 =	sadd.s32 $0x100, s26;
	[sflag:s20] =	ssyncadd.s32 $0xFFFFC000  }
0xa1: {  	[tilespmem:s16], [sflag:$0x1] =	stream.indirect.gather [hbm4b:s4+s19], $0x80, s28, s19, $0xb8;
	[tilespmem:$0x1E800] =	vst v63  }
.Ltmp2:
0xa2: {  	_ = 	snop;
	(pc) =	sbr.rel @p0 .LBB2_6-.Ltmp2, $4  }
0xa3: {  	s26 =	sadd.s32 $0x1480, s26  }
0xa4: {  	[spmem:s1] =	stream.indirect.scatter.add.f32 [tilespmem:s21], [sflag:$0x2], $0x80, s26, s19, $0xb8;
	[tilespmem:$0x1E800] =	vst v63  }
0xa5: {  	_ =	swait.ge [sflag:s17], $0x4000  }
0xa6: {  	[sflag:s17] =	ssyncset.done $0x0  }
0xa7: {  	[sflag:s17] =	ssyncadd.s32 $0xFFFFC000  }
0xa8: {  	_ =	swait.ge [sflag:s20], $0x4000  }
0xa9: {  	[sflag:s20] =	ssyncset.done $0x0  }
0xaa: {  	[sflag:s20] =	ssyncadd.s32 $0xFFFFC000  }
0xab: {  	[tilespmem:s21], [sflag:$0x1] =	stream.indirect.gather [hbm4b:s4+s19], $0x80, s22, s19, $0xb8;
	[tilespmem:$0x1E800] =	vst v63  }
0xac: {  	_ = 	snop  }
0xad: {  	[spmem:s1] =	stream.indirect.scatter.add.f32 [tilespmem:s16], [sflag:$0x2], $0x80, s23, s19, $0xb8;
	[tilespmem:$0x1E800] =	vst v63  }
0xae: {  	_ =	swait.ge [sflag:s17], $0x4000  }
0xaf: {  	[sflag:s17] =	ssyncset.done $0x0  }
0xb0: {  	[sflag:s17] =	ssyncadd.s32 $0xFFFFC000  }
0xb1: {  	_ =	swait.ge [sflag:s20], $0x4000  }
0xb2: {  	[sflag:s20] =	ssyncset.done $0x0  }
0xb3: {  	[sflag:s20] =	ssyncadd.s32 $0xFFFFC000  }
0xb4: {  	[spmem:s1] =	stream.indirect.scatter.add.f32 [tilespmem:s21], [sflag:$0x2], $0x80, s24, s19, $0xb8;
	[tilespmem:$0x1E800] =	vst v63  }
0xb5: {  	_ =	swait.ge [sflag:s17], $0x4000  }
0xb6: {  	s25 =	sshll.u32 s2, $0x6;
	s3 =	sadd.s32 $0x1, s3;
	[sflag:s17] =	ssyncset.done $0x0  }
0xb7: {  	s26 =	sshrl.u32 s5, $0x3;
	p0 =	sne.s32 s3, s14;
	[sflag:s17] =	ssyncadd.s32 $0xFFFFC000  }
.Ltmp3:
0xb8: {  	s25 =	sor.u32 $0x1C02, s25;
	[bflag:$0x0] =	sbarrier.arrive $0xFFFF;
	(pc) =	sbr.rel @p0 .LBB2_1-.Ltmp3, $4  }
0xb9: {  	[hbm:s15], [sflag:s25] =	dma.local [spmem:s26], $0x2800  }
0xba: {  	_ =	swait.ge [sflag:s17], $0x2800  }
0xbb: {  	[sflag:s17] =	ssyncset.done $0x0  }
0xbc: {  	[sflag:s17] =	ssyncadd.s32 $0xFFFFD800  }
0xbd: {  	_ =	sfence.sel $0x180000  }
0xbe: {  	[bflag:$0x0] =	sbarrier.arrive $0xFFFF  }
0xbf: {  	p0 =	sne.s32 s2, $0x0;
	_ =	strace $0x9000004D  }
0xc0: {  	s0 =	sadd.s32 @!p0 $0x100000, s0;
	[bflag:$0x2] =	sbarrier.arrive $0xFFFF  }
0xc1: {  	[sflag:s0] =	ssyncadd.tile.s32 @!p0 $0x1;
	_ =	shalt  }
.Lfunc_end2:
_tile_overlayer_lowered:
.L_overlay_start_2:
0xc2: {  	(tag) =	ssettag $0x2  }
0xc3: {  	s0 =	rddreg [dreg:$0x0];
	s2 =	stileid.u32  }
0xc4: {  	s1 =	rddreg [dreg:$0x1];
	p0 =	sne.s32 s2, $0x0  }
0xc5: {  	s3 =	rddreg [dreg:$0x2];
	[bflag:$0x3] =	sbarrier.arrive $0xFFFF;
	s2 =	simm.s32 @!p0 $0x1C02  }
0xc6: {  	[timem:s3], [sflag:s2] =	dma.local @!p0 [hbm:s0], s1  }
0xc7: {  	s0 =	simm.s32 @!p0 $0x2  }
0xc8: {  	_ =	swait.ge @!p0 [sflag:s0], s1  }
0xc9: {  	s1 =	ssub.s32 @!p0 $0x0, s1;
	[sflag:s0] =	ssyncset.done @!p0 $0x0  }
0xca: {  	[sflag:s0] =	ssyncadd.s32 @!p0 s1  }
0xcb: {  	[bflag:$0x3] =	sbarrier.arrive $0xFFFF  }
0xcc: {  	_ =	shalt  }

// kernel: kernel.8.cloned.1.call-start
scs
__scs_entry_jumppad:
0x0: {  	(pc) =	sbr.rel $0x88, $3  }
0x1: {  	(tag) =	ssettag $0x0;
	lr =	simm.s32 $0x1  }
0x2: {  	[smem:$0x3F91] =	sst lr;
	_ =	strace $0xD0000000  }
0x3: {  	_ = 	snop  }
0x4: {  	_ = 	snop  }
0x5: {  	_ = 	snop  }
0x6: {  	_ = 	snop  }
0x7: {  	_ = 	snop  }
__scs_overlays_trampoline_lowered:
0x8: {  	[smem:$0x3FA0] =	sst s0  }
0x9: {  	[smem:$0x3FA1] =	sst s1  }
0xa: {  	[smem:$0x3FA2] =	sst s2  }
0xb: {  	[smem:$0x3FA3] =	sst s3  }
0xc: {  	[smem:$0x3FA4] =	sst s4  }
0xd: {  	[smem:$0x3FA5] =	sst s5  }
0xe: {  	[smem:$0x3FA6] =	sst s6  }
0xf: {  	[smem:$0x3FA7] =	sst s7  }
0x10: {  	[smem:$0x3FA8] =	sst s8  }
0x11: {  	[smem:$0x3FA9] =	sst s9;
	s0 =	simm.s32 @!p0 $0x0  }
0x12: {  	s1 =	sld [smem:$0x3F8F];
	s0 =	simm.s32 @p0 $0x1  }
0x13: {  	[smem:$0x3FAA] =	sst s0;
	s0 =	simm.s32 @!p1 $0x0  }
0x14: {  	s2 =	sld [smem:$0x3F8E];
	s0 =	simm.s32 @p1 $0x1  }
0x15: {  	[smem:$0x3FAB] =	sst s0;
	s0 =	simm.s32 @!p2 $0x0  }
0x16: {  	s3 =	sld [smem:$0x3FDB];
	s0 =	simm.s32 @p2 $0x1  }
0x17: {  	s4 =	simm.s32 $0x1BF5;
	[smem:$0x3FAD] =	sst s0  }
0x18: {  	s0 =	sld [smem:$0x3F90];
	_ =	swait.ge [sflag:s4], $0x0  }
0x19: {  	s7 =	sld [smem:$0x3F91]  }
0x1a: {  	s8 =	sadd.s32 $0xFFFFE003, lr  }
0x1b: {  	s9 =	sadd.s32 $0xFFFFFEF7, lr;
	s5 =	simm.s32 $0xFFFFFFFF;
	p2 =	slt.u32 s8, $0xFFFFF086  }
0x1c: {  	p1 =	slt.u32 s9, $0xF7A;
	s5 =	simm.s32 @!p2 $0x0  }
0x1d: {  	s5 =	simm.s32 @p1 $0x1;
	p0 =	seq.s32 s7, s2  }
0x1e: {  	s7 =	smul.u32 @!p0 $0xF7A, s2;
	p2 =	seq.s32 @!p0 s5, $0x0  }
0x1f: {  	s9 =	smul.u32 $0xF7A, s1;
	s8 =	simm.s32 @!p0 $0x1BF5;
	p2 =	por !p2, p0  }
0x20: {  	[sflag:s8] =	ssyncset.s32 @!p0 $0xFFFFF086;
	s6 =	sadd.s32 @!p0 s3, s7;
	s7 =	simm.s32 @!p0 $0x108  }
0x21: {  	s3 =	sadd.s32 s3, s9;
	s6 =	sadd.s32 @!p0 $0x88, s6;
	s7 =	simm.s32 @p2 $0x1082  }
0x22: {  	[simem:s7], [sflag:s8] =	dma.local @!p0 [hbm:s6], $0xF7A  }
0x23: {  	s9 =	sor.u32 $0xD0000000, s2;
	s6 =	simm.s32 $0x108;
	_ =	swait.ge @!p0 [sflag:s8], $0x0  }
0x24: {  	s3 =	sadd.s32 $0x88, s3;
	s6 =	simm.s32 @!p1 $0x1082;
	[sflag:s4] =	ssyncset.s32 $0xFFFFF086  }
0x25: {  	[simem:s6], [sflag:s4] =	dma.local [hbm:s3], $0xF7A  }
0x26: {  	[smem:$0x3F91] =	sst s1;
	(tag) =	ssettag s2;
	_ =	strace s9  }
0x27: {  	s1 =	sld [smem:$0x3FA1]  }
0x28: {  	s2 =	sld [smem:$0x3FA2]  }
0x29: {  	s4 =	sld [smem:$0x3FA4]  }
0x2a: {  	p0 =	seq.s32 s5, $0x0;
	s5 =	sld [smem:$0x3FA5]  }
0x2b: {  	s6 =	sld [smem:$0x3FA6]  }
0x2c: {  	s7 =	sld [smem:$0x3FA7]  }
0x2d: {  	s3 =	simm.s32 $0x108;
	s8 =	sld [smem:$0x3FA8]  }
0x2e: {  	s3 =	simm.s32 @!p0 $0x1082;
	s9 =	sld [smem:$0x3FA9]  }
0x2f: {  	lr =	sadd.s32 s0, s3;
	s0 =	sld [smem:$0x3FA0]  }
0x30: {  	s3 =	sld [smem:$0x3FA3]  }
0x31: {  	[smem:$0x3FAC] =	sst s10  }
0x32: {  	s10 =	sld [smem:$0x3FAA];
	_ =	sdelay $0x3  }
0x33: {  	p0 =	seq.s32 s10, $0x1;
	s10 =	sld [smem:$0x3FAC];
	_ =	sdelay $0x3  }
0x34: {  	[smem:$0x3FAC] =	sst s10  }
0x35: {  	s10 =	sld [smem:$0x3FAB];
	_ =	sdelay $0x3  }
0x36: {  	p1 =	seq.s32 s10, $0x1;
	s10 =	sld [smem:$0x3FAC];
	_ =	sdelay $0x3  }
0x37: {  	[smem:$0x3FAC] =	sst s10  }
0x38: {  	s10 =	sld [smem:$0x3FAD]  }
0x39: {  	_ = 	snop;
	(pc) =	sbr.ind lr, $3  }
0x3a: {  	_ = 	snop  }
0x3b: {  	_ = 	snop  }
0x3c: {  	p2 =	seq.s32 s10, $0x1;
	s10 =	sld [smem:$0x3FAC]  }
0x3d: {  	_ =	shalt  }
0x3e: {  	_ =	shalt  }
0x3f: {  	_ =	shalt  }
0x40: {  	_ =	shalt  }
0x41: {  	_ =	shalt  }
0x42: {  	_ =	shalt  }
0x43: {  	_ =	shalt  }
0x44: {  	_ =	shalt  }
0x45: {  	_ =	shalt  }
0x46: {  	_ =	shalt  }
0x47: {  	_ =	shalt  }
0x48: {  	_ =	shalt  }
0x49: {  	_ =	shalt  }
0x4a: {  	_ =	shalt  }
0x4b: {  	_ =	shalt  }
0x4c: {  	_ =	shalt  }
0x4d: {  	_ =	shalt  }
0x4e: {  	_ =	shalt  }
0x4f: {  	_ =	shalt  }
0x50: {  	_ =	shalt  }
0x51: {  	_ =	shalt  }
0x52: {  	_ =	shalt  }
0x53: {  	_ =	shalt  }
0x54: {  	_ =	shalt  }
0x55: {  	_ =	shalt  }
0x56: {  	_ =	shalt  }
0x57: {  	_ =	shalt  }
0x58: {  	_ =	shalt  }
0x59: {  	_ =	shalt  }
0x5a: {  	_ =	shalt  }
0x5b: {  	_ =	shalt  }
0x5c: {  	_ =	shalt  }
0x5d: {  	_ =	shalt  }
0x5e: {  	_ =	shalt  }
0x5f: {  	_ =	shalt  }
0x60: {  	_ =	shalt  }
0x61: {  	_ =	shalt  }
0x62: {  	_ =	shalt  }
0x63: {  	_ =	shalt  }
0x64: {  	_ =	shalt  }
0x65: {  	_ =	shalt  }
0x66: {  	_ =	shalt  }
0x67: {  	_ =	shalt  }
0x68: {  	_ =	shalt  }
0x69: {  	_ =	shalt  }
0x6a: {  	_ =	shalt  }
0x6b: {  	_ =	shalt  }
0x6c: {  	_ =	shalt  }
0x6d: {  	_ =	shalt  }
0x6e: {  	_ =	shalt  }
0x6f: {  	_ =	shalt  }
0x70: {  	_ =	shalt  }
0x71: {  	_ =	shalt  }
0x72: {  	_ =	shalt  }
0x73: {  	_ =	shalt  }
0x74: {  	_ =	shalt  }
0x75: {  	_ =	shalt  }
0x76: {  	_ =	shalt  }
0x77: {  	_ =	shalt  }
0x78: {  	_ =	shalt  }
0x79: {  	_ =	shalt  }
0x7a: {  	_ =	shalt  }
0x7b: {  	_ =	shalt  }
0x7c: {  	_ =	shalt  }
0x7d: {  	_ =	shalt  }
0x7e: {  	_ =	shalt  }
0x7f: {  	_ =	shalt  }
0x80: {  	_ =	shalt  }
0x81: {  	_ =	shalt  }
0x82: {  	_ =	shalt  }
0x83: {  	_ =	shalt  }
0x84: {  	_ =	shalt  }
0x85: {  	_ =	shalt  }
0x86: {  	_ =	shalt  }
0x87: {  	_ =	shalt  }
.Lfunc_end0:
.L_simem_size_0:
called_computation_lowered:
.L_overlay_start_0:
0x88: {  	s2 =	sld [smem:$0x3FD9]  }
0x89: {  	s3 =	sld [smem:$0x3FFE];
	_ =	sdelay $0x1  }
0x8a: {  	s1 =	srdreg.scid  }
0x8b: {  	s0 =	sand.u32 $0x1, s1  }
0x8c: {  	s17 =	sshll.u32 s0, $0xA;
	s2 =	sadd.s32 s3, s2  }
0x8d: {  	s2 =	sadd.s32 s2, s17  }
0x8e: {  	[smem:$0x3FB8] =	sst s2  }
0x8f: {  	_ = 	snop  }
0x90: {  	s2 =	sld [smem:$0x3FC4]  }
0x91: {  	s18 =	sld [smem:$0x3FC3]  }
0x92: {  	s4 =	sld [smem:$0x3FC2];
	(tm) =	ssettm $0x1  }
0x93: {  	s5 =	sld [smem:$0x3FFB];
	_ =	sdelay $0x3  }
0x94: {  	_ =	strace s5  }
0x95: {  	s5 =	sld [smem:$0x3FFC];
	_ =	sdelay $0x3  }
0x96: {  	_ =	strace s5  }
0x97: {  	s5 =	sld [smem:$0x3FFD];
	_ =	sdelay $0x3  }
0x98: {  	_ =	strace s5  }
0x99: {  	_ =	strace $0x8FFFFFFF  }
0x9a: {  	s19 =	sld [smem:$0x3FDB];
	_ =	sdelay $0x1  }
0x9b: {  	s6 =	simm.s32 $_scs_section_size  }
0x9c: {  	s7 =	simm.s32 $_size__tile_overlayer_lowered;
	s8 =	simm.s32 $_tile_overlayer_lowered  }
0x9d: {  	s22 =	simm.s32 $0x1BFF;
	s21 =	sshll.u32 s8, $0x1;
	s5 =	sadd.s32 s6, s19  }
0x9e: {  	s9 =	simm.s32 $0x0;
	s20 =	sshll.u32 s7, $0x1;
	s7 =	sadd.s32 s21, s5  }
0x9f: {  	[timem:s9], [sflag:s22] =	dma.local [hbm:s7], s20  }
0xa0: {  	_ =	swait.ge [sflag:s22], s20  }
0xa1: {  	s6 =	ssub.s32 $0x0, s20;
	[sflag:s22] =	ssyncset.done $0x0  }
0xa2: {  	[sflag:s22] =	ssyncadd.s32 s6;
	_ =	sdelay $0x1  }
0xa3: {  	s23 =	simm.s32 $0x1B8B  }
0xa4: {  	_ =	swait.ge [sflag:s23], $0x1  }
0xa5: {  	[sflag:s23] =	ssyncset.done $0x0  }
0xa6: {  	s25 =	simm.s32 $0x1B8E;
	s24 =	sld [smem:$0x3FFE];
	[sflag:s23] =	ssyncadd.s32 $0xFFFFFFFF  }
0xa7: {  	s26 =	simm.s32 $execute0_lowered;
	[smem:$0x3FD2] =	sst s25  }
0xa8: {  	s7 =	sshll.u32 s26, $0x1;
	_ =	strace $0x80000046;
	[dreg:$0x1] =	wrdreg $0xFFFFFFFF  }
0xa9: {  	s28 =	simm.s32 $_size_execute0_lowered;
	s5 =	sadd.s32 s5, s7;
	[dreg:$0x0] =	wrdreg $0x0  }
0xaa: {  	s7 =	sshll.u32 s28, $0x1;
	[dreg:$0x2] =	wrdreg s5  }
0xab: {  	[dreg:$0x3] =	wrdreg s7  }
0xac: {  	[dreg:$0x4] =	wrdreg $0xC0  }
0xad: {  	_ =	task [dreg:s9], $0x5FFFF  }
0xae: {  	[dreg:$0x1] =	wrdreg $0xFFFFFFFF  }
0xaf: {  	[dreg:$0x0] =	wrdreg $0x60  }
0xb0: {  	[dreg:$0x2] =	wrdreg s24  }
0xb1: {  	[dreg:$0x3] =	wrdreg s2  }
0xb2: {  	[dreg:$0x4] =	wrdreg s18  }
0xb3: {  	[dreg:$0x5] =	wrdreg s4  }
0xb4: {  	[dreg:$0x6] =	wrdreg $0x9  }
0xb5: {  	_ =	task.clear_ibuf [dreg:s9], $0x7FFFF;
	_ =	strace $0x90000046  }
0xb6: {  	s29 =	simm.s32 $0x9;
	_ =	strace $0x80000048  }
0xb7: {  	_ =	swait.ge [sflag:s29], $0x1  }
0xb8: {  	[sflag:s29] =	ssyncadd.s32 $0xFFFFFFFF  }
0xb9: {  	_ =	strace $0x90000048  }
0xba: {  	_ =	sfence  }
0xbb: {  	s30 =	sld [smem:$0x0];
	_ =	sdelay $0x2  }
0xbc: {  	s31 =	sshll.u32 s1, $0xD;
	s1 =	sshrl.u32 s1, $0x2  }
0xbd: {  	s3 =	sand.u32 $0x4000, s31;
	s1 =	sadd.s32 s1, s30  }
0xbe: {  	s0 =	sor.u32 s3, s0;
	s1 =	sshll.u32 s1, $0x11  }
0xbf: {  	s0 =	sor.u32 s1, s0  }
0xc0: {  	s0 =	sadd.s32 $0x8F2B, s0  }
0xc1: {  	[sflag:s0] =	ssyncadd.remote.s32 $0x1  }
0xc2: {  	_ =	sfence.sel $0xFFFF  }
0xc3: {  	[dreg:$0x0] =	wrdreg $0xFFFFFFFF;
	(pc) =	sbr.abs _section_cstart, $3  }
0xc4: {  	[dreg:$0x1] =	wrdreg $0xFFFFFFFF  }
0xc5: {  	_ =	task.clear_ibuf [dreg:s9], $0x2FFFF;
	_ =	strace $0x9FFFFFFF  }
0xc6: {  	(tm) =	ssettm $0x7FFFFFFF  }
0xc7: {  	_ =	shalt  }
tec
execute0_lowered:
.L_overlay_start_1:
0x0: {  	(tag) =	ssettag $0x1  }
0x1: {  	s6 =	rddreg [dreg:$0x0]  }
0x2: {  	s1 =	rddreg [dreg:$0x1]  }
0x3: {  	s3 =	rddreg [dreg:$0x2]  }
0x4: {  	s4 =	rddreg [dreg:$0x3]  }
0x5: {  	s0 =	rddreg [dreg:$0x4];
	s7 =	srdreg.scid  }
0x6: {  	s2 =	stileid.u32;
	s5 =	simm.s32 $0x0;
	s12 =	simm.s32 $0x2  }
0x7: {  	s13 =	simm.s32 $0x400;
	s14 =	simm.s32 $0x800;
	s15 =	simm.s32 $0x40  }
0x8: {  	s16 =	simm.s32 $0xC00;
	s17 =	simm.s32 $0x2C00;
	s18 =	simm.s32 $0x4C00  }
0x9: {  	s19 =	simm.s32 $0x1;
	s7 =	sand.u32 $0x1, s7;
	s8 =	sshll.u32 s2, $0x1  }
0xa: {  	s20 =	simm.s32 $0x0;
	[smem:$0x7FF] =	sst s5;
	s10 =	sor.u32 s7, s8  }
0xb: {  	_ =	strace $0x80000047;
	s7 =	ssub.s32 $0x2, s7;
	s8 =	sshll.u32 s10, $0x7  }
0xc: {  	s31 =	sshrl.u32 s7, $0x1;
	s10 =	smul.u32 $0xA000, s10;
	s9 =	sadd.s32 s8, s6  }
0xd: {  	s6 =	sadd.s32 $0x5C00, s6;
	s11 =	ssub.s32 s7, s31;
	s7 =	sadd.s32 $0x3C00, s9  }
0xe: {  	s8 =	sadd.s32 $0x4C00, s9;
	s9 =	sadd.s32 $0x2C00, s9;
	s11 =	smax.u32 s11, $0x1  }
.LBB2_1:
0xf: {  	[tilespmem:s5], [sflag:$0x2] =	stream.linear.gather [hbm4b:s7+s5], $0x280, $0x38;
	[tilespmem:$0x6C00] =	vst v63  }
0x10: {  	_ =	swait.ge [sflag:s12], $0x280  }
0x11: {  	[sflag:s12] =	ssyncset.done $0x0  }
0x12: {  	[sflag:s12] =	ssyncadd.s32 $0xFFFFFD80  }
0x13: {  	[tilespmem:s13], [sflag:$0x2] =	stream.linear.gather [hbm4b:s8+s5], $0x280, $0x38;
	[tilespmem:$0x6C00] =	vst v63  }
0x14: {  	_ =	swait.ge [sflag:s12], $0x280  }
0x15: {  	[sflag:s12] =	ssyncset.done $0x0  }
0x16: {  	[sflag:s12] =	ssyncadd.s32 $0xFFFFFD80  }
0x17: {  	[tilespmem:s14], [sflag:$0x2] =	stream.linear.gather [hbm4b:s9+s5], $0x280, $0x38;
	[tilespmem:$0x6C00] =	vst v63  }
0x18: {  	_ =	swait.ge [sflag:s12], $0x280  }
0x19: {  	[sflag:s12] =	ssyncset.done $0x0  }
0x1a: {  	s21 =	simm.s32 $0x0;
	[sflag:s12] =	ssyncadd.s32 $0xFFFFFD80  }
.LBB2_2:
0x1b: {  	s22 =	sshll.u32 s21, $0x7  }
0x1c: {  	[tilespmem:s16], [sflag:$0x1] =	stream.indirect.gather [hbm4b:s1+s15], $0x80, s22, s15, $0xb8;
	[tilespmem:$0x6C00] =	vst v63  }
0x1d: {  	s23 =	sadd.s32 $0x400, s22  }
0x1e: {  	[tilespmem:s17], [sflag:$0x1] =	stream.indirect.gather [hbm4b:s3+s15], $0x80, s23, s15, $0xb8;
	[tilespmem:$0x6C00] =	vst v63  }
0x1f: {  	s22 =	sadd.s32 $0x800, s22  }
0x20: {  	[tilespmem:s18], [sflag:$0x1] =	stream.indirect.gather [hbm4b:s4+s15], $0x80, s22, s15, $0xb8;
	[tilespmem:$0x6C00] =	vst v63  }
0x21: {  	_ =	swait.ge [sflag:s19], $0x2000  }
0x22: {  	[sflag:s19] =	ssyncset.done $0x0  }
0x23: {  	[sflag:s19] =	ssyncadd.s32 $0xFFFFE000  }
0x24: {  	_ =	swait.ge [sflag:s19], $0x2000  }
0x25: {  	[sflag:s19] =	ssyncset.done $0x0  }
0x26: {  	[sflag:s19] =	ssyncadd.s32 $0xFFFFE000  }
0x27: {  	_ =	swait.ge [sflag:s19], $0x2000  }
0x28: {  	[sflag:s19] =	ssyncset.done $0x0  }
0x29: {  	s22 =	simm.s32 $0x0;
	[sflag:s19] =	ssyncadd.s32 $0xFFFFE000  }
0x2a: {  	v5 =	vld [tilespmem:s22+$0x4C00]  }
0x2b: {  	v4 =	vld [tilespmem:s22+$0x4C10]  }
0x2c: {  	v3 =	vld [tilespmem:s22+$0x4C20]  }
0x2d: {  	v2 =	vld [tilespmem:s22+$0x4C30]  }
0x2e: {  	v1 =	vld [tilespmem:s22+$0x4C40]  }
0x2f: {  	v0 =	vld [tilespmem:s22+$0x4C50]  }
0x30: {  	v12 =	vld [tilespmem:s22+$0x2C00]  }
0x31: {  	v17 =	vld [tilespmem:s22+$0x2C10]  }
0x32: {  	v11 =	vld [tilespmem:s22+$0x2C20]  }
0x33: {  	v10 =	vld [tilespmem:s22+$0x2C30]  }
0x34: {  	v9 =	vld [tilespmem:s22+$0x2C40]  }
0x35: {  	v8 =	vld [tilespmem:s22+$0x2C50]  }
0x36: {  	v7 =	vld [tilespmem:s22+$0x2C60]  }
0x37: {  	v6 =	vld [tilespmem:s22+$0x2C70]  }
0x38: {  	v18 =	vld [tilespmem:s22+$0xC00]  }
0x39: {  	v19 =	vld [tilespmem:s22+$0xC10]  }
0x3a: {  	v16 =	vld [tilespmem:s22+$0xC20]  }
0x3b: {  	v15 =	vld [tilespmem:s22+$0xC30]  }
0x3c: {  	v14 =	vld [tilespmem:s22+$0xC40]  }
0x3d: {  	v13 =	vld [tilespmem:s22+$0xC50];
	v18 =	vadd.f32 v12, v18  }
0x3e: {  	s23 =	simm.s32 $0x200;
	v17 =	vadd.f32 v17, v19;
	v12 =	vld [tilespmem:s22+$0xC60]  }
.LBB2_3:
0x3f: {  	p0 =	sne.s32 s23, $0x7E00;
	v5 =	vadd.f32 v5, v18;
	v11 =	vadd.f32 v11, v16;
	v16 =	vld [tilespmem:s22+$0xC70]  }
0x40: {  	v4 =	vadd.f32 v4, v17;
	v10 =	vadd.f32 v10, v15;
	v15 =	vld [tilespmem:s22+$0x4C60]  }
0x41: {  	s24 =	sshra.s32 s23, $0x2;
	[tilespmem:s22+$0xC00] =	vst v5;
	v3 =	vadd.f32 v3, v11;
	v9 =	vadd.f32 v9, v14;
	v11 =	vld [tilespmem:s22+$0x4C70]  }
0x42: {  	v5 =	vld [tilespmem:s24+$0x4C00];
	[tilespmem:s22+$0xC10] =	vst v4;
	v2 =	vadd.f32 v2, v10;
	v8 =	vadd.f32 v8, v13  }
0x43: {  	v4 =	vld [tilespmem:s24+$0x4C10];
	[tilespmem:s22+$0xC20] =	vst v3;
	v1 =	vadd.f32 v1, v9;
	v7 =	vadd.f32 v7, v12  }
0x44: {  	v3 =	vld [tilespmem:s24+$0x4C20];
	[tilespmem:s22+$0xC30] =	vst v2;
	v0 =	vadd.f32 v0, v8;
	v6 =	vadd.f32 v6, v16  }
0x45: {  	v2 =	vld [tilespmem:s24+$0x4C30];
	[tilespmem:s22+$0xC40] =	vst v1;
	v7 =	vadd.f32 v15, v7  }
0x46: {  	v1 =	vld [tilespmem:s24+$0x4C40];
	[tilespmem:s22+$0xC50] =	vst v0;
	v6 =	vadd.f32 v11, v6  }
0x47: {  	v0 =	vld [tilespmem:s24+$0x4C50];
	[tilespmem:s22+$0xC60] =	vst v7  }
0x48: {  	v12 =	vld [tilespmem:s24+$0x2C00];
	[tilespmem:s22+$0xC70] =	vst v6;
	s22 =	smov.u32 s24  }
0x49: {  	v17 =	vld [tilespmem:s22+$0x2C10]  }
0x4a: {  	v11 =	vld [tilespmem:s22+$0x2C20]  }
0x4b: {  	v10 =	vld [tilespmem:s22+$0x2C30]  }
0x4c: {  	v9 =	vld [tilespmem:s22+$0x2C40]  }
0x4d: {  	v8 =	vld [tilespmem:s22+$0x2C50]  }
0x4e: {  	v7 =	vld [tilespmem:s22+$0x2C60]  }
0x4f: {  	v6 =	vld [tilespmem:s22+$0x2C70]  }
0x50: {  	v13 =	vld [tilespmem:s22+$0xC00]  }
0x51: {  	v19 =	vld [tilespmem:s22+$0xC10]  }
.Ltmp0:
0x52: {  	v16 =	vld [tilespmem:s22+$0xC20];
	(pc) =	sbr.rel @p0 .LBB2_3-.Ltmp0, $4  }
0x53: {  	v15 =	vld [tilespmem:s22+$0xC30]  }
0x54: {  	v14 =	vld [tilespmem:s22+$0xC40]  }
0x55: {  	v18 =	vadd.f32 v12, v13;
	v13 =	vld [tilespmem:s22+$0xC50]  }
0x56: {  	s23 =	sadd.s32 $0x200, s23;
	v17 =	vadd.f32 v17, v19;
	v12 =	vld [tilespmem:s22+$0xC60]  }
0x57: {  	v5 =	vadd.f32 v5, v18;
	v55 =	vld [tilespmem:s22+$0xC70];
	v11 =	vadd.f32 v11, v16  }
0x58: {  	v56 =	vld [tilespmem:s22+$0x4C60];
	v4 =	vadd.f32 v4, v17;
	v10 =	vadd.f32 v10, v15  }
0x59: {  	v58 =	vld [tilespmem:s22+$0x4C70];
	[tilespmem:s22+$0xC00] =	vst v5;
	v3 =	vadd.f32 v3, v11;
	v57 =	vadd.f32 v9, v14  }
0x5a: {  	[tilespmem:s22+$0xC10] =	vst v4;
	v2 =	vadd.f32 v2, v10;
	v59 =	vadd.f32 v8, v13  }
0x5b: {  	[tilespmem:s22+$0xC20] =	vst v3;
	v1 =	vadd.f32 v1, v57;
	v60 =	vadd.f32 v7, v12  }
0x5c: {  	[tilespmem:s22+$0xC30] =	vst v2;
	v0 =	vadd.f32 v0, v59;
	v61 =	vadd.f32 v6, v55  }
0x5d: {  	s23 =	sshll.u32 s21, $0xD;
	[tilespmem:s22+$0xC40] =	vst v1;
	v62 =	vadd.f32 v56, v60  }
0x5e: {  	s21 =	sadd.s32 $0x1, s21;
	s23 =	sadd.s32 s10, s23;
	[tilespmem:s22+$0xC50] =	vst v0;
	v63 =	vadd.f32 v58, v61  }
0x5f: {  	p0 =	sne.s32 s21, $0x5;
	s23 =	sshrl.u32 s23, $0x3;
	[tilespmem:s22+$0xC60] =	vst v62  }
.Ltmp1:
0x60: {  	s31 =	sadd.s32 s6, s23;
	[tilespmem:s22+$0xC70] =	vst v63;
	(pc) =	sbr.rel @p0 .LBB2_2-.Ltmp1, $4  }
0x61: {  	[hbm4b:s31+s5] =	stream.linear.scatter [tilespmem:s16], [sflag:$0x2], $0x2000, $0x38;
	[tilespmem:$0x6C00] =	vst v63  }
0x62: {  	_ =	swait.ge [sflag:s12], $0x2000  }
0x63: {  	[sflag:s12] =	ssyncset.done $0x0  }
0x64: {  	[sflag:s12] =	ssyncadd.s32 $0xFFFFE000  }
0x65: {  	s20 =	sadd.s32 $0x1, s20  }
0x66: {  	p0 =	sne.s32 s20, s11  }
.Ltmp2:
0x67: {  	_ = 	snop;
	(pc) =	sbr.rel @p0 .LBB2_1-.Ltmp2, $1  }
0x68: {  	_ =	sdelay $0x3  }
0x69: {  	_ =	sfence.sel $0x180000  }
0x6a: {  	[bflag:$0x0] =	sbarrier.arrive $0xFFFF  }
0x6b: {  	p0 =	sne.s32 s2, $0x0;
	_ =	strace $0x90000047  }
0x6c: {  	s0 =	sadd.s32 @!p0 $0x100000, s0;
	[bflag:$0x2] =	sbarrier.arrive $0xFFFF  }
0x6d: {  	[sflag:s0] =	ssyncadd.tile.s32 @!p0 $0x1;
	_ =	shalt  }
.Lfunc_end2:
_tile_overlayer_lowered:
.L_overlay_start_2:
0x6e: {  	(tag) =	ssettag $0x2  }
0x6f: {  	s0 =	rddreg [dreg:$0x0];
	s2 =	stileid.u32  }
0x70: {  	s1 =	rddreg [dreg:$0x1];
	p0 =	sne.s32 s2, $0x0  }
0x71: {  	s3 =	rddreg [dreg:$0x2];
	[bflag:$0x3] =	sbarrier.arrive $0xFFFF;
	s2 =	simm.s32 @!p0 $0x1C02  }
0x72: {  	[timem:s3], [sflag:s2] =	dma.local @!p0 [hbm:s0], s1  }
0x73: {  	s0 =	simm.s32 @!p0 $0x2  }
0x74: {  	_ =	swait.ge @!p0 [sflag:s0], s1  }
0x75: {  	s1 =	ssub.s32 @!p0 $0x0, s1;
	[sflag:s0] =	ssyncset.done @!p0 $0x0  }
0x76: {  	[sflag:s0] =	ssyncadd.s32 @!p0 s1  }
0x77: {  	[bflag:$0x3] =	sbarrier.arrive $0xFFFF  }
0x78: {  	_ =	shalt  }

</sc_bundles>
